<compile_context>
chip_gen: v7x
topology: tpu7x:2x2x1
jax: 0.10.2.dev20260603
libtpu: 0.0.44.dev20260713+nightly
codegen_flags: <defaults>
</compile_context>

<pallas_src>
import dataclasses
import functools

import jax
import jax.numpy as jnp
from jax import lax
from jax.experimental import pallas as pl
from jax.experimental.pallas import tpu as pltpu
from jax.experimental.pallas import tpu_sc as plsc

N_NODES = 10000
N_EDGES = 320000
D_FEAT = 128

NC = 2
NS = 16
NW = NC * NS
L = 16

E_PER_TILE = N_EDGES // NW
W = 80
NWIN = E_PER_TILE // W
GROUPS = W // L


def _sc_body(x_hbm, src_hbm, dst_hbm, dist_hbm, dir_hbm,
             idx_s, idx_d, a_ref, b_ref, dist_v, sem_in, sem_out):
    wid = lax.axis_index("s") * NC + lax.axis_index("c")
    tile_base = wid * E_PER_TILE
    lanes = lax.broadcasted_iota(jnp.int32, (L,), 0)

    pltpu.sync_copy(src_hbm.at[pl.ds(tile_base, E_PER_TILE)], idx_s)
    pltpu.sync_copy(dst_hbm.at[pl.ds(tile_base, E_PER_TILE)], idx_d)

    def _gather_start(w, off):
        pltpu.async_copy(x_hbm.at[idx_s.at[pl.ds(w * W, W)]],
                         a_ref.at[pl.ds(off, W)], sem_in)
        pltpu.async_copy(x_hbm.at[idx_d.at[pl.ds(w * W, W)]],
                         b_ref.at[pl.ds(off, W)], sem_in)

    def _compute_window(off):
        @pl.loop(0, GROUPS)
        def _group(g):
            rows = off + g * L + lanes

            cols = [jnp.full((L,), j, jnp.int32) for j in range(D_FEAT)]
            accs = [jnp.zeros((L,), jnp.float32) for _ in range(4)]
            DEPTH = 4
            avq = [plsc.load_gather(a_ref, [rows, cols[j]])
                   for j in range(DEPTH)]
            bvq = [plsc.load_gather(b_ref, [rows, cols[j]])
                   for j in range(DEPTH)]
            for j in range(D_FEAT):
                if j + DEPTH < D_FEAT:
                    avq.append(plsc.load_gather(a_ref, [rows, cols[j + DEPTH]]))
                    bvq.append(plsc.load_gather(b_ref, [rows, cols[j + DEPTH]]))
                r = avq[j] - bvq[j]
                plsc.store_scatter(a_ref, [rows, cols[j]], r)
                accs[j % 4] = accs[j % 4] + r * r
            s = (accs[0] + accs[1]) + (accs[2] + accs[3])

            i = plsc.bitcast(s, jnp.int32)
            i = jnp.int32(0x5F3759DF) - lax.shift_right_logical(i, 1)
            y = plsc.bitcast(i, jnp.float32)
            half_s = s * 0.5
            for _ in range(3):
                y = y * (1.5 - half_s * y * y)
            dist = s * y
            dist = jnp.where(s > 0.0, dist, 0.0)
            dist_v[pl.ds(off + g * L, L)] = dist
            inv = 1.0 / (1.0 + dist)

            rq = [plsc.load_gather(a_ref, [rows, cols[j]])
                  for j in range(DEPTH)]
            for j in range(D_FEAT):
                if j + DEPTH < D_FEAT:
                    rq.append(plsc.load_gather(a_ref, [rows, cols[j + DEPTH]]))
                plsc.store_scatter(a_ref, [rows, cols[j]], rq[j] * inv)

    _gather_start(0, 0)

    @pl.loop(0, NWIN)
    def _window(w):
        off = (w & 1) * W
        offn = W - off
        base = tile_base + w * W

        pltpu.make_async_copy(x_hbm.at[pl.ds(0, W)],
                              a_ref.at[pl.ds(off, W)], sem_in).wait()
        pltpu.make_async_copy(x_hbm.at[pl.ds(0, W)],
                              b_ref.at[pl.ds(off, W)], sem_in).wait()

        @pl.when(w >= 1)
        def _retire():
            pltpu.make_async_copy(dist_v.at[pl.ds(offn, W)],
                                  dist_hbm.at[pl.ds(tile_base, W)],
                                  sem_out).wait()
            pltpu.make_async_copy(a_ref.at[pl.ds(offn, W)],
                                  dir_hbm.at[pl.ds(tile_base, W)],
                                  sem_out).wait()

        @pl.when(w + 1 < NWIN)
        def _prefetch():
            _gather_start(w + 1, offn)

        _compute_window(off)

        pltpu.async_copy(dist_v.at[pl.ds(off, W)],
                         dist_hbm.at[pl.ds(base, W)], sem_out)
        pltpu.async_copy(a_ref.at[pl.ds(off, W)],
                         dir_hbm.at[pl.ds(base, W)], sem_out)

    fin = ((NWIN - 1) & 1) * W
    pltpu.make_async_copy(dist_v.at[pl.ds(fin, W)],
                          dist_hbm.at[pl.ds(tile_base, W)], sem_out).wait()
    pltpu.make_async_copy(a_ref.at[pl.ds(fin, W)],
                          dir_hbm.at[pl.ds(tile_base, W)], sem_out).wait()


@jax.jit
def kernel(x, edge_index):
    src = edge_index[0].astype(jnp.int32)
    dst = edge_index[1].astype(jnp.int32)

    mesh = plsc.VectorSubcoreMesh(core_axis_name="c", subcore_axis_name="s")
    cp = pltpu.CompilerParams()
    if "needs_layout_passes" in pltpu.CompilerParams.__dataclass_fields__:
        cp = dataclasses.replace(cp, needs_layout_passes=False)
    sc_kernel = pl.kernel(
        _sc_body,
        compiler_params=cp,
        out_type=(
            jax.ShapeDtypeStruct((N_EDGES,), jnp.float32),
            jax.ShapeDtypeStruct((N_EDGES, D_FEAT), jnp.float32),
        ),
        mesh=mesh,
        scratch_types=[
            pltpu.VMEM((E_PER_TILE,), jnp.int32),
            pltpu.VMEM((E_PER_TILE,), jnp.int32),
            pltpu.VMEM((2 * W, D_FEAT), jnp.float32),
            pltpu.VMEM((2 * W, D_FEAT), jnp.float32),
            pltpu.VMEM((2 * W,), jnp.float32),
            pltpu.SemaphoreType.DMA,
            pltpu.SemaphoreType.DMA,
        ],
    )
    edge_dist, edge_dir = sc_kernel(x, src, dst)
    return edge_dist, edge_dir

# --- scband reference (transcript-rebuilt; emitter-appended) ---
"""Pipeline reference for scband-add-edges-10187662426876 (READ-ONLY COPY).

The authoritative reference and input builder live on the scoring server;
editing this copy changes nothing except your own understanding.
"""

import jax, jax.numpy as jnp
import numpy as np

N_NODES = 10000
N_EDGES = 320000
D_FEAT = 128

def setup_inputs(seed: int = 0) -> dict:
    key = jax.random.key(seed)
    k1, k2, k3 = jax.random.split(key, 3)
    x = jax.random.normal(k1, (N_NODES, D_FEAT), dtype=jnp.float32)
    # Build edge_index with no self-loops so edge_dist > 0 (radius_graph never
    # produces self-loops; also keeps grads well-defined in the bwd variant).
    src = jax.random.randint(k2, (N_EDGES,), 0, N_NODES, dtype=jnp.int64)
    off = jax.random.randint(k3, (N_EDGES,), 1, N_NODES, dtype=jnp.int64)
    dst = (src + off) % N_NODES
    edge_index = jnp.stack([src, dst], axis=0)
    return {"x": x, "edge_index": edge_index}

def reference(x, edge_index):
    # AddEdges.add_edges with should_generate_edge_index=False:
    # gather endpoint features, compute pairwise displacement, distance, and
    # normalized direction r / (1 + |r|).
    r = jnp.take(x, edge_index[0], axis=0) - jnp.take(x, edge_index[1], axis=0)
    edge_dist = jnp.sqrt(jnp.sum(r * r, axis=-1))
    edge_dir = r / (1.0 + edge_dist[:, None])
    return edge_dist, edge_dir

if __name__ == "__main__":
    import jax
    _d = setup_inputs()
    print(jax.jit(kernel)(*tuple(_d.values())))

</pallas_src>

<mosaic_0001>
#map = affine_map<(d0, d1) -> (0, 0)>
#map1 = affine_map<(d0, d1) -> (0)>
module attributes {stable_mosaic.version = 14 : i64} {
  func.func @_sc_body(%arg0: i32, %arg1: i32, %arg2: memref<10000x128xf32, #tpu.memory_space<hbm>>, %arg3: memref<320000xi32, #tpu.memory_space<hbm>>, %arg4: memref<320000xi32, #tpu.memory_space<hbm>>, %arg5: memref<320000xf32, #tpu.memory_space<hbm>>, %arg6: memref<320000x128xf32, #tpu.memory_space<hbm>>, %arg7: memref<10000xi32, #tpu.memory_space<vmem>>, %arg8: memref<10000xi32, #tpu.memory_space<vmem>>, %arg9: memref<160x128xf32, #tpu.memory_space<vmem>>, %arg10: memref<160x128xf32, #tpu.memory_space<vmem>>, %arg11: memref<160xf32, #tpu.memory_space<vmem>>, %arg12: memref<!tpu.dma_semaphore, #tpu.memory_space<semaphore_mem>>, %arg13: memref<!tpu.dma_semaphore, #tpu.memory_space<semaphore_mem>>) attributes {dimension_semantics = [#tpu.dimension_semantics<core_parallel>, #tpu.dimension_semantics<subcore_parallel>], iteration_bounds = array<i64: 2, 16>, scalar_prefetch = 0 : i64, scratch_operands = 7 : i64, tpu.core_type = #tpu.core_type<sc_vector_subcore>, window_params = [{transform_indices = #map}, {transform_indices = #map1}, {transform_indices = #map1}, {transform_indices = #map1}, {transform_indices = #map}]} {
    %mul3A = arith.constant 2 : i32
    %mul3A_0 = arith.muli %arg1, %mul3A : i32
    %add3A = arith.addi %mul3A_0, %arg0 : i32
    %mul3A_1 = arith.constant 10000 : i32
    %mul3A_2 = arith.muli %add3A, %mul3A_1 : i32
    %iota3A = tpu.iota {dimensions = array<i32: 0>} : vector<16xi32>
    "tpu.region"() ({
      %run_scoped3A = tpu.sem_alloc : memref<!tpu.dma_semaphore, #tpu.memory_space<semaphore_mem>>
      %dma_start3A_37 = tpu.memref_slice %arg3[%mul3A_2] : memref<320000xi32, #tpu.memory_space<hbm>> -> memref<10000xi32, #tpu.memory_space<hbm>>
      %dma_start3A_38 = tpu.memref_slice %arg3[%mul3A_2] : memref<320000xi32, #tpu.memory_space<hbm>> -> memref<10000xi32, #tpu.memory_space<hbm>>
      tpu.enqueue_dma source(%dma_start3A_38 : memref<10000xi32, #tpu.memory_space<hbm>>) target(%arg7 : memref<10000xi32, #tpu.memory_space<vmem>>) target_semaphore(%run_scoped3A : memref<!tpu.dma_semaphore, #tpu.memory_space<semaphore_mem>>)
      %dma_wait3A_39 = tpu.memref_slice %arg3[%mul3A_2] : memref<320000xi32, #tpu.memory_space<hbm>> -> memref<10000xi32, #tpu.memory_space<hbm>>
      %dma_wait3A_40 = tpu.memref_slice %arg3[%mul3A_2] : memref<320000xi32, #tpu.memory_space<hbm>> -> memref<10000xi32, #tpu.memory_space<hbm>>
      tpu.wait_dma2 semaphore(%run_scoped3A : memref<!tpu.dma_semaphore, #tpu.memory_space<semaphore_mem>>) src(%dma_wait3A_40 : memref<10000xi32, #tpu.memory_space<hbm>>) dst(%arg7 : memref<10000xi32, #tpu.memory_space<vmem>>)
      tpu.yield
    }) : () -> ()
    "tpu.region"() ({
      %run_scoped3A = tpu.sem_alloc : memref<!tpu.dma_semaphore, #tpu.memory_space<semaphore_mem>>
      %dma_start3A_37 = tpu.memref_slice %arg4[%mul3A_2] : memref<320000xi32, #tpu.memory_space<hbm>> -> memref<10000xi32, #tpu.memory_space<hbm>>
      %dma_start3A_38 = tpu.memref_slice %arg4[%mul3A_2] : memref<320000xi32, #tpu.memory_space<hbm>> -> memref<10000xi32, #tpu.memory_space<hbm>>
      tpu.enqueue_dma source(%dma_start3A_38 : memref<10000xi32, #tpu.memory_space<hbm>>) target(%arg8 : memref<10000xi32, #tpu.memory_space<vmem>>) target_semaphore(%run_scoped3A : memref<!tpu.dma_semaphore, #tpu.memory_space<semaphore_mem>>)
      %dma_wait3A_39 = tpu.memref_slice %arg4[%mul3A_2] : memref<320000xi32, #tpu.memory_space<hbm>> -> memref<10000xi32, #tpu.memory_space<hbm>>
      %dma_wait3A_40 = tpu.memref_slice %arg4[%mul3A_2] : memref<320000xi32, #tpu.memory_space<hbm>> -> memref<10000xi32, #tpu.memory_space<hbm>>
      tpu.wait_dma2 semaphore(%run_scoped3A : memref<!tpu.dma_semaphore, #tpu.memory_space<semaphore_mem>>) src(%dma_wait3A_40 : memref<10000xi32, #tpu.memory_space<hbm>>) dst(%arg8 : memref<10000xi32, #tpu.memory_space<vmem>>)
      tpu.yield
    }) : () -> ()
    %dma_start3A = arith.constant 0 : i32
    %dma_start3A_3 = arith.constant 0 : i32
    %dma_start3A_4 = tpu.memref_slice %arg9[%dma_start3A, %dma_start3A_3] : memref<160x128xf32, #tpu.memory_space<vmem>> -> memref<80x128xf32, #tpu.memory_space<vmem>>
    %dma_start3A_5 = arith.constant 0 : i32
    %dma_start3A_6 = tpu.memref_slice %arg7[%dma_start3A_5] : memref<10000xi32, #tpu.memory_space<vmem>> -> memref<80xi32, #tpu.memory_space<vmem>>
    %dma_start3A_7 = arith.constant 0 : i32
    %dma_start3A_8 = arith.constant 0 : i32
    %dma_start3A_9 = tpu.memref_slice %arg2[%dma_start3A_7, %dma_start3A_8] : memref<10000x128xf32, #tpu.memory_space<hbm>> -> memref<10000x128xf32, #tpu.memory_space<hbm>>
    tpu.enqueue_indirect_dma source(%dma_start3A_9 : memref<10000x128xf32, #tpu.memory_space<hbm>>) target(%dma_start3A_4 : memref<80x128xf32, #tpu.memory_space<vmem>>) offsets(%dma_start3A_6 : memref<80xi32, #tpu.memory_space<vmem>>) semaphore(%arg12 : memref<!tpu.dma_semaphore, #tpu.memory_space<semaphore_mem>>)
    %dma_start3A_10 = arith.constant 0 : i32
    %dma_start3A_11 = arith.constant 0 : i32
    %dma_start3A_12 = tpu.memref_slice %arg10[%dma_start3A_10, %dma_start3A_11] : memref<160x128xf32, #tpu.memory_space<vmem>> -> memref<80x128xf32, #tpu.memory_space<vmem>>
    %dma_start3A_13 = arith.constant 0 : i32
    %dma_start3A_14 = tpu.memref_slice %arg8[%dma_start3A_13] : memref<10000xi32, #tpu.memory_space<vmem>> -> memref<80xi32, #tpu.memory_space<vmem>>
    %dma_start3A_15 = arith.constant 0 : i32
    %dma_start3A_16 = arith.constant 0 : i32
    %dma_start3A_17 = tpu.memref_slice %arg2[%dma_start3A_15, %dma_start3A_16] : memref<10000x128xf32, #tpu.memory_space<hbm>> -> memref<10000x128xf32, #tpu.memory_space<hbm>>
    tpu.enqueue_indirect_dma source(%dma_start3A_17 : memref<10000x128xf32, #tpu.memory_space<hbm>>) target(%dma_start3A_12 : memref<80x128xf32, #tpu.memory_space<vmem>>) offsets(%dma_start3A_14 : memref<80xi32, #tpu.memory_space<vmem>>) semaphore(%arg12 : memref<!tpu.dma_semaphore, #tpu.memory_space<semaphore_mem>>)
    %scan3A = arith.constant 0 : i32
    %scan3A_18 = arith.constant 125 : i32
    %scan3A_19 = arith.addi %scan3A, %scan3A_18 : i32
    %scan3A_20 = arith.constant 1 : i32
    scf.for %scan3A_37 = %scan3A to %scan3A_19 step %scan3A_20  : i32 {
      %mul3A_38 = arith.constant 1 : i32
      %mul3A_39 = arith.muli %scan3A_37, %mul3A_38 : i32
      %add3A_40 = arith.constant 0 : i32
      %add3A_41 = arith.addi %add3A_40, %mul3A_39 : i32
      %and3A = arith.constant 1 : i32
      %and3A_42 = arith.andi %add3A_41, %and3A : i32
      %mul3A_43 = arith.constant 80 : i32
      %mul3A_44 = arith.muli %and3A_42, %mul3A_43 : i32
      %sub3A = arith.constant 80 : i32
      %sub3A_45 = arith.subi %sub3A, %mul3A_44 : i32
      %mul3A_46 = arith.constant 80 : i32
      %mul3A_47 = arith.muli %add3A_41, %mul3A_46 : i32
      %add3A_48 = arith.addi %mul3A_2, %mul3A_47 : i32
      %dma_wait3A_49 = arith.constant 0 : i32
      %dma_wait3A_50 = tpu.memref_slice %arg9[%mul3A_44, %dma_wait3A_49] : memref<160x128xf32, #tpu.memory_space<vmem>> -> memref<80x128xf32, #tpu.memory_space<vmem>>
      %dma_wait3A_51 = arith.constant 0 : i32
      %dma_wait3A_52 = arith.constant 0 : i32
      %dma_wait3A_53 = tpu.memref_slice %arg2[%dma_wait3A_51, %dma_wait3A_52] : memref<10000x128xf32, #tpu.memory_space<hbm>> -> memref<80x128xf32, #tpu.memory_space<hbm>>
      %dma_wait3A_54 = arith.constant 0 : i32
      %dma_wait3A_55 = tpu.memref_slice %arg9[%mul3A_44, %dma_wait3A_54] : memref<160x128xf32, #tpu.memory_space<vmem>> -> memref<80x128xf32, #tpu.memory_space<vmem>>
      %dma_wait3A_56 = arith.constant 0 : i32
      %dma_wait3A_57 = arith.constant 0 : i32
      %dma_wait3A_58 = tpu.memref_slice %arg2[%dma_wait3A_56, %dma_wait3A_57] : memref<10000x128xf32, #tpu.memory_space<hbm>> -> memref<80x128xf32, #tpu.memory_space<hbm>>
      tpu.wait_dma2 semaphore(%arg12 : memref<!tpu.dma_semaphore, #tpu.memory_space<semaphore_mem>>) src(%dma_wait3A_58 : memref<80x128xf32, #tpu.memory_space<hbm>>) dst(%dma_wait3A_55 : memref<80x128xf32, #tpu.memory_space<vmem>>)
      %dma_wait3A_59 = arith.constant 0 : i32
      %dma_wait3A_60 = tpu.memref_slice %arg10[%mul3A_44, %dma_wait3A_59] : memref<160x128xf32, #tpu.memory_space<vmem>> -> memref<80x128xf32, #tpu.memory_space<vmem>>
      %dma_wait3A_61 = arith.constant 0 : i32
      %dma_wait3A_62 = arith.constant 0 : i32
      %dma_wait3A_63 = tpu.memref_slice %arg2[%dma_wait3A_61, %dma_wait3A_62] : memref<10000x128xf32, #tpu.memory_space<hbm>> -> memref<80x128xf32, #tpu.memory_space<hbm>>
      %dma_wait3A_64 = arith.constant 0 : i32
      %dma_wait3A_65 = tpu.memref_slice %arg10[%mul3A_44, %dma_wait3A_64] : memref<160x128xf32, #tpu.memory_space<vmem>> -> memref<80x128xf32, #tpu.memory_space<vmem>>
      %dma_wait3A_66 = arith.constant 0 : i32
      %dma_wait3A_67 = arith.constant 0 : i32
      %dma_wait3A_68 = tpu.memref_slice %arg2[%dma_wait3A_66, %dma_wait3A_67] : memref<10000x128xf32, #tpu.memory_space<hbm>> -> memref<80x128xf32, #tpu.memory_space<hbm>>
      tpu.wait_dma2 semaphore(%arg12 : memref<!tpu.dma_semaphore, #tpu.memory_space<semaphore_mem>>) src(%dma_wait3A_68 : memref<80x128xf32, #tpu.memory_space<hbm>>) dst(%dma_wait3A_65 : memref<80x128xf32, #tpu.memory_space<vmem>>)
      %ge3A = arith.constant 1 : i32
      %ge3A_69 = arith.cmpi sge, %add3A_41, %ge3A : i32
      %convert_element_type3A = arith.extui %ge3A_69 : i1 to i32
      %cond3A = arith.constant 0 : i32
      %cond3A_70 = arith.cmpi ne, %convert_element_type3A, %cond3A : i32
      scf.if %cond3A_70 {
        %dma_wait3A_94 = tpu.memref_slice %arg11[%sub3A_45] : memref<160xf32, #tpu.memory_space<vmem>> -> memref<80xf32, #tpu.memory_space<vmem>>
        %dma_wait3A_95 = tpu.memref_slice %arg5[%mul3A_2] : memref<320000xf32, #tpu.memory_space<hbm>> -> memref<80xf32, #tpu.memory_space<hbm>>
        %dma_wait3A_96 = tpu.memref_slice %arg5[%mul3A_2] : memref<320000xf32, #tpu.memory_space<hbm>> -> memref<80xf32, #tpu.memory_space<hbm>>
        %dma_wait3A_97 = tpu.memref_slice %arg11[%sub3A_45] : memref<160xf32, #tpu.memory_space<vmem>> -> memref<80xf32, #tpu.memory_space<vmem>>
        tpu.wait_dma2 semaphore(%arg13 : memref<!tpu.dma_semaphore, #tpu.memory_space<semaphore_mem>>) src(%dma_wait3A_97 : memref<80xf32, #tpu.memory_space<vmem>>) dst(%dma_wait3A_96 : memref<80xf32, #tpu.memory_space<hbm>>)
        %dma_wait3A_98 = arith.constant 0 : i32
        %dma_wait3A_99 = tpu.memref_slice %arg9[%sub3A_45, %dma_wait3A_98] : memref<160x128xf32, #tpu.memory_space<vmem>> -> memref<80x128xf32, #tpu.memory_space<vmem>>
        %dma_wait3A_100 = arith.constant 0 : i32
        %dma_wait3A_101 = tpu.memref_slice %arg6[%mul3A_2, %dma_wait3A_100] : memref<320000x128xf32, #tpu.memory_space<hbm>> -> memref<80x128xf32, #tpu.memory_space<hbm>>
        %dma_wait3A_102 = arith.constant 0 : i32
        %dma_wait3A_103 = tpu.memref_slice %arg6[%mul3A_2, %dma_wait3A_102] : memref<320000x128xf32, #tpu.memory_space<hbm>> -> memref<80x128xf32, #tpu.memory_space<hbm>>
        %dma_wait3A_104 = arith.constant 0 : i32
        %dma_wait3A_105 = tpu.memref_slice %arg9[%sub3A_45, %dma_wait3A_104] : memref<160x128xf32, #tpu.memory_space<vmem>> -> memref<80x128xf32, #tpu.memory_space<vmem>>
        tpu.wait_dma2 semaphore(%arg13 : memref<!tpu.dma_semaphore, #tpu.memory_space<semaphore_mem>>) src(%dma_wait3A_105 : memref<80x128xf32, #tpu.memory_space<vmem>>) dst(%dma_wait3A_103 : memref<80x128xf32, #tpu.memory_space<hbm>>)
      } else {
      }
      %add3A_71 = arith.constant 1 : i32
      %add3A_72 = arith.addi %add3A_41, %add3A_71 : i32
      %lt3A = arith.constant 125 : i32
      %lt3A_73 = arith.cmpi slt, %add3A_72, %lt3A : i32
      %convert_element_type3A_74 = arith.extui %lt3A_73 : i1 to i32
      %cond3A_75 = arith.constant 0 : i32
      %cond3A_76 = arith.cmpi ne, %convert_element_type3A_74, %cond3A_75 : i32
      scf.if %cond3A_76 {
        %add3A_94 = arith.constant 1 : i32
        %add3A_95 = arith.addi %add3A_41, %add3A_94 : i32
        %mul3A_96 = arith.constant 80 : i32
        %mul3A_97 = arith.muli %add3A_95, %mul3A_96 : i32
        %dma_start3A_98 = arith.constant 0 : i32
        %dma_start3A_99 = tpu.memref_slice %arg9[%sub3A_45, %dma_start3A_98] : memref<160x128xf32, #tpu.memory_space<vmem>> -> memref<80x128xf32, #tpu.memory_space<vmem>>
        %dma_start3A_100 = tpu.memref_slice %arg7[%mul3A_97] : memref<10000xi32, #tpu.memory_space<vmem>> -> memref<80xi32, #tpu.memory_space<vmem>>
        %dma_start3A_101 = arith.constant 0 : i32
        %dma_start3A_102 = arith.constant 0 : i32
        %dma_start3A_103 = tpu.memref_slice %arg2[%dma_start3A_101, %dma_start3A_102] : memref<10000x128xf32, #tpu.memory_space<hbm>> -> memref<10000x128xf32, #tpu.memory_space<hbm>>
        tpu.enqueue_indirect_dma source(%dma_start3A_103 : memref<10000x128xf32, #tpu.memory_space<hbm>>) target(%dma_start3A_99 : memref<80x128xf32, #tpu.memory_space<vmem>>) offsets(%dma_start3A_100 : memref<80xi32, #tpu.memory_space<vmem>>) semaphore(%arg12 : memref<!tpu.dma_semaphore, #tpu.memory_space<semaphore_mem>>)
        %mul3A_104 = arith.constant 80 : i32
        %mul3A_105 = arith.muli %add3A_95, %mul3A_104 : i32
        %dma_start3A_106 = arith.constant 0 : i32
        %dma_start3A_107 = tpu.memref_slice %arg10[%sub3A_45, %dma_start3A_106] : memref<160x128xf32, #tpu.memory_space<vmem>> -> memref<80x128xf32, #tpu.memory_space<vmem>>
        %dma_start3A_108 = tpu.memref_slice %arg8[%mul3A_105] : memref<10000xi32, #tpu.memory_space<vmem>> -> memref<80xi32, #tpu.memory_space<vmem>>
        %dma_start3A_109 = arith.constant 0 : i32
        %dma_start3A_110 = arith.constant 0 : i32
        %dma_start3A_111 = tpu.memref_slice %arg2[%dma_start3A_109, %dma_start3A_110] : memref<10000x128xf32, #tpu.memory_space<hbm>> -> memref<10000x128xf32, #tpu.memory_space<hbm>>
        tpu.enqueue_indirect_dma source(%dma_start3A_111 : memref<10000x128xf32, #tpu.memory_space<hbm>>) target(%dma_start3A_107 : memref<80x128xf32, #tpu.memory_space<vmem>>) offsets(%dma_start3A_108 : memref<80xi32, #tpu.memory_space<vmem>>) semaphore(%arg12 : memref<!tpu.dma_semaphore, #tpu.memory_space<semaphore_mem>>)
      } else {
      }
      %scan3A_77 = arith.constant 0 : i32
      %scan3A_78 = arith.constant 5 : i32
      %scan3A_79 = arith.addi %scan3A_77, %scan3A_78 : i32
      %scan3A_80 = arith.constant 1 : i32
      scf.for %scan3A_94 = %scan3A_77 to %scan3A_79 step %scan3A_80  : i32 {
        %mul3A_95 = arith.constant 1 : i32
        %mul3A_96 = arith.muli %scan3A_94, %mul3A_95 : i32
        %add3A_97 = arith.constant 0 : i32
        %add3A_98 = arith.addi %add3A_97, %mul3A_96 : i32
        %mul3A_99 = arith.constant 16 : i32
        %mul3A_100 = arith.muli %add3A_98, %mul3A_99 : i32
        %add3A_101 = arith.addi %mul3A_44, %mul3A_100 : i32
        %add3A_102 = vector.broadcast %add3A_101 : i32 to vector<16xi32>
        %add3A_103 = arith.addi %add3A_102, %iota3A : vector<16xi32>
        %broadcast_in_dim3A = arith.constant 0 : i32
        %broadcast_in_dim3A_104 = vector.broadcast %broadcast_in_dim3A : i32 to vector<16xi32>
        %broadcast_in_dim3A_105 = arith.constant 1 : i32
        %broadcast_in_dim3A_106 = vector.broadcast %broadcast_in_dim3A_105 : i32 to vector<16xi32>
        %broadcast_in_dim3A_107 = arith.constant 2 : i32
        %broadcast_in_dim3A_108 = vector.broadcast %broadcast_in_dim3A_107 : i32 to vector<16xi32>
        %broadcast_in_dim3A_109 = arith.constant 3 : i32
        %broadcast_in_dim3A_110 = vector.broadcast %broadcast_in_dim3A_109 : i32 to vector<16xi32>
        %broadcast_in_dim3A_111 = arith.constant 4 : i32
        %broadcast_in_dim3A_112 = vector.broadcast %broadcast_in_dim3A_111 : i32 to vector<16xi32>
        %broadcast_in_dim3A_113 = arith.constant 5 : i32
        %broadcast_in_dim3A_114 = vector.broadcast %broadcast_in_dim3A_113 : i32 to vector<16xi32>
        %broadcast_in_dim3A_115 = arith.constant 6 : i32
        %broadcast_in_dim3A_116 = vector.broadcast %broadcast_in_dim3A_115 : i32 to vector<16xi32>
        %broadcast_in_dim3A_117 = arith.constant 7 : i32
        %broadcast_in_dim3A_118 = vector.broadcast %broadcast_in_dim3A_117 : i32 to vector<16xi32>
        %broadcast_in_dim3A_119 = arith.constant 8 : i32
        %broadcast_in_dim3A_120 = vector.broadcast %broadcast_in_dim3A_119 : i32 to vector<16xi32>
        %broadcast_in_dim3A_121 = arith.constant 9 : i32
        %broadcast_in_dim3A_122 = vector.broadcast %broadcast_in_dim3A_121 : i32 to vector<16xi32>
        %broadcast_in_dim3A_123 = arith.constant 10 : i32
        %broadcast_in_dim3A_124 = vector.broadcast %broadcast_in_dim3A_123 : i32 to vector<16xi32>
        %broadcast_in_dim3A_125 = arith.constant 11 : i32
        %broadcast_in_dim3A_126 = vector.broadcast %broadcast_in_dim3A_125 : i32 to vector<16xi32>
        %broadcast_in_dim3A_127 = arith.constant 12 : i32
        %broadcast_in_dim3A_128 = vector.broadcast %broadcast_in_dim3A_127 : i32 to vector<16xi32>
        %broadcast_in_dim3A_129 = arith.constant 13 : i32
        %broadcast_in_dim3A_130 = vector.broadcast %broadcast_in_dim3A_129 : i32 to vector<16xi32>
        %broadcast_in_dim3A_131 = arith.constant 14 : i32
        %broadcast_in_dim3A_132 = vector.broadcast %broadcast_in_dim3A_131 : i32 to vector<16xi32>
        %broadcast_in_dim3A_133 = arith.constant 15 : i32
        %broadcast_in_dim3A_134 = vector.broadcast %broadcast_in_dim3A_133 : i32 to vector<16xi32>
        %broadcast_in_dim3A_135 = arith.constant 16 : i32
        %broadcast_in_dim3A_136 = vector.broadcast %broadcast_in_dim3A_135 : i32 to vector<16xi32>
        %broadcast_in_dim3A_137 = arith.constant 17 : i32
        %broadcast_in_dim3A_138 = vector.broadcast %broadcast_in_dim3A_137 : i32 to vector<16xi32>
        %broadcast_in_dim3A_139 = arith.constant 18 : i32
        %broadcast_in_dim3A_140 = vector.broadcast %broadcast_in_dim3A_139 : i32 to vector<16xi32>
        %broadcast_in_dim3A_141 = arith.constant 19 : i32
        %broadcast_in_dim3A_142 = vector.broadcast %broadcast_in_dim3A_141 : i32 to vector<16xi32>
        %broadcast_in_dim3A_143 = arith.constant 20 : i32
        %broadcast_in_dim3A_144 = vector.broadcast %broadcast_in_dim3A_143 : i32 to vector<16xi32>
        %broadcast_in_dim3A_145 = arith.constant 21 : i32
        %broadcast_in_dim3A_146 = vector.broadcast %broadcast_in_dim3A_145 : i32 to vector<16xi32>
        %broadcast_in_dim3A_147 = arith.constant 22 : i32
        %broadcast_in_dim3A_148 = vector.broadcast %broadcast_in_dim3A_147 : i32 to vector<16xi32>
        %broadcast_in_dim3A_149 = arith.constant 23 : i32
        %broadcast_in_dim3A_150 = vector.broadcast %broadcast_in_dim3A_149 : i32 to vector<16xi32>
        %broadcast_in_dim3A_151 = arith.constant 24 : i32
        %broadcast_in_dim3A_152 = vector.broadcast %broadcast_in_dim3A_151 : i32 to vector<16xi32>
        %broadcast_in_dim3A_153 = arith.constant 25 : i32
        %broadcast_in_dim3A_154 = vector.broadcast %broadcast_in_dim3A_153 : i32 to vector<16xi32>
        %broadcast_in_dim3A_155 = arith.constant 26 : i32
        %broadcast_in_dim3A_156 = vector.broadcast %broadcast_in_dim3A_155 : i32 to vector<16xi32>
        %broadcast_in_dim3A_157 = arith.constant 27 : i32
        %broadcast_in_dim3A_158 = vector.broadcast %broadcast_in_dim3A_157 : i32 to vector<16xi32>
        %broadcast_in_dim3A_159 = arith.constant 28 : i32
        %broadcast_in_dim3A_160 = vector.broadcast %broadcast_in_dim3A_159 : i32 to vector<16xi32>
        %broadcast_in_dim3A_161 = arith.constant 29 : i32
        %broadcast_in_dim3A_162 = vector.broadcast %broadcast_in_dim3A_161 : i32 to vector<16xi32>
        %broadcast_in_dim3A_163 = arith.constant 30 : i32
        %broadcast_in_dim3A_164 = vector.broadcast %broadcast_in_dim3A_163 : i32 to vector<16xi32>
        %broadcast_in_dim3A_165 = arith.constant 31 : i32
        %broadcast_in_dim3A_166 = vector.broadcast %broadcast_in_dim3A_165 : i32 to vector<16xi32>
        %broadcast_in_dim3A_167 = arith.constant 32 : i32
        %broadcast_in_dim3A_168 = vector.broadcast %broadcast_in_dim3A_167 : i32 to vector<16xi32>
        %broadcast_in_dim3A_169 = arith.constant 33 : i32
        %broadcast_in_dim3A_170 = vector.broadcast %broadcast_in_dim3A_169 : i32 to vector<16xi32>
        %broadcast_in_dim3A_171 = arith.constant 34 : i32
        %broadcast_in_dim3A_172 = vector.broadcast %broadcast_in_dim3A_171 : i32 to vector<16xi32>
        %broadcast_in_dim3A_173 = arith.constant 35 : i32
        %broadcast_in_dim3A_174 = vector.broadcast %broadcast_in_dim3A_173 : i32 to vector<16xi32>
        %broadcast_in_dim3A_175 = arith.constant 36 : i32
        %broadcast_in_dim3A_176 = vector.broadcast %broadcast_in_dim3A_175 : i32 to vector<16xi32>
        %broadcast_in_dim3A_177 = arith.constant 37 : i32
        %broadcast_in_dim3A_178 = vector.broadcast %broadcast_in_dim3A_177 : i32 to vector<16xi32>
        %broadcast_in_dim3A_179 = arith.constant 38 : i32
        %broadcast_in_dim3A_180 = vector.broadcast %broadcast_in_dim3A_179 : i32 to vector<16xi32>
        %broadcast_in_dim3A_181 = arith.constant 39 : i32
        %broadcast_in_dim3A_182 = vector.broadcast %broadcast_in_dim3A_181 : i32 to vector<16xi32>
        %broadcast_in_dim3A_183 = arith.constant 40 : i32
        %broadcast_in_dim3A_184 = vector.broadcast %broadcast_in_dim3A_183 : i32 to vector<16xi32>
        %broadcast_in_dim3A_185 = arith.constant 41 : i32
        %broadcast_in_dim3A_186 = vector.broadcast %broadcast_in_dim3A_185 : i32 to vector<16xi32>
        %broadcast_in_dim3A_187 = arith.constant 42 : i32
        %broadcast_in_dim3A_188 = vector.broadcast %broadcast_in_dim3A_187 : i32 to vector<16xi32>
        %broadcast_in_dim3A_189 = arith.constant 43 : i32
        %broadcast_in_dim3A_190 = vector.broadcast %broadcast_in_dim3A_189 : i32 to vector<16xi32>
        %broadcast_in_dim3A_191 = arith.constant 44 : i32
        %broadcast_in_dim3A_192 = vector.broadcast %broadcast_in_dim3A_191 : i32 to vector<16xi32>
        %broadcast_in_dim3A_193 = arith.constant 45 : i32
        %broadcast_in_dim3A_194 = vector.broadcast %broadcast_in_dim3A_193 : i32 to vector<16xi32>
        %broadcast_in_dim3A_195 = arith.constant 46 : i32
        %broadcast_in_dim3A_196 = vector.broadcast %broadcast_in_dim3A_195 : i32 to vector<16xi32>
        %broadcast_in_dim3A_197 = arith.constant 47 : i32
        %broadcast_in_dim3A_198 = vector.broadcast %broadcast_in_dim3A_197 : i32 to vector<16xi32>
        %broadcast_in_dim3A_199 = arith.constant 48 : i32
        %broadcast_in_dim3A_200 = vector.broadcast %broadcast_in_dim3A_199 : i32 to vector<16xi32>
        %broadcast_in_dim3A_201 = arith.constant 49 : i32
        %broadcast_in_dim3A_202 = vector.broadcast %broadcast_in_dim3A_201 : i32 to vector<16xi32>
        %broadcast_in_dim3A_203 = arith.constant 50 : i32
        %broadcast_in_dim3A_204 = vector.broadcast %broadcast_in_dim3A_203 : i32 to vector<16xi32>
        %broadcast_in_dim3A_205 = arith.constant 51 : i32
        %broadcast_in_dim3A_206 = vector.broadcast %broadcast_in_dim3A_205 : i32 to vector<16xi32>
        %broadcast_in_dim3A_207 = arith.constant 52 : i32
        %broadcast_in_dim3A_208 = vector.broadcast %broadcast_in_dim3A_207 : i32 to vector<16xi32>
        %broadcast_in_dim3A_209 = arith.constant 53 : i32
        %broadcast_in_dim3A_210 = vector.broadcast %broadcast_in_dim3A_209 : i32 to vector<16xi32>
        %broadcast_in_dim3A_211 = arith.constant 54 : i32
        %broadcast_in_dim3A_212 = vector.broadcast %broadcast_in_dim3A_211 : i32 to vector<16xi32>
        %broadcast_in_dim3A_213 = arith.constant 55 : i32
        %broadcast_in_dim3A_214 = vector.broadcast %broadcast_in_dim3A_213 : i32 to vector<16xi32>
        %broadcast_in_dim3A_215 = arith.constant 56 : i32
        %broadcast_in_dim3A_216 = vector.broadcast %broadcast_in_dim3A_215 : i32 to vector<16xi32>
        %broadcast_in_dim3A_217 = arith.constant 57 : i32
        %broadcast_in_dim3A_218 = vector.broadcast %broadcast_in_dim3A_217 : i32 to vector<16xi32>
        %broadcast_in_dim3A_219 = arith.constant 58 : i32
        %broadcast_in_dim3A_220 = vector.broadcast %broadcast_in_dim3A_219 : i32 to vector<16xi32>
        %broadcast_in_dim3A_221 = arith.constant 59 : i32
        %broadcast_in_dim3A_222 = vector.broadcast %broadcast_in_dim3A_221 : i32 to vector<16xi32>
        %broadcast_in_dim3A_223 = arith.constant 60 : i32
        %broadcast_in_dim3A_224 = vector.broadcast %broadcast_in_dim3A_223 : i32 to vector<16xi32>
        %broadcast_in_dim3A_225 = arith.constant 61 : i32
        %broadcast_in_dim3A_226 = vector.broadcast %broadcast_in_dim3A_225 : i32 to vector<16xi32>
        %broadcast_in_dim3A_227 = arith.constant 62 : i32
        %broadcast_in_dim3A_228 = vector.broadcast %broadcast_in_dim3A_227 : i32 to vector<16xi32>
        %broadcast_in_dim3A_229 = arith.constant 63 : i32
        %broadcast_in_dim3A_230 = vector.broadcast %broadcast_in_dim3A_229 : i32 to vector<16xi32>
        %broadcast_in_dim3A_231 = arith.constant 64 : i32
        %broadcast_in_dim3A_232 = vector.broadcast %broadcast_in_dim3A_231 : i32 to vector<16xi32>
        %broadcast_in_dim3A_233 = arith.constant 65 : i32
        %broadcast_in_dim3A_234 = vector.broadcast %broadcast_in_dim3A_233 : i32 to vector<16xi32>
        %broadcast_in_dim3A_235 = arith.constant 66 : i32
        %broadcast_in_dim3A_236 = vector.broadcast %broadcast_in_dim3A_235 : i32 to vector<16xi32>
        %broadcast_in_dim3A_237 = arith.constant 67 : i32
        %broadcast_in_dim3A_238 = vector.broadcast %broadcast_in_dim3A_237 : i32 to vector<16xi32>
        %broadcast_in_dim3A_239 = arith.constant 68 : i32
        %broadcast_in_dim3A_240 = vector.broadcast %broadcast_in_dim3A_239 : i32 to vector<16xi32>
        %broadcast_in_dim3A_241 = arith.constant 69 : i32
        %broadcast_in_dim3A_242 = vector.broadcast %broadcast_in_dim3A_241 : i32 to vector<16xi32>
        %broadcast_in_dim3A_243 = arith.constant 70 : i32
        %broadcast_in_dim3A_244 = vector.broadcast %broadcast_in_dim3A_243 : i32 to vector<16xi32>
        %broadcast_in_dim3A_245 = arith.constant 71 : i32
        %broadcast_in_dim3A_246 = vector.broadcast %broadcast_in_dim3A_245 : i32 to vector<16xi32>
        %broadcast_in_dim3A_247 = arith.constant 72 : i32
        %broadcast_in_dim3A_248 = vector.broadcast %broadcast_in_dim3A_247 : i32 to vector<16xi32>
        %broadcast_in_dim3A_249 = arith.constant 73 : i32
        %broadcast_in_dim3A_250 = vector.broadcast %broadcast_in_dim3A_249 : i32 to vector<16xi32>
        %broadcast_in_dim3A_251 = arith.constant 74 : i32
        %broadcast_in_dim3A_252 = vector.broadcast %broadcast_in_dim3A_251 : i32 to vector<16xi32>
        %broadcast_in_dim3A_253 = arith.constant 75 : i32
        %broadcast_in_dim3A_254 = vector.broadcast %broadcast_in_dim3A_253 : i32 to vector<16xi32>
        %broadcast_in_dim3A_255 = arith.constant 76 : i32
        %broadcast_in_dim3A_256 = vector.broadcast %broadcast_in_dim3A_255 : i32 to vector<16xi32>
        %broadcast_in_dim3A_257 = arith.constant 77 : i32
        %broadcast_in_dim3A_258 = vector.broadcast %broadcast_in_dim3A_257 : i32 to vector<16xi32>
        %broadcast_in_dim3A_259 = arith.constant 78 : i32
        %broadcast_in_dim3A_260 = vector.broadcast %broadcast_in_dim3A_259 : i32 to vector<16xi32>
        %broadcast_in_dim3A_261 = arith.constant 79 : i32
        %broadcast_in_dim3A_262 = vector.broadcast %broadcast_in_dim3A_261 : i32 to vector<16xi32>
        %broadcast_in_dim3A_263 = arith.constant 80 : i32
        %broadcast_in_dim3A_264 = vector.broadcast %broadcast_in_dim3A_263 : i32 to vector<16xi32>
        %broadcast_in_dim3A_265 = arith.constant 81 : i32
        %broadcast_in_dim3A_266 = vector.broadcast %broadcast_in_dim3A_265 : i32 to vector<16xi32>
        %broadcast_in_dim3A_267 = arith.constant 82 : i32
        %broadcast_in_dim3A_268 = vector.broadcast %broadcast_in_dim3A_267 : i32 to vector<16xi32>
        %broadcast_in_dim3A_269 = arith.constant 83 : i32
        %broadcast_in_dim3A_270 = vector.broadcast %broadcast_in_dim3A_269 : i32 to vector<16xi32>
        %broadcast_in_dim3A_271 = arith.constant 84 : i32
        %broadcast_in_dim3A_272 = vector.broadcast %broadcast_in_dim3A_271 : i32 to vector<16xi32>
        %broadcast_in_dim3A_273 = arith.constant 85 : i32
        %broadcast_in_dim3A_274 = vector.broadcast %broadcast_in_dim3A_273 : i32 to vector<16xi32>
        %broadcast_in_dim3A_275 = arith.constant 86 : i32
        %broadcast_in_dim3A_276 = vector.broadcast %broadcast_in_dim3A_275 : i32 to vector<16xi32>
        %broadcast_in_dim3A_277 = arith.constant 87 : i32
        %broadcast_in_dim3A_278 = vector.broadcast %broadcast_in_dim3A_277 : i32 to vector<16xi32>
        %broadcast_in_dim3A_279 = arith.constant 88 : i32
        %broadcast_in_dim3A_280 = vector.broadcast %broadcast_in_dim3A_279 : i32 to vector<16xi32>
        %broadcast_in_dim3A_281 = arith.constant 89 : i32
        %broadcast_in_dim3A_282 = vector.broadcast %broadcast_in_dim3A_281 : i32 to vector<16xi32>
        %broadcast_in_dim3A_283 = arith.constant 90 : i32
        %broadcast_in_dim3A_284 = vector.broadcast %broadcast_in_dim3A_283 : i32 to vector<16xi32>
        %broadcast_in_dim3A_285 = arith.constant 91 : i32
        %broadcast_in_dim3A_286 = vector.broadcast %broadcast_in_dim3A_285 : i32 to vector<16xi32>
        %broadcast_in_dim3A_287 = arith.constant 92 : i32
        %broadcast_in_dim3A_288 = vector.broadcast %broadcast_in_dim3A_287 : i32 to vector<16xi32>
        %broadcast_in_dim3A_289 = arith.constant 93 : i32
        %broadcast_in_dim3A_290 = vector.broadcast %broadcast_in_dim3A_289 : i32 to vector<16xi32>
        %broadcast_in_dim3A_291 = arith.constant 94 : i32
        %broadcast_in_dim3A_292 = vector.broadcast %broadcast_in_dim3A_291 : i32 to vector<16xi32>
        %broadcast_in_dim3A_293 = arith.constant 95 : i32
        %broadcast_in_dim3A_294 = vector.broadcast %broadcast_in_dim3A_293 : i32 to vector<16xi32>
        %broadcast_in_dim3A_295 = arith.constant 96 : i32
        %broadcast_in_dim3A_296 = vector.broadcast %broadcast_in_dim3A_295 : i32 to vector<16xi32>
        %broadcast_in_dim3A_297 = arith.constant 97 : i32
        %broadcast_in_dim3A_298 = vector.broadcast %broadcast_in_dim3A_297 : i32 to vector<16xi32>
        %broadcast_in_dim3A_299 = arith.constant 98 : i32
        %broadcast_in_dim3A_300 = vector.broadcast %broadcast_in_dim3A_299 : i32 to vector<16xi32>
        %broadcast_in_dim3A_301 = arith.constant 99 : i32
        %broadcast_in_dim3A_302 = vector.broadcast %broadcast_in_dim3A_301 : i32 to vector<16xi32>
        %broadcast_in_dim3A_303 = arith.constant 100 : i32
        %broadcast_in_dim3A_304 = vector.broadcast %broadcast_in_dim3A_303 : i32 to vector<16xi32>
        %broadcast_in_dim3A_305 = arith.constant 101 : i32
        %broadcast_in_dim3A_306 = vector.broadcast %broadcast_in_dim3A_305 : i32 to vector<16xi32>
        %broadcast_in_dim3A_307 = arith.constant 102 : i32
        %broadcast_in_dim3A_308 = vector.broadcast %broadcast_in_dim3A_307 : i32 to vector<16xi32>
        %broadcast_in_dim3A_309 = arith.constant 103 : i32
        %broadcast_in_dim3A_310 = vector.broadcast %broadcast_in_dim3A_309 : i32 to vector<16xi32>
        %broadcast_in_dim3A_311 = arith.constant 104 : i32
        %broadcast_in_dim3A_312 = vector.broadcast %broadcast_in_dim3A_311 : i32 to vector<16xi32>
        %broadcast_in_dim3A_313 = arith.constant 105 : i32
        %broadcast_in_dim3A_314 = vector.broadcast %broadcast_in_dim3A_313 : i32 to vector<16xi32>
        %broadcast_in_dim3A_315 = arith.constant 106 : i32
        %broadcast_in_dim3A_316 = vector.broadcast %broadcast_in_dim3A_315 : i32 to vector<16xi32>
        %broadcast_in_dim3A_317 = arith.constant 107 : i32
        %broadcast_in_dim3A_318 = vector.broadcast %broadcast_in_dim3A_317 : i32 to vector<16xi32>
        %broadcast_in_dim3A_319 = arith.constant 108 : i32
        %broadcast_in_dim3A_320 = vector.broadcast %broadcast_in_dim3A_319 : i32 to vector<16xi32>
        %broadcast_in_dim3A_321 = arith.constant 109 : i32
        %broadcast_in_dim3A_322 = vector.broadcast %broadcast_in_dim3A_321 : i32 to vector<16xi32>
        %broadcast_in_dim3A_323 = arith.constant 110 : i32
        %broadcast_in_dim3A_324 = vector.broadcast %broadcast_in_dim3A_323 : i32 to vector<16xi32>
        %broadcast_in_dim3A_325 = arith.constant 111 : i32
        %broadcast_in_dim3A_326 = vector.broadcast %broadcast_in_dim3A_325 : i32 to vector<16xi32>
        %broadcast_in_dim3A_327 = arith.constant 112 : i32
        %broadcast_in_dim3A_328 = vector.broadcast %broadcast_in_dim3A_327 : i32 to vector<16xi32>
        %broadcast_in_dim3A_329 = arith.constant 113 : i32
        %broadcast_in_dim3A_330 = vector.broadcast %broadcast_in_dim3A_329 : i32 to vector<16xi32>
        %broadcast_in_dim3A_331 = arith.constant 114 : i32
        %broadcast_in_dim3A_332 = vector.broadcast %broadcast_in_dim3A_331 : i32 to vector<16xi32>
        %broadcast_in_dim3A_333 = arith.constant 115 : i32
        %broadcast_in_dim3A_334 = vector.broadcast %broadcast_in_dim3A_333 : i32 to vector<16xi32>
        %broadcast_in_dim3A_335 = arith.constant 116 : i32
        %broadcast_in_dim3A_336 = vector.broadcast %broadcast_in_dim3A_335 : i32 to vector<16xi32>
        %broadcast_in_dim3A_337 = arith.constant 117 : i32
        %broadcast_in_dim3A_338 = vector.broadcast %broadcast_in_dim3A_337 : i32 to vector<16xi32>
        %broadcast_in_dim3A_339 = arith.constant 118 : i32
        %broadcast_in_dim3A_340 = vector.broadcast %broadcast_in_dim3A_339 : i32 to vector<16xi32>
        %broadcast_in_dim3A_341 = arith.constant 119 : i32
        %broadcast_in_dim3A_342 = vector.broadcast %broadcast_in_dim3A_341 : i32 to vector<16xi32>
        %broadcast_in_dim3A_343 = arith.constant 120 : i32
        %broadcast_in_dim3A_344 = vector.broadcast %broadcast_in_dim3A_343 : i32 to vector<16xi32>
        %broadcast_in_dim3A_345 = arith.constant 121 : i32
        %broadcast_in_dim3A_346 = vector.broadcast %broadcast_in_dim3A_345 : i32 to vector<16xi32>
        %broadcast_in_dim3A_347 = arith.constant 122 : i32
        %broadcast_in_dim3A_348 = vector.broadcast %broadcast_in_dim3A_347 : i32 to vector<16xi32>
        %broadcast_in_dim3A_349 = arith.constant 123 : i32
        %broadcast_in_dim3A_350 = vector.broadcast %broadcast_in_dim3A_349 : i32 to vector<16xi32>
        %broadcast_in_dim3A_351 = arith.constant 124 : i32
        %broadcast_in_dim3A_352 = vector.broadcast %broadcast_in_dim3A_351 : i32 to vector<16xi32>
        %broadcast_in_dim3A_353 = arith.constant 125 : i32
        %broadcast_in_dim3A_354 = vector.broadcast %broadcast_in_dim3A_353 : i32 to vector<16xi32>
        %broadcast_in_dim3A_355 = arith.constant 126 : i32
        %broadcast_in_dim3A_356 = vector.broadcast %broadcast_in_dim3A_355 : i32 to vector<16xi32>
        %broadcast_in_dim3A_357 = arith.constant 127 : i32
        %broadcast_in_dim3A_358 = vector.broadcast %broadcast_in_dim3A_357 : i32 to vector<16xi32>
        %broadcast_in_dim3A_359 = arith.constant 0.000000e+00 : f32
        %broadcast_in_dim3A_360 = vector.broadcast %broadcast_in_dim3A_359 : f32 to vector<16xf32>
        %broadcast_in_dim3A_361 = arith.constant 0.000000e+00 : f32
        %broadcast_in_dim3A_362 = vector.broadcast %broadcast_in_dim3A_361 : f32 to vector<16xf32>
        %broadcast_in_dim3A_363 = arith.constant 0.000000e+00 : f32
        %broadcast_in_dim3A_364 = vector.broadcast %broadcast_in_dim3A_363 : f32 to vector<16xf32>
        %broadcast_in_dim3A_365 = arith.constant 0.000000e+00 : f32
        %broadcast_in_dim3A_366 = vector.broadcast %broadcast_in_dim3A_365 : f32 to vector<16xf32>
        %gather3A = tpu.vector_load_idx %arg9[%add3A_103, %broadcast_in_dim3A_104] : memref<160x128xf32, #tpu.memory_space<vmem>>[vector<16xi32>, vector<16xi32>], vector<16xf32>,
        %gather3A_367 = tpu.vector_load_idx %arg9[%add3A_103, %broadcast_in_dim3A_106] : memref<160x128xf32, #tpu.memory_space<vmem>>[vector<16xi32>, vector<16xi32>], vector<16xf32>,
        %gather3A_368 = tpu.vector_load_idx %arg9[%add3A_103, %broadcast_in_dim3A_108] : memref<160x128xf32, #tpu.memory_space<vmem>>[vector<16xi32>, vector<16xi32>], vector<16xf32>,
        %gather3A_369 = tpu.vector_load_idx %arg9[%add3A_103, %broadcast_in_dim3A_110] : memref<160x128xf32, #tpu.memory_space<vmem>>[vector<16xi32>, vector<16xi32>], vector<16xf32>,
        %gather3A_370 = tpu.vector_load_idx %arg10[%add3A_103, %broadcast_in_dim3A_104] : memref<160x128xf32, #tpu.memory_space<vmem>>[vector<16xi32>, vector<16xi32>], vector<16xf32>,
        %gather3A_371 = tpu.vector_load_idx %arg10[%add3A_103, %broadcast_in_dim3A_106] : memref<160x128xf32, #tpu.memory_space<vmem>>[vector<16xi32>, vector<16xi32>], vector<16xf32>,
        %gather3A_372 = tpu.vector_load_idx %arg10[%add3A_103, %broadcast_in_dim3A_108] : memref<160x128xf32, #tpu.memory_space<vmem>>[vector<16xi32>, vector<16xi32>], vector<16xf32>,
        %gather3A_373 = tpu.vector_load_idx %arg10[%add3A_103, %broadcast_in_dim3A_110] : memref<160x128xf32, #tpu.memory_space<vmem>>[vector<16xi32>, vector<16xi32>], vector<16xf32>,
        %gather3A_374 = tpu.vector_load_idx %arg9[%add3A_103, %broadcast_in_dim3A_112] : memref<160x128xf32, #tpu.memory_space<vmem>>[vector<16xi32>, vector<16xi32>], vector<16xf32>,
        %gather3A_375 = tpu.vector_load_idx %arg10[%add3A_103, %broadcast_in_dim3A_112] : memref<160x128xf32, #tpu.memory_space<vmem>>[vector<16xi32>, vector<16xi32>], vector<16xf32>,
        %sub3A_376 = arith.subf %gather3A, %gather3A_370 : vector<16xf32>
        tpu.vector_store_idx %arg9[%add3A_103, %broadcast_in_dim3A_104], %sub3A_376 : memref<160x128xf32, #tpu.memory_space<vmem>>[vector<16xi32>, vector<16xi32>], vector<16xf32>,
        %mul3A_377 = arith.mulf %sub3A_376, %sub3A_376 : vector<16xf32>
        %add3A_378 = arith.addf %broadcast_in_dim3A_360, %mul3A_377 : vector<16xf32>
        %gather3A_379 = tpu.vector_load_idx %arg9[%add3A_103, %broadcast_in_dim3A_114] : memref<160x128xf32, #tpu.memory_space<vmem>>[vector<16xi32>, vector<16xi32>], vector<16xf32>,
        %gather3A_380 = tpu.vector_load_idx %arg10[%add3A_103, %broadcast_in_dim3A_114] : memref<160x128xf32, #tpu.memory_space<vmem>>[vector<16xi32>, vector<16xi32>], vector<16xf32>,
        %sub3A_381 = arith.subf %gather3A_367, %gather3A_371 : vector<16xf32>
        tpu.vector_store_idx %arg9[%add3A_103, %broadcast_in_dim3A_106], %sub3A_381 : memref<160x128xf32, #tpu.memory_space<vmem>>[vector<16xi32>, vector<16xi32>], vector<16xf32>,
        %mul3A_382 = arith.mulf %sub3A_381, %sub3A_381 : vector<16xf32>
        %add3A_383 = arith.addf %broadcast_in_dim3A_362, %mul3A_382 : vector<16xf32>
        %gather3A_384 = tpu.vector_load_idx %arg9[%add3A_103, %broadcast_in_dim3A_116] : memref<160x128xf32, #tpu.memory_space<vmem>>[vector<16xi32>, vector<16xi32>], vector<16xf32>,
        %gather3A_385 = tpu.vector_load_idx %arg10[%add3A_103, %broadcast_in_dim3A_116] : memref<160x128xf32, #tpu.memory_space<vmem>>[vector<16xi32>, vector<16xi32>], vector<16xf32>,
        %sub3A_386 = arith.subf %gather3A_368, %gather3A_372 : vector<16xf32>
        tpu.vector_store_idx %arg9[%add3A_103, %broadcast_in_dim3A_108], %sub3A_386 : memref<160x128xf32, #tpu.memory_space<vmem>>[vector<16xi32>, vector<16xi32>], vector<16xf32>,
        %mul3A_387 = arith.mulf %sub3A_386, %sub3A_386 : vector<16xf32>
        %add3A_388 = arith.addf %broadcast_in_dim3A_364, %mul3A_387 : vector<16xf32>
        %gather3A_389 = tpu.vector_load_idx %arg9[%add3A_103, %broadcast_in_dim3A_118] : memref<160x128xf32, #tpu.memory_space<vmem>>[vector<16xi32>, vector<16xi32>], vector<16xf32>,
        %gather3A_390 = tpu.vector_load_idx %arg10[%add3A_103, %broadcast_in_dim3A_118] : memref<160x128xf32, #tpu.memory_space<vmem>>[vector<16xi32>, vector<16xi32>], vector<16xf32>,
        %sub3A_391 = arith.subf %gather3A_369, %gather3A_373 : vector<16xf32>
        tpu.vector_store_idx %arg9[%add3A_103, %broadcast_in_dim3A_110], %sub3A_391 : memref<160x128xf32, #tpu.memory_space<vmem>>[vector<16xi32>, vector<16xi32>], vector<16xf32>,
        %mul3A_392 = arith.mulf %sub3A_391, %sub3A_391 : vector<16xf32>
        %add3A_393 = arith.addf %broadcast_in_dim3A_366, %mul3A_392 : vector<16xf32>
        %gather3A_394 = tpu.vector_load_idx %arg9[%add3A_103, %broadcast_in_dim3A_120] : memref<160x128xf32, #tpu.memory_space<vmem>>[vector<16xi32>, vector<16xi32>], vector<16xf32>,
        %gather3A_395 = tpu.vector_load_idx %arg10[%add3A_103, %broadcast_in_dim3A_120] : memref<160x128xf32, #tpu.memory_space<vmem>>[vector<16xi32>, vector<16xi32>], vector<16xf32>,
        %sub3A_396 = arith.subf %gather3A_374, %gather3A_375 : vector<16xf32>
        tpu.vector_store_idx %arg9[%add3A_103, %broadcast_in_dim3A_112], %sub3A_396 : memref<160x128xf32, #tpu.memory_space<vmem>>[vector<16xi32>, vector<16xi32>], vector<16xf32>,
        %mul3A_397 = arith.mulf %sub3A_396, %sub3A_396 : vector<16xf32>
        %add3A_398 = arith.addf %add3A_378, %mul3A_397 : vector<16xf32>
        %gather3A_399 = tpu.vector_load_idx %arg9[%add3A_103, %broadcast_in_dim3A_122] : memref<160x128xf32, #tpu.memory_space<vmem>>[vector<16xi32>, vector<16xi32>], vector<16xf32>,
        %gather3A_400 = tpu.vector_load_idx %arg10[%add3A_103, %broadcast_in_dim3A_122] : memref<160x128xf32, #tpu.memory_space<vmem>>[vector<16xi32>, vector<16xi32>], vector<16xf32>,
        %sub3A_401 = arith.subf %gather3A_379, %gather3A_380 : vector<16xf32>
        tpu.vector_store_idx %arg9[%add3A_103, %broadcast_in_dim3A_114], %sub3A_401 : memref<160x128xf32, #tpu.memory_space<vmem>>[vector<16xi32>, vector<16xi32>], vector<16xf32>,
        %mul3A_402 = arith.mulf %sub3A_401, %sub3A_401 : vector<16xf32>
        %add3A_403 = arith.addf %add3A_383, %mul3A_402 : vector<16xf32>
        %gather3A_404 = tpu.vector_load_idx %arg9[%add3A_103, %broadcast_in_dim3A_124] : memref<160x128xf32, #tpu.memory_space<vmem>>[vector<16xi32>, vector<16xi32>], vector<16xf32>,
        %gather3A_405 = tpu.vector_load_idx %arg10[%add3A_103, %broadcast_in_dim3A_124] : memref<160x128xf32, #tpu.memory_space<vmem>>[vector<16xi32>, vector<16xi32>], vector<16xf32>,
        %sub3A_406 = arith.subf %gather3A_384, %gather3A_385 : vector<16xf32>
        tpu.vector_store_idx %arg9[%add3A_103, %broadcast_in_dim3A_116], %sub3A_406 : memref<160x128xf32, #tpu.memory_space<vmem>>[vector<16xi32>, vector<16xi32>], vector<16xf32>,
        %mul3A_407 = arith.mulf %sub3A_406, %sub3A_406 : vector<16xf32>
        %add3A_408 = arith.addf %add3A_388, %mul3A_407 : vector<16xf32>
        %gather3A_409 = tpu.vector_load_idx %arg9[%add3A_103, %broadcast_in_dim3A_126] : memref<160x128xf32, #tpu.memory_space<vmem>>[vector<16xi32>, vector<16xi32>], vector<16xf32>,
        %gather3A_410 = tpu.vector_load_idx %arg10[%add3A_103, %broadcast_in_dim3A_126] : memref<160x128xf32, #tpu.memory_space<vmem>>[vector<16xi32>, vector<16xi32>], vector<16xf32>,
        %sub3A_411 = arith.subf %gather3A_389, %gather3A_390 : vector<16xf32>
        tpu.vector_store_idx %arg9[%add3A_103, %broadcast_in_dim3A_118], %sub3A_411 : memref<160x128xf32, #tpu.memory_space<vmem>>[vector<16xi32>, vector<16xi32>], vector<16xf32>,
        %mul3A_412 = arith.mulf %sub3A_411, %sub3A_411 : vector<16xf32>
        %add3A_413 = arith.addf %add3A_393, %mul3A_412 : vector<16xf32>
        %gather3A_414 = tpu.vector_load_idx %arg9[%add3A_103, %broadcast_in_dim3A_128] : memref<160x128xf32, #tpu.memory_space<vmem>>[vector<16xi32>, vector<16xi32>], vector<16xf32>,
        %gather3A_415 = tpu.vector_load_idx %arg10[%add3A_103, %broadcast_in_dim3A_128] : memref<160x128xf32, #tpu.memory_space<vmem>>[vector<16xi32>, vector<16xi32>], vector<16xf32>,
        %sub3A_416 = arith.subf %gather3A_394, %gather3A_395 : vector<16xf32>
        tpu.vector_store_idx %arg9[%add3A_103, %broadcast_in_dim3A_120], %sub3A_416 : memref<160x128xf32, #tpu.memory_space<vmem>>[vector<16xi32>, vector<16xi32>], vector<16xf32>,
        %mul3A_417 = arith.mulf %sub3A_416, %sub3A_416 : vector<16xf32>
        %add3A_418 = arith.addf %add3A_398, %mul3A_417 : vector<16xf32>
        %gather3A_419 = tpu.vector_load_idx %arg9[%add3A_103, %broadcast_in_dim3A_130] : memref<160x128xf32, #tpu.memory_space<vmem>>[vector<16xi32>, vector<16xi32>], vector<16xf32>,
        %gather3A_420 = tpu.vector_load_idx %arg10[%add3A_103, %broadcast_in_dim3A_130] : memref<160x128xf32, #tpu.memory_space<vmem>>[vector<16xi32>, vector<16xi32>], vector<16xf32>,
        %sub3A_421 = arith.subf %gather3A_399, %gather3A_400 : vector<16xf32>
        tpu.vector_store_idx %arg9[%add3A_103, %broadcast_in_dim3A_122], %sub3A_421 : memref<160x128xf32, #tpu.memory_space<vmem>>[vector<16xi32>, vector<16xi32>], vector<16xf32>,
        %mul3A_422 = arith.mulf %sub3A_421, %sub3A_421 : vector<16xf32>
        %add3A_423 = arith.addf %add3A_403, %mul3A_422 : vector<16xf32>
        %gather3A_424 = tpu.vector_load_idx %arg9[%add3A_103, %broadcast_in_dim3A_132] : memref<160x128xf32, #tpu.memory_space<vmem>>[vector<16xi32>, vector<16xi32>], vector<16xf32>,
        %gather3A_425 = tpu.vector_load_idx %arg10[%add3A_103, %broadcast_in_dim3A_132] : memref<160x128xf32, #tpu.memory_space<vmem>>[vector<16xi32>, vector<16xi32>], vector<16xf32>,
        %sub3A_426 = arith.subf %gather3A_404, %gather3A_405 : vector<16xf32>
        tpu.vector_store_idx %arg9[%add3A_103, %broadcast_in_dim3A_124], %sub3A_426 : memref<160x128xf32, #tpu.memory_space<vmem>>[vector<16xi32>, vector<16xi32>], vector<16xf32>,
        %mul3A_427 = arith.mulf %sub3A_426, %sub3A_426 : vector<16xf32>
        %add3A_428 = arith.addf %add3A_408, %mul3A_427 : vector<16xf32>
        %gather3A_429 = tpu.vector_load_idx %arg9[%add3A_103, %broadcast_in_dim3A_134] : memref<160x128xf32, #tpu.memory_space<vmem>>[vector<16xi32>, vector<16xi32>], vector<16xf32>,
        %gather3A_430 = tpu.vector_load_idx %arg10[%add3A_103, %broadcast_in_dim3A_134] : memref<160x128xf32, #tpu.memory_space<vmem>>[vector<16xi32>, vector<16xi32>], vector<16xf32>,
        %sub3A_431 = arith.subf %gather3A_409, %gather3A_410 : vector<16xf32>
        tpu.vector_store_idx %arg9[%add3A_103, %broadcast_in_dim3A_126], %sub3A_431 : memref<160x128xf32, #tpu.memory_space<vmem>>[vector<16xi32>, vector<16xi32>], vector<16xf32>,
        %mul3A_432 = arith.mulf %sub3A_431, %sub3A_431 : vector<16xf32>
        %add3A_433 = arith.addf %add3A_413, %mul3A_432 : vector<16xf32>
        %gather3A_434 = tpu.vector_load_idx %arg9[%add3A_103, %broadcast_in_dim3A_136] : memref<160x128xf32, #tpu.memory_space<vmem>>[vector<16xi32>, vector<16xi32>], vector<16xf32>,
        %gather3A_435 = tpu.vector_load_idx %arg10[%add3A_103, %broadcast_in_dim3A_136] : memref<160x128xf32, #tpu.memory_space<vmem>>[vector<16xi32>, vector<16xi32>], vector<16xf32>,
        %sub3A_436 = arith.subf %gather3A_414, %gather3A_415 : vector<16xf32>
        tpu.vector_store_idx %arg9[%add3A_103, %broadcast_in_dim3A_128], %sub3A_436 : memref<160x128xf32, #tpu.memory_space<vmem>>[vector<16xi32>, vector<16xi32>], vector<16xf32>,
        %mul3A_437 = arith.mulf %sub3A_436, %sub3A_436 : vector<16xf32>
        %add3A_438 = arith.addf %add3A_418, %mul3A_437 : vector<16xf32>
        %gather3A_439 = tpu.vector_load_idx %arg9[%add3A_103, %broadcast_in_dim3A_138] : memref<160x128xf32, #tpu.memory_space<vmem>>[vector<16xi32>, vector<16xi32>], vector<16xf32>,
        %gather3A_440 = tpu.vector_load_idx %arg10[%add3A_103, %broadcast_in_dim3A_138] : memref<160x128xf32, #tpu.memory_space<vmem>>[vector<16xi32>, vector<16xi32>], vector<16xf32>,
        %sub3A_441 = arith.subf %gather3A_419, %gather3A_420 : vector<16xf32>
        tpu.vector_store_idx %arg9[%add3A_103, %broadcast_in_dim3A_130], %sub3A_441 : memref<160x128xf32, #tpu.memory_space<vmem>>[vector<16xi32>, vector<16xi32>], vector<16xf32>,
        %mul3A_442 = arith.mulf %sub3A_441, %sub3A_441 : vector<16xf32>
        %add3A_443 = arith.addf %add3A_423, %mul3A_442 : vector<16xf32>
        %gather3A_444 = tpu.vector_load_idx %arg9[%add3A_103, %broadcast_in_dim3A_140] : memref<160x128xf32, #tpu.memory_space<vmem>>[vector<16xi32>, vector<16xi32>], vector<16xf32>,
        %gather3A_445 = tpu.vector_load_idx %arg10[%add3A_103, %broadcast_in_dim3A_140] : memref<160x128xf32, #tpu.memory_space<vmem>>[vector<16xi32>, vector<16xi32>], vector<16xf32>,
        %sub3A_446 = arith.subf %gather3A_424, %gather3A_425 : vector<16xf32>
        tpu.vector_store_idx %arg9[%add3A_103, %broadcast_in_dim3A_132], %sub3A_446 : memref<160x128xf32, #tpu.memory_space<vmem>>[vector<16xi32>, vector<16xi32>], vector<16xf32>,
        %mul3A_447 = arith.mulf %sub3A_446, %sub3A_446 : vector<16xf32>
        %add3A_448 = arith.addf %add3A_428, %mul3A_447 : vector<16xf32>
        %gather3A_449 = tpu.vector_load_idx %arg9[%add3A_103, %broadcast_in_dim3A_142] : memref<160x128xf32, #tpu.memory_space<vmem>>[vector<16xi32>, vector<16xi32>], vector<16xf32>,
        %gather3A_450 = tpu.vector_load_idx %arg10[%add3A_103, %broadcast_in_dim3A_142] : memref<160x128xf32, #tpu.memory_space<vmem>>[vector<16xi32>, vector<16xi32>], vector<16xf32>,
        %sub3A_451 = arith.subf %gather3A_429, %gather3A_430 : vector<16xf32>
        tpu.vector_store_idx %arg9[%add3A_103, %broadcast_in_dim3A_134], %sub3A_451 : memref<160x128xf32, #tpu.memory_space<vmem>>[vector<16xi32>, vector<16xi32>], vector<16xf32>,
        %mul3A_452 = arith.mulf %sub3A_451, %sub3A_451 : vector<16xf32>
        %add3A_453 = arith.addf %add3A_433, %mul3A_452 : vector<16xf32>
        %gather3A_454 = tpu.vector_load_idx %arg9[%add3A_103, %broadcast_in_dim3A_144] : memref<160x128xf32, #tpu.memory_space<vmem>>[vector<16xi32>, vector<16xi32>], vector<16xf32>,
        %gather3A_455 = tpu.vector_load_idx %arg10[%add3A_103, %broadcast_in_dim3A_144] : memref<160x128xf32, #tpu.memory_space<vmem>>[vector<16xi32>, vector<16xi32>], vector<16xf32>,
        %sub3A_456 = arith.subf %gather3A_434, %gather3A_435 : vector<16xf32>
        tpu.vector_store_idx %arg9[%add3A_103, %broadcast_in_dim3A_136], %sub3A_456 : memref<160x128xf32, #tpu.memory_space<vmem>>[vector<16xi32>, vector<16xi32>], vector<16xf32>,
        %mul3A_457 = arith.mulf %sub3A_456, %sub3A_456 : vector<16xf32>
        %add3A_458 = arith.addf %add3A_438, %mul3A_457 : vector<16xf32>
        %gather3A_459 = tpu.vector_load_idx %arg9[%add3A_103, %broadcast_in_dim3A_146] : memref<160x128xf32, #tpu.memory_space<vmem>>[vector<16xi32>, vector<16xi32>], vector<16xf32>,
        %gather3A_460 = tpu.vector_load_idx %arg10[%add3A_103, %broadcast_in_dim3A_146] : memref<160x128xf32, #tpu.memory_space<vmem>>[vector<16xi32>, vector<16xi32>], vector<16xf32>,
        %sub3A_461 = arith.subf %gather3A_439, %gather3A_440 : vector<16xf32>
        tpu.vector_store_idx %arg9[%add3A_103, %broadcast_in_dim3A_138], %sub3A_461 : memref<160x128xf32, #tpu.memory_space<vmem>>[vector<16xi32>, vector<16xi32>], vector<16xf32>,
        %mul3A_462 = arith.mulf %sub3A_461, %sub3A_461 : vector<16xf32>
        %add3A_463 = arith.addf %add3A_443, %mul3A_462 : vector<16xf32>
        %gather3A_464 = tpu.vector_load_idx %arg9[%add3A_103, %broadcast_in_dim3A_148] : memref<160x128xf32, #tpu.memory_space<vmem>>[vector<16xi32>, vector<16xi32>], vector<16xf32>,
        %gather3A_465 = tpu.vector_load_idx %arg10[%add3A_103, %broadcast_in_dim3A_148] : memref<160x128xf32, #tpu.memory_space<vmem>>[vector<16xi32>, vector<16xi32>], vector<16xf32>,
        %sub3A_466 = arith.subf %gather3A_444, %gather3A_445 : vector<16xf32>
        tpu.vector_store_idx %arg9[%add3A_103, %broadcast_in_dim3A_140], %sub3A_466 : memref<160x128xf32, #tpu.memory_space<vmem>>[vector<16xi32>, vector<16xi32>], vector<16xf32>,
        %mul3A_467 = arith.mulf %sub3A_466, %sub3A_466 : vector<16xf32>
        %add3A_468 = arith.addf %add3A_448, %mul3A_467 : vector<16xf32>
        %gather3A_469 = tpu.vector_load_idx %arg9[%add3A_103, %broadcast_in_dim3A_150] : memref<160x128xf32, #tpu.memory_space<vmem>>[vector<16xi32>, vector<16xi32>], vector<16xf32>,
        %gather3A_470 = tpu.vector_load_idx %arg10[%add3A_103, %broadcast_in_dim3A_150] : memref<160x128xf32, #tpu.memory_space<vmem>>[vector<16xi32>, vector<16xi32>], vector<16xf32>,
        %sub3A_471 = arith.subf %gather3A_449, %gather3A_450 : vector<16xf32>
        tpu.vector_store_idx %arg9[%add3A_103, %broadcast_in_dim3A_142], %sub3A_471 : memref<160x128xf32, #tpu.memory_space<vmem>>[vector<16xi32>, vector<16xi32>], vector<16xf32>,
        %mul3A_472 = arith.mulf %sub3A_471, %sub3A_471 : vector<16xf32>
        %add3A_473 = arith.addf %add3A_453, %mul3A_472 : vector<16xf32>
        %gather3A_474 = tpu.vector_load_idx %arg9[%add3A_103, %broadcast_in_dim3A_152] : memref<160x128xf32, #tpu.memory_space<vmem>>[vector<16xi32>, vector<16xi32>], vector<16xf32>,
        %gather3A_475 = tpu.vector_load_idx %arg10[%add3A_103, %broadcast_in_dim3A_152] : memref<160x128xf32, #tpu.memory_space<vmem>>[vector<16xi32>, vector<16xi32>], vector<16xf32>,
        %sub3A_476 = arith.subf %gather3A_454, %gather3A_455 : vector<16xf32>
        tpu.vector_store_idx %arg9[%add3A_103, %broadcast_in_dim3A_144], %sub3A_476 : memref<160x128xf32, #tpu.memory_space<vmem>>[vector<16xi32>, vector<16xi32>], vector<16xf32>,
        %mul3A_477 = arith.mulf %sub3A_476, %sub3A_476 : vector<16xf32>
        %add3A_478 = arith.addf %add3A_458, %mul3A_477 : vector<16xf32>
        %gather3A_479 = tpu.vector_load_idx %arg9[%add3A_103, %broadcast_in_dim3A_154] : memref<160x128xf32, #tpu.memory_space<vmem>>[vector<16xi32>, vector<16xi32>], vector<16xf32>,
        %gather3A_480 = tpu.vector_load_idx %arg10[%add3A_103, %broadcast_in_dim3A_154] : memref<160x128xf32, #tpu.memory_space<vmem>>[vector<16xi32>, vector<16xi32>], vector<16xf32>,
        %sub3A_481 = arith.subf %gather3A_459, %gather3A_460 : vector<16xf32>
        tpu.vector_store_idx %arg9[%add3A_103, %broadcast_in_dim3A_146], %sub3A_481 : memref<160x128xf32, #tpu.memory_space<vmem>>[vector<16xi32>, vector<16xi32>], vector<16xf32>,
        %mul3A_482 = arith.mulf %sub3A_481, %sub3A_481 : vector<16xf32>
        %add3A_483 = arith.addf %add3A_463, %mul3A_482 : vector<16xf32>
        %gather3A_484 = tpu.vector_load_idx %arg9[%add3A_103, %broadcast_in_dim3A_156] : memref<160x128xf32, #tpu.memory_space<vmem>>[vector<16xi32>, vector<16xi32>], vector<16xf32>,
        %gather3A_485 = tpu.vector_load_idx %arg10[%add3A_103, %broadcast_in_dim3A_156] : memref<160x128xf32, #tpu.memory_space<vmem>>[vector<16xi32>, vector<16xi32>], vector<16xf32>,
        %sub3A_486 = arith.subf %gather3A_464, %gather3A_465 : vector<16xf32>
        tpu.vector_store_idx %arg9[%add3A_103, %broadcast_in_dim3A_148], %sub3A_486 : memref<160x128xf32, #tpu.memory_space<vmem>>[vector<16xi32>, vector<16xi32>], vector<16xf32>,
        %mul3A_487 = arith.mulf %sub3A_486, %sub3A_486 : vector<16xf32>
        %add3A_488 = arith.addf %add3A_468, %mul3A_487 : vector<16xf32>
        %gather3A_489 = tpu.vector_load_idx %arg9[%add3A_103, %broadcast_in_dim3A_158] : memref<160x128xf32, #tpu.memory_space<vmem>>[vector<16xi32>, vector<16xi32>], vector<16xf32>,
        %gather3A_490 = tpu.vector_load_idx %arg10[%add3A_103, %broadcast_in_dim3A_158] : memref<160x128xf32, #tpu.memory_space<vmem>>[vector<16xi32>, vector<16xi32>], vector<16xf32>,
        %sub3A_491 = arith.subf %gather3A_469, %gather3A_470 : vector<16xf32>
        tpu.vector_store_idx %arg9[%add3A_103, %broadcast_in_dim3A_150], %sub3A_491 : memref<160x128xf32, #tpu.memory_space<vmem>>[vector<16xi32>, vector<16xi32>], vector<16xf32>,
        %mul3A_492 = arith.mulf %sub3A_491, %sub3A_491 : vector<16xf32>
        %add3A_493 = arith.addf %add3A_473, %mul3A_492 : vector<16xf32>
        %gather3A_494 = tpu.vector_load_idx %arg9[%add3A_103, %broadcast_in_dim3A_160] : memref<160x128xf32, #tpu.memory_space<vmem>>[vector<16xi32>, vector<16xi32>], vector<16xf32>,
        %gather3A_495 = tpu.vector_load_idx %arg10[%add3A_103, %broadcast_in_dim3A_160] : memref<160x128xf32, #tpu.memory_space<vmem>>[vector<16xi32>, vector<16xi32>], vector<16xf32>,
        %sub3A_496 = arith.subf %gather3A_474, %gather3A_475 : vector<16xf32>
        tpu.vector_store_idx %arg9[%add3A_103, %broadcast_in_dim3A_152], %sub3A_496 : memref<160x128xf32, #tpu.memory_space<vmem>>[vector<16xi32>, vector<16xi32>], vector<16xf32>,
        %mul3A_497 = arith.mulf %sub3A_496, %sub3A_496 : vector<16xf32>
        %add3A_498 = arith.addf %add3A_478, %mul3A_497 : vector<16xf32>
        %gather3A_499 = tpu.vector_load_idx %arg9[%add3A_103, %broadcast_in_dim3A_162] : memref<160x128xf32, #tpu.memory_space<vmem>>[vector<16xi32>, vector<16xi32>], vector<16xf32>,
        %gather3A_500 = tpu.vector_load_idx %arg10[%add3A_103, %broadcast_in_dim3A_162] : memref<160x128xf32, #tpu.memory_space<vmem>>[vector<16xi32>, vector<16xi32>], vector<16xf32>,
        %sub3A_501 = arith.subf %gather3A_479, %gather3A_480 : vector<16xf32>
        tpu.vector_store_idx %arg9[%add3A_103, %broadcast_in_dim3A_154], %sub3A_501 : memref<160x128xf32, #tpu.memory_space<vmem>>[vector<16xi32>, vector<16xi32>], vector<16xf32>,
        %mul3A_502 = arith.mulf %sub3A_501, %sub3A_501 : vector<16xf32>
        %add3A_503 = arith.addf %add3A_483, %mul3A_502 : vector<16xf32>
        %gather3A_504 = tpu.vector_load_idx %arg9[%add3A_103, %broadcast_in_dim3A_164] : memref<160x128xf32, #tpu.memory_space<vmem>>[vector<16xi32>, vector<16xi32>], vector<16xf32>,
        %gather3A_505 = tpu.vector_load_idx %arg10[%add3A_103, %broadcast_in_dim3A_164] : memref<160x128xf32, #tpu.memory_space<vmem>>[vector<16xi32>, vector<16xi32>], vector<16xf32>,
        %sub3A_506 = arith.subf %gather3A_484, %gather3A_485 : vector<16xf32>
        tpu.vector_store_idx %arg9[%add3A_103, %broadcast_in_dim3A_156], %sub3A_506 : memref<160x128xf32, #tpu.memory_space<vmem>>[vector<16xi32>, vector<16xi32>], vector<16xf32>,
        %mul3A_507 = arith.mulf %sub3A_506, %sub3A_506 : vector<16xf32>
        %add3A_508 = arith.addf %add3A_488, %mul3A_507 : vector<16xf32>
        %gather3A_509 = tpu.vector_load_idx %arg9[%add3A_103, %broadcast_in_dim3A_166] : memref<160x128xf32, #tpu.memory_space<vmem>>[vector<16xi32>, vector<16xi32>], vector<16xf32>,
        %gather3A_510 = tpu.vector_load_idx %arg10[%add3A_103, %broadcast_in_dim3A_166] : memref<160x128xf32, #tpu.memory_space<vmem>>[vector<16xi32>, vector<16xi32>], vector<16xf32>,
        %sub3A_511 = arith.subf %gather3A_489, %gather3A_490 : vector<16xf32>
        tpu.vector_store_idx %arg9[%add3A_103, %broadcast_in_dim3A_158], %sub3A_511 : memref<160x128xf32, #tpu.memory_space<vmem>>[vector<16xi32>, vector<16xi32>], vector<16xf32>,
        %mul3A_512 = arith.mulf %sub3A_511, %sub3A_511 : vector<16xf32>
        %add3A_513 = arith.addf %add3A_493, %mul3A_512 : vector<16xf32>
        %gather3A_514 = tpu.vector_load_idx %arg9[%add3A_103, %broadcast_in_dim3A_168] : memref<160x128xf32, #tpu.memory_space<vmem>>[vector<16xi32>, vector<16xi32>], vector<16xf32>,
        %gather3A_515 = tpu.vector_load_idx %arg10[%add3A_103, %broadcast_in_dim3A_168] : memref<160x128xf32, #tpu.memory_space<vmem>>[vector<16xi32>, vector<16xi32>], vector<16xf32>,
        %sub3A_516 = arith.subf %gather3A_494, %gather3A_495 : vector<16xf32>
        tpu.vector_store_idx %arg9[%add3A_103, %broadcast_in_dim3A_160], %sub3A_516 : memref<160x128xf32, #tpu.memory_space<vmem>>[vector<16xi32>, vector<16xi32>], vector<16xf32>,
        %mul3A_517 = arith.mulf %sub3A_516, %sub3A_516 : vector<16xf32>
        %add3A_518 = arith.addf %add3A_498, %mul3A_517 : vector<16xf32>
        %gather3A_519 = tpu.vector_load_idx %arg9[%add3A_103, %broadcast_in_dim3A_170] : memref<160x128xf32, #tpu.memory_space<vmem>>[vector<16xi32>, vector<16xi32>], vector<16xf32>,
        %gather3A_520 = tpu.vector_load_idx %arg10[%add3A_103, %broadcast_in_dim3A_170] : memref<160x128xf32, #tpu.memory_space<vmem>>[vector<16xi32>, vector<16xi32>], vector<16xf32>,
        %sub3A_521 = arith.subf %gather3A_499, %gather3A_500 : vector<16xf32>
        tpu.vector_store_idx %arg9[%add3A_103, %broadcast_in_dim3A_162], %sub3A_521 : memref<160x128xf32, #tpu.memory_space<vmem>>[vector<16xi32>, vector<16xi32>], vector<16xf32>,
        %mul3A_522 = arith.mulf %sub3A_521, %sub3A_521 : vector<16xf32>
        %add3A_523 = arith.addf %add3A_503, %mul3A_522 : vector<16xf32>
        %gather3A_524 = tpu.vector_load_idx %arg9[%add3A_103, %broadcast_in_dim3A_172] : memref<160x128xf32, #tpu.memory_space<vmem>>[vector<16xi32>, vector<16xi32>], vector<16xf32>,
        %gather3A_525 = tpu.vector_load_idx %arg10[%add3A_103, %broadcast_in_dim3A_172] : memref<160x128xf32, #tpu.memory_space<vmem>>[vector<16xi32>, vector<16xi32>], vector<16xf32>,
        %sub3A_526 = arith.subf %gather3A_504, %gather3A_505 : vector<16xf32>
        tpu.vector_store_idx %arg9[%add3A_103, %broadcast_in_dim3A_164], %sub3A_526 : memref<160x128xf32, #tpu.memory_space<vmem>>[vector<16xi32>, vector<16xi32>], vector<16xf32>,
        %mul3A_527 = arith.mulf %sub3A_526, %sub3A_526 : vector<16xf32>
        %add3A_528 = arith.addf %add3A_508, %mul3A_527 : vector<16xf32>
        %gather3A_529 = tpu.vector_load_idx %arg9[%add3A_103, %broadcast_in_dim3A_174] : memref<160x128xf32, #tpu.memory_space<vmem>>[vector<16xi32>, vector<16xi32>], vector<16xf32>,
        %gather3A_530 = tpu.vector_load_idx %arg10[%add3A_103, %broadcast_in_dim3A_174] : memref<160x128xf32, #tpu.memory_space<vmem>>[vector<16xi32>, vector<16xi32>], vector<16xf32>,
        %sub3A_531 = arith.subf %gather3A_509, %gather3A_510 : vector<16xf32>
        tpu.vector_store_idx %arg9[%add3A_103, %broadcast_in_dim3A_166], %sub3A_531 : memref<160x128xf32, #tpu.memory_space<vmem>>[vector<16xi32>, vector<16xi32>], vector<16xf32>,
        %mul3A_532 = arith.mulf %sub3A_531, %sub3A_531 : vector<16xf32>
        %add3A_533 = arith.addf %add3A_513, %mul3A_532 : vector<16xf32>
        %gather3A_534 = tpu.vector_load_idx %arg9[%add3A_103, %broadcast_in_dim3A_176] : memref<160x128xf32, #tpu.memory_space<vmem>>[vector<16xi32>, vector<16xi32>], vector<16xf32>,
        %gather3A_535 = tpu.vector_load_idx %arg10[%add3A_103, %broadcast_in_dim3A_176] : memref<160x128xf32, #tpu.memory_space<vmem>>[vector<16xi32>, vector<16xi32>], vector<16xf32>,
        %sub3A_536 = arith.subf %gather3A_514, %gather3A_515 : vector<16xf32>
        tpu.vector_store_idx %arg9[%add3A_103, %broadcast_in_dim3A_168], %sub3A_536 : memref<160x128xf32, #tpu.memory_space<vmem>>[vector<16xi32>, vector<16xi32>], vector<16xf32>,
        %mul3A_537 = arith.mulf %sub3A_536, %sub3A_536 : vector<16xf32>
        %add3A_538 = arith.addf %add3A_518, %mul3A_537 : vector<16xf32>
        %gather3A_539 = tpu.vector_load_idx %arg9[%add3A_103, %broadcast_in_dim3A_178] : memref<160x128xf32, #tpu.memory_space<vmem>>[vector<16xi32>, vector<16xi32>], vector<16xf32>,
        %gather3A_540 = tpu.vector_load_idx %arg10[%add3A_103, %broadcast_in_dim3A_178] : memref<160x128xf32, #tpu.memory_space<vmem>>[vector<16xi32>, vector<16xi32>], vector<16xf32>,
        %sub3A_541 = arith.subf %gather3A_519, %gather3A_520 : vector<16xf32>
        tpu.vector_store_idx %arg9[%add3A_103, %broadcast_in_dim3A_170], %sub3A_541 : memref<160x128xf32, #tpu.memory_space<vmem>>[vector<16xi32>, vector<16xi32>], vector<16xf32>,
        %mul3A_542 = arith.mulf %sub3A_541, %sub3A_541 : vector<16xf32>
        %add3A_543 = arith.addf %add3A_523, %mul3A_542 : vector<16xf32>
        %gather3A_544 = tpu.vector_load_idx %arg9[%add3A_103, %broadcast_in_dim3A_180] : memref<160x128xf32, #tpu.memory_space<vmem>>[vector<16xi32>, vector<16xi32>], vector<16xf32>,
        %gather3A_545 = tpu.vector_load_idx %arg10[%add3A_103, %broadcast_in_dim3A_180] : memref<160x128xf32, #tpu.memory_space<vmem>>[vector<16xi32>, vector<16xi32>], vector<16xf32>,
        %sub3A_546 = arith.subf %gather3A_524, %gather3A_525 : vector<16xf32>
        tpu.vector_store_idx %arg9[%add3A_103, %broadcast_in_dim3A_172], %sub3A_546 : memref<160x128xf32, #tpu.memory_space<vmem>>[vector<16xi32>, vector<16xi32>], vector<16xf32>,
        %mul3A_547 = arith.mulf %sub3A_546, %sub3A_546 : vector<16xf32>
        %add3A_548 = arith.addf %add3A_528, %mul3A_547 : vector<16xf32>
        %gather3A_549 = tpu.vector_load_idx %arg9[%add3A_103, %broadcast_in_dim3A_182] : memref<160x128xf32, #tpu.memory_space<vmem>>[vector<16xi32>, vector<16xi32>], vector<16xf32>,
        %gather3A_550 = tpu.vector_load_idx %arg10[%add3A_103, %broadcast_in_dim3A_182] : memref<160x128xf32, #tpu.memory_space<vmem>>[vector<16xi32>, vector<16xi32>], vector<16xf32>,
        %sub3A_551 = arith.subf %gather3A_529, %gather3A_530 : vector<16xf32>
        tpu.vector_store_idx %arg9[%add3A_103, %broadcast_in_dim3A_174], %sub3A_551 : memref<160x128xf32, #tpu.memory_space<vmem>>[vector<16xi32>, vector<16xi32>], vector<16xf32>,
        %mul3A_552 = arith.mulf %sub3A_551, %sub3A_551 : vector<16xf32>
        %add3A_553 = arith.addf %add3A_533, %mul3A_552 : vector<16xf32>
        %gather3A_554 = tpu.vector_load_idx %arg9[%add3A_103, %broadcast_in_dim3A_184] : memref<160x128xf32, #tpu.memory_space<vmem>>[vector<16xi32>, vector<16xi32>], vector<16xf32>,
        %gather3A_555 = tpu.vector_load_idx %arg10[%add3A_103, %broadcast_in_dim3A_184] : memref<160x128xf32, #tpu.memory_space<vmem>>[vector<16xi32>, vector<16xi32>], vector<16xf32>,
        %sub3A_556 = arith.subf %gather3A_534, %gather3A_535 : vector<16xf32>
        tpu.vector_store_idx %arg9[%add3A_103, %broadcast_in_dim3A_176], %sub3A_556 : memref<160x128xf32, #tpu.memory_space<vmem>>[vector<16xi32>, vector<16xi32>], vector<16xf32>,
        %mul3A_557 = arith.mulf %sub3A_556, %sub3A_556 : vector<16xf32>
        %add3A_558 = arith.addf %add3A_538, %mul3A_557 : vector<16xf32>
        %gather3A_559 = tpu.vector_load_idx %arg9[%add3A_103, %broadcast_in_dim3A_186] : memref<160x128xf32, #tpu.memory_space<vmem>>[vector<16xi32>, vector<16xi32>], vector<16xf32>,
        %gather3A_560 = tpu.vector_load_idx %arg10[%add3A_103, %broadcast_in_dim3A_186] : memref<160x128xf32, #tpu.memory_space<vmem>>[vector<16xi32>, vector<16xi32>], vector<16xf32>,
        %sub3A_561 = arith.subf %gather3A_539, %gather3A_540 : vector<16xf32>
        tpu.vector_store_idx %arg9[%add3A_103, %broadcast_in_dim3A_178], %sub3A_561 : memref<160x128xf32, #tpu.memory_space<vmem>>[vector<16xi32>, vector<16xi32>], vector<16xf32>,
        %mul3A_562 = arith.mulf %sub3A_561, %sub3A_561 : vector<16xf32>
        %add3A_563 = arith.addf %add3A_543, %mul3A_562 : vector<16xf32>
        %gather3A_564 = tpu.vector_load_idx %arg9[%add3A_103, %broadcast_in_dim3A_188] : memref<160x128xf32, #tpu.memory_space<vmem>>[vector<16xi32>, vector<16xi32>], vector<16xf32>,
        %gather3A_565 = tpu.vector_load_idx %arg10[%add3A_103, %broadcast_in_dim3A_188] : memref<160x128xf32, #tpu.memory_space<vmem>>[vector<16xi32>, vector<16xi32>], vector<16xf32>,
        %sub3A_566 = arith.subf %gather3A_544, %gather3A_545 : vector<16xf32>
        tpu.vector_store_idx %arg9[%add3A_103, %broadcast_in_dim3A_180], %sub3A_566 : memref<160x128xf32, #tpu.memory_space<vmem>>[vector<16xi32>, vector<16xi32>], vector<16xf32>,
        %mul3A_567 = arith.mulf %sub3A_566, %sub3A_566 : vector<16xf32>
        %add3A_568 = arith.addf %add3A_548, %mul3A_567 : vector<16xf32>
        %gather3A_569 = tpu.vector_load_idx %arg9[%add3A_103, %broadcast_in_dim3A_190] : memref<160x128xf32, #tpu.memory_space<vmem>>[vector<16xi32>, vector<16xi32>], vector<16xf32>,
        %gather3A_570 = tpu.vector_load_idx %arg10[%add3A_103, %broadcast_in_dim3A_190] : memref<160x128xf32, #tpu.memory_space<vmem>>[vector<16xi32>, vector<16xi32>], vector<16xf32>,
        %sub3A_571 = arith.subf %gather3A_549, %gather3A_550 : vector<16xf32>
        tpu.vector_store_idx %arg9[%add3A_103, %broadcast_in_dim3A_182], %sub3A_571 : memref<160x128xf32, #tpu.memory_space<vmem>>[vector<16xi32>, vector<16xi32>], vector<16xf32>,
        %mul3A_572 = arith.mulf %sub3A_571, %sub3A_571 : vector<16xf32>
        %add3A_573 = arith.addf %add3A_553, %mul3A_572 : vector<16xf32>
        %gather3A_574 = tpu.vector_load_idx %arg9[%add3A_103, %broadcast_in_dim3A_192] : memref<160x128xf32, #tpu.memory_space<vmem>>[vector<16xi32>, vector<16xi32>], vector<16xf32>,
        %gather3A_575 = tpu.vector_load_idx %arg10[%add3A_103, %broadcast_in_dim3A_192] : memref<160x128xf32, #tpu.memory_space<vmem>>[vector<16xi32>, vector<16xi32>], vector<16xf32>,
        %sub3A_576 = arith.subf %gather3A_554, %gather3A_555 : vector<16xf32>
        tpu.vector_store_idx %arg9[%add3A_103, %broadcast_in_dim3A_184], %sub3A_576 : memref<160x128xf32, #tpu.memory_space<vmem>>[vector<16xi32>, vector<16xi32>], vector<16xf32>,
        %mul3A_577 = arith.mulf %sub3A_576, %sub3A_576 : vector<16xf32>
        %add3A_578 = arith.addf %add3A_558, %mul3A_577 : vector<16xf32>
        %gather3A_579 = tpu.vector_load_idx %arg9[%add3A_103, %broadcast_in_dim3A_194] : memref<160x128xf32, #tpu.memory_space<vmem>>[vector<16xi32>, vector<16xi32>], vector<16xf32>,
        %gather3A_580 = tpu.vector_load_idx %arg10[%add3A_103, %broadcast_in_dim3A_194] : memref<160x128xf32, #tpu.memory_space<vmem>>[vector<16xi32>, vector<16xi32>], vector<16xf32>,
        %sub3A_581 = arith.subf %gather3A_559, %gather3A_560 : vector<16xf32>
        tpu.vector_store_idx %arg9[%add3A_103, %broadcast_in_dim3A_186], %sub3A_581 : memref<160x128xf32, #tpu.memory_space<vmem>>[vector<16xi32>, vector<16xi32>], vector<16xf32>,
        %mul3A_582 = arith.mulf %sub3A_581, %sub3A_581 : vector<16xf32>
        %add3A_583 = arith.addf %add3A_563, %mul3A_582 : vector<16xf32>
        %gather3A_584 = tpu.vector_load_idx %arg9[%add3A_103, %broadcast_in_dim3A_196] : memref<160x128xf32, #tpu.memory_space<vmem>>[vector<16xi32>, vector<16xi32>], vector<16xf32>,
        %gather3A_585 = tpu.vector_load_idx %arg10[%add3A_103, %broadcast_in_dim3A_196] : memref<160x128xf32, #tpu.memory_space<vmem>>[vector<16xi32>, vector<16xi32>], vector<16xf32>,
        %sub3A_586 = arith.subf %gather3A_564, %gather3A_565 : vector<16xf32>
        tpu.vector_store_idx %arg9[%add3A_103, %broadcast_in_dim3A_188], %sub3A_586 : memref<160x128xf32, #tpu.memory_space<vmem>>[vector<16xi32>, vector<16xi32>], vector<16xf32>,
        %mul3A_587 = arith.mulf %sub3A_586, %sub3A_586 : vector<16xf32>
        %add3A_588 = arith.addf %add3A_568, %mul3A_587 : vector<16xf32>
        %gather3A_589 = tpu.vector_load_idx %arg9[%add3A_103, %broadcast_in_dim3A_198] : memref<160x128xf32, #tpu.memory_space<vmem>>[vector<16xi32>, vector<16xi32>], vector<16xf32>,
        %gather3A_590 = tpu.vector_load_idx %arg10[%add3A_103, %broadcast_in_dim3A_198] : memref<160x128xf32, #tpu.memory_space<vmem>>[vector<16xi32>, vector<16xi32>], vector<16xf32>,
        %sub3A_591 = arith.subf %gather3A_569, %gather3A_570 : vector<16xf32>
        tpu.vector_store_idx %arg9[%add3A_103, %broadcast_in_dim3A_190], %sub3A_591 : memref<160x128xf32, #tpu.memory_space<vmem>>[vector<16xi32>, vector<16xi32>], vector<16xf32>,
        %mul3A_592 = arith.mulf %sub3A_591, %sub3A_591 : vector<16xf32>
        %add3A_593 = arith.addf %add3A_573, %mul3A_592 : vector<16xf32>
        %gather3A_594 = tpu.vector_load_idx %arg9[%add3A_103, %broadcast_in_dim3A_200] : memref<160x128xf32, #tpu.memory_space<vmem>>[vector<16xi32>, vector<16xi32>], vector<16xf32>,
        %gather3A_595 = tpu.vector_load_idx %arg10[%add3A_103, %broadcast_in_dim3A_200] : memref<160x128xf32, #tpu.memory_space<vmem>>[vector<16xi32>, vector<16xi32>], vector<16xf32>,
        %sub3A_596 = arith.subf %gather3A_574, %gather3A_575 : vector<16xf32>
        tpu.vector_store_idx %arg9[%add3A_103, %broadcast_in_dim3A_192], %sub3A_596 : memref<160x128xf32, #tpu.memory_space<vmem>>[vector<16xi32>, vector<16xi32>], vector<16xf32>,
        %mul3A_597 = arith.mulf %sub3A_596, %sub3A_596 : vector<16xf32>
        %add3A_598 = arith.addf %add3A_578, %mul3A_597 : vector<16xf32>
        %gather3A_599 = tpu.vector_load_idx %arg9[%add3A_103, %broadcast_in_dim3A_202] : memref<160x128xf32, #tpu.memory_space<vmem>>[vector<16xi32>, vector<16xi32>], vector<16xf32>,
        %gather3A_600 = tpu.vector_load_idx %arg10[%add3A_103, %broadcast_in_dim3A_202] : memref<160x128xf32, #tpu.memory_space<vmem>>[vector<16xi32>, vector<16xi32>], vector<16xf32>,
        %sub3A_601 = arith.subf %gather3A_579, %gather3A_580 : vector<16xf32>
        tpu.vector_store_idx %arg9[%add3A_103, %broadcast_in_dim3A_194], %sub3A_601 : memref<160x128xf32, #tpu.memory_space<vmem>>[vector<16xi32>, vector<16xi32>], vector<16xf32>,
        %mul3A_602 = arith.mulf %sub3A_601, %sub3A_601 : vector<16xf32>
        %add3A_603 = arith.addf %add3A_583, %mul3A_602 : vector<16xf32>
        %gather3A_604 = tpu.vector_load_idx %arg9[%add3A_103, %broadcast_in_dim3A_204] : memref<160x128xf32, #tpu.memory_space<vmem>>[vector<16xi32>, vector<16xi32>], vector<16xf32>,
        %gather3A_605 = tpu.vector_load_idx %arg10[%add3A_103, %broadcast_in_dim3A_204] : memref<160x128xf32, #tpu.memory_space<vmem>>[vector<16xi32>, vector<16xi32>], vector<16xf32>,
        %sub3A_606 = arith.subf %gather3A_584, %gather3A_585 : vector<16xf32>
        tpu.vector_store_idx %arg9[%add3A_103, %broadcast_in_dim3A_196], %sub3A_606 : memref<160x128xf32, #tpu.memory_space<vmem>>[vector<16xi32>, vector<16xi32>], vector<16xf32>,
        %mul3A_607 = arith.mulf %sub3A_606, %sub3A_606 : vector<16xf32>
        %add3A_608 = arith.addf %add3A_588, %mul3A_607 : vector<16xf32>
        %gather3A_609 = tpu.vector_load_idx %arg9[%add3A_103, %broadcast_in_dim3A_206] : memref<160x128xf32, #tpu.memory_space<vmem>>[vector<16xi32>, vector<16xi32>], vector<16xf32>,
        %gather3A_610 = tpu.vector_load_idx %arg10[%add3A_103, %broadcast_in_dim3A_206] : memref<160x128xf32, #tpu.memory_space<vmem>>[vector<16xi32>, vector<16xi32>], vector<16xf32>,
        %sub3A_611 = arith.subf %gather3A_589, %gather3A_590 : vector<16xf32>
        tpu.vector_store_idx %arg9[%add3A_103, %broadcast_in_dim3A_198], %sub3A_611 : memref<160x128xf32, #tpu.memory_space<vmem>>[vector<16xi32>, vector<16xi32>], vector<16xf32>,
        %mul3A_612 = arith.mulf %sub3A_611, %sub3A_611 : vector<16xf32>
        %add3A_613 = arith.addf %add3A_593, %mul3A_612 : vector<16xf32>
        %gather3A_614 = tpu.vector_load_idx %arg9[%add3A_103, %broadcast_in_dim3A_208] : memref<160x128xf32, #tpu.memory_space<vmem>>[vector<16xi32>, vector<16xi32>], vector<16xf32>,
        %gather3A_615 = tpu.vector_load_idx %arg10[%add3A_103, %broadcast_in_dim3A_208] : memref<160x128xf32, #tpu.memory_space<vmem>>[vector<16xi32>, vector<16xi32>], vector<16xf32>,
        %sub3A_616 = arith.subf %gather3A_594, %gather3A_595 : vector<16xf32>
        tpu.vector_store_idx %arg9[%add3A_103, %broadcast_in_dim3A_200], %sub3A_616 : memref<160x128xf32, #tpu.memory_space<vmem>>[vector<16xi32>, vector<16xi32>], vector<16xf32>,
        %mul3A_617 = arith.mulf %sub3A_616, %sub3A_616 : vector<16xf32>
        %add3A_618 = arith.addf %add3A_598, %mul3A_617 : vector<16xf32>
        %gather3A_619 = tpu.vector_load_idx %arg9[%add3A_103, %broadcast_in_dim3A_210] : memref<160x128xf32, #tpu.memory_space<vmem>>[vector<16xi32>, vector<16xi32>], vector<16xf32>,
        %gather3A_620 = tpu.vector_load_idx %arg10[%add3A_103, %broadcast_in_dim3A_210] : memref<160x128xf32, #tpu.memory_space<vmem>>[vector<16xi32>, vector<16xi32>], vector<16xf32>,
        %sub3A_621 = arith.subf %gather3A_599, %gather3A_600 : vector<16xf32>
        tpu.vector_store_idx %arg9[%add3A_103, %broadcast_in_dim3A_202], %sub3A_621 : memref<160x128xf32, #tpu.memory_space<vmem>>[vector<16xi32>, vector<16xi32>], vector<16xf32>,
        %mul3A_622 = arith.mulf %sub3A_621, %sub3A_621 : vector<16xf32>
        %add3A_623 = arith.addf %add3A_603, %mul3A_622 : vector<16xf32>
        %gather3A_624 = tpu.vector_load_idx %arg9[%add3A_103, %broadcast_in_dim3A_212] : memref<160x128xf32, #tpu.memory_space<vmem>>[vector<16xi32>, vector<16xi32>], vector<16xf32>,
        %gather3A_625 = tpu.vector_load_idx %arg10[%add3A_103, %broadcast_in_dim3A_212] : memref<160x128xf32, #tpu.memory_space<vmem>>[vector<16xi32>, vector<16xi32>], vector<16xf32>,
        %sub3A_626 = arith.subf %gather3A_604, %gather3A_605 : vector<16xf32>
        tpu.vector_store_idx %arg9[%add3A_103, %broadcast_in_dim3A_204], %sub3A_626 : memref<160x128xf32, #tpu.memory_space<vmem>>[vector<16xi32>, vector<16xi32>], vector<16xf32>,
        %mul3A_627 = arith.mulf %sub3A_626, %sub3A_626 : vector<16xf32>
        %add3A_628 = arith.addf %add3A_608, %mul3A_627 : vector<16xf32>
        %gather3A_629 = tpu.vector_load_idx %arg9[%add3A_103, %broadcast_in_dim3A_214] : memref<160x128xf32, #tpu.memory_space<vmem>>[vector<16xi32>, vector<16xi32>], vector<16xf32>,
        %gather3A_630 = tpu.vector_load_idx %arg10[%add3A_103, %broadcast_in_dim3A_214] : memref<160x128xf32, #tpu.memory_space<vmem>>[vector<16xi32>, vector<16xi32>], vector<16xf32>,
        %sub3A_631 = arith.subf %gather3A_609, %gather3A_610 : vector<16xf32>
        tpu.vector_store_idx %arg9[%add3A_103, %broadcast_in_dim3A_206], %sub3A_631 : memref<160x128xf32, #tpu.memory_space<vmem>>[vector<16xi32>, vector<16xi32>], vector<16xf32>,
        %mul3A_632 = arith.mulf %sub3A_631, %sub3A_631 : vector<16xf32>
        %add3A_633 = arith.addf %add3A_613, %mul3A_632 : vector<16xf32>
        %gather3A_634 = tpu.vector_load_idx %arg9[%add3A_103, %broadcast_in_dim3A_216] : memref<160x128xf32, #tpu.memory_space<vmem>>[vector<16xi32>, vector<16xi32>], vector<16xf32>,
        %gather3A_635 = tpu.vector_load_idx %arg10[%add3A_103, %broadcast_in_dim3A_216] : memref<160x128xf32, #tpu.memory_space<vmem>>[vector<16xi32>, vector<16xi32>], vector<16xf32>,
        %sub3A_636 = arith.subf %gather3A_614, %gather3A_615 : vector<16xf32>
        tpu.vector_store_idx %arg9[%add3A_103, %broadcast_in_dim3A_208], %sub3A_636 : memref<160x128xf32, #tpu.memory_space<vmem>>[vector<16xi32>, vector<16xi32>], vector<16xf32>,
        %mul3A_637 = arith.mulf %sub3A_636, %sub3A_636 : vector<16xf32>
        %add3A_638 = arith.addf %add3A_618, %mul3A_637 : vector<16xf32>
        %gather3A_639 = tpu.vector_load_idx %arg9[%add3A_103, %broadcast_in_dim3A_218] : memref<160x128xf32, #tpu.memory_space<vmem>>[vector<16xi32>, vector<16xi32>], vector<16xf32>,
        %gather3A_640 = tpu.vector_load_idx %arg10[%add3A_103, %broadcast_in_dim3A_218] : memref<160x128xf32, #tpu.memory_space<vmem>>[vector<16xi32>, vector<16xi32>], vector<16xf32>,
        %sub3A_641 = arith.subf %gather3A_619, %gather3A_620 : vector<16xf32>
        tpu.vector_store_idx %arg9[%add3A_103, %broadcast_in_dim3A_210], %sub3A_641 : memref<160x128xf32, #tpu.memory_space<vmem>>[vector<16xi32>, vector<16xi32>], vector<16xf32>,
        %mul3A_642 = arith.mulf %sub3A_641, %sub3A_641 : vector<16xf32>
        %add3A_643 = arith.addf %add3A_623, %mul3A_642 : vector<16xf32>
        %gather3A_644 = tpu.vector_load_idx %arg9[%add3A_103, %broadcast_in_dim3A_220] : memref<160x128xf32, #tpu.memory_space<vmem>>[vector<16xi32>, vector<16xi32>], vector<16xf32>,
        %gather3A_645 = tpu.vector_load_idx %arg10[%add3A_103, %broadcast_in_dim3A_220] : memref<160x128xf32, #tpu.memory_space<vmem>>[vector<16xi32>, vector<16xi32>], vector<16xf32>,
        %sub3A_646 = arith.subf %gather3A_624, %gather3A_625 : vector<16xf32>
        tpu.vector_store_idx %arg9[%add3A_103, %broadcast_in_dim3A_212], %sub3A_646 : memref<160x128xf32, #tpu.memory_space<vmem>>[vector<16xi32>, vector<16xi32>], vector<16xf32>,
        %mul3A_647 = arith.mulf %sub3A_646, %sub3A_646 : vector<16xf32>
        %add3A_648 = arith.addf %add3A_628, %mul3A_647 : vector<16xf32>
        %gather3A_649 = tpu.vector_load_idx %arg9[%add3A_103, %broadcast_in_dim3A_222] : memref<160x128xf32, #tpu.memory_space<vmem>>[vector<16xi32>, vector<16xi32>], vector<16xf32>,
        %gather3A_650 = tpu.vector_load_idx %arg10[%add3A_103, %broadcast_in_dim3A_222] : memref<160x128xf32, #tpu.memory_space<vmem>>[vector<16xi32>, vector<16xi32>], vector<16xf32>,
        %sub3A_651 = arith.subf %gather3A_629, %gather3A_630 : vector<16xf32>
        tpu.vector_store_idx %arg9[%add3A_103, %broadcast_in_dim3A_214], %sub3A_651 : memref<160x128xf32, #tpu.memory_space<vmem>>[vector<16xi32>, vector<16xi32>], vector<16xf32>,
        %mul3A_652 = arith.mulf %sub3A_651, %sub3A_651 : vector<16xf32>
        %add3A_653 = arith.addf %add3A_633, %mul3A_652 : vector<16xf32>
        %gather3A_654 = tpu.vector_load_idx %arg9[%add3A_103, %broadcast_in_dim3A_224] : memref<160x128xf32, #tpu.memory_space<vmem>>[vector<16xi32>, vector<16xi32>], vector<16xf32>,
        %gather3A_655 = tpu.vector_load_idx %arg10[%add3A_103, %broadcast_in_dim3A_224] : memref<160x128xf32, #tpu.memory_space<vmem>>[vector<16xi32>, vector<16xi32>], vector<16xf32>,
        %sub3A_656 = arith.subf %gather3A_634, %gather3A_635 : vector<16xf32>
        tpu.vector_store_idx %arg9[%add3A_103, %broadcast_in_dim3A_216], %sub3A_656 : memref<160x128xf32, #tpu.memory_space<vmem>>[vector<16xi32>, vector<16xi32>], vector<16xf32>,
        %mul3A_657 = arith.mulf %sub3A_656, %sub3A_656 : vector<16xf32>
        %add3A_658 = arith.addf %add3A_638, %mul3A_657 : vector<16xf32>
        %gather3A_659 = tpu.vector_load_idx %arg9[%add3A_103, %broadcast_in_dim3A_226] : memref<160x128xf32, #tpu.memory_space<vmem>>[vector<16xi32>, vector<16xi32>], vector<16xf32>,
        %gather3A_660 = tpu.vector_load_idx %arg10[%add3A_103, %broadcast_in_dim3A_226] : memref<160x128xf32, #tpu.memory_space<vmem>>[vector<16xi32>, vector<16xi32>], vector<16xf32>,
        %sub3A_661 = arith.subf %gather3A_639, %gather3A_640 : vector<16xf32>
        tpu.vector_store_idx %arg9[%add3A_103, %broadcast_in_dim3A_218], %sub3A_661 : memref<160x128xf32, #tpu.memory_space<vmem>>[vector<16xi32>, vector<16xi32>], vector<16xf32>,
        %mul3A_662 = arith.mulf %sub3A_661, %sub3A_661 : vector<16xf32>
        %add3A_663 = arith.addf %add3A_643, %mul3A_662 : vector<16xf32>
        %gather3A_664 = tpu.vector_load_idx %arg9[%add3A_103, %broadcast_in_dim3A_228] : memref<160x128xf32, #tpu.memory_space<vmem>>[vector<16xi32>, vector<16xi32>], vector<16xf32>,
        %gather3A_665 = tpu.vector_load_idx %arg10[%add3A_103, %broadcast_in_dim3A_228] : memref<160x128xf32, #tpu.memory_space<vmem>>[vector<16xi32>, vector<16xi32>], vector<16xf32>,
        %sub3A_666 = arith.subf %gather3A_644, %gather3A_645 : vector<16xf32>
        tpu.vector_store_idx %arg9[%add3A_103, %broadcast_in_dim3A_220], %sub3A_666 : memref<160x128xf32, #tpu.memory_space<vmem>>[vector<16xi32>, vector<16xi32>], vector<16xf32>,
        %mul3A_667 = arith.mulf %sub3A_666, %sub3A_666 : vector<16xf32>
        %add3A_668 = arith.addf %add3A_648, %mul3A_667 : vector<16xf32>
        %gather3A_669 = tpu.vector_load_idx %arg9[%add3A_103, %broadcast_in_dim3A_230] : memref<160x128xf32, #tpu.memory_space<vmem>>[vector<16xi32>, vector<16xi32>], vector<16xf32>,
        %gather3A_670 = tpu.vector_load_idx %arg10[%add3A_103, %broadcast_in_dim3A_230] : memref<160x128xf32, #tpu.memory_space<vmem>>[vector<16xi32>, vector<16xi32>], vector<16xf32>,
        %sub3A_671 = arith.subf %gather3A_649, %gather3A_650 : vector<16xf32>
        tpu.vector_store_idx %arg9[%add3A_103, %broadcast_in_dim3A_222], %sub3A_671 : memref<160x128xf32, #tpu.memory_space<vmem>>[vector<16xi32>, vector<16xi32>], vector<16xf32>,
        %mul3A_672 = arith.mulf %sub3A_671, %sub3A_671 : vector<16xf32>
        %add3A_673 = arith.addf %add3A_653, %mul3A_672 : vector<16xf32>
        %gather3A_674 = tpu.vector_load_idx %arg9[%add3A_103, %broadcast_in_dim3A_232] : memref<160x128xf32, #tpu.memory_space<vmem>>[vector<16xi32>, vector<16xi32>], vector<16xf32>,
        %gather3A_675 = tpu.vector_load_idx %arg10[%add3A_103, %broadcast_in_dim3A_232] : memref<160x128xf32, #tpu.memory_space<vmem>>[vector<16xi32>, vector<16xi32>], vector<16xf32>,
        %sub3A_676 = arith.subf %gather3A_654, %gather3A_655 : vector<16xf32>
        tpu.vector_store_idx %arg9[%add3A_103, %broadcast_in_dim3A_224], %sub3A_676 : memref<160x128xf32, #tpu.memory_space<vmem>>[vector<16xi32>, vector<16xi32>], vector<16xf32>,
        %mul3A_677 = arith.mulf %sub3A_676, %sub3A_676 : vector<16xf32>
        %add3A_678 = arith.addf %add3A_658, %mul3A_677 : vector<16xf32>
        %gather3A_679 = tpu.vector_load_idx %arg9[%add3A_103, %broadcast_in_dim3A_234] : memref<160x128xf32, #tpu.memory_space<vmem>>[vector<16xi32>, vector<16xi32>], vector<16xf32>,
        %gather3A_680 = tpu.vector_load_idx %arg10[%add3A_103, %broadcast_in_dim3A_234] : memref<160x128xf32, #tpu.memory_space<vmem>>[vector<16xi32>, vector<16xi32>], vector<16xf32>,
        %sub3A_681 = arith.subf %gather3A_659, %gather3A_660 : vector<16xf32>
        tpu.vector_store_idx %arg9[%add3A_103, %broadcast_in_dim3A_226], %sub3A_681 : memref<160x128xf32, #tpu.memory_space<vmem>>[vector<16xi32>, vector<16xi32>], vector<16xf32>,
        %mul3A_682 = arith.mulf %sub3A_681, %sub3A_681 : vector<16xf32>
        %add3A_683 = arith.addf %add3A_663, %mul3A_682 : vector<16xf32>
        %gather3A_684 = tpu.vector_load_idx %arg9[%add3A_103, %broadcast_in_dim3A_236] : memref<160x128xf32, #tpu.memory_space<vmem>>[vector<16xi32>, vector<16xi32>], vector<16xf32>,
        %gather3A_685 = tpu.vector_load_idx %arg10[%add3A_103, %broadcast_in_dim3A_236] : memref<160x128xf32, #tpu.memory_space<vmem>>[vector<16xi32>, vector<16xi32>], vector<16xf32>,
        %sub3A_686 = arith.subf %gather3A_664, %gather3A_665 : vector<16xf32>
        tpu.vector_store_idx %arg9[%add3A_103, %broadcast_in_dim3A_228], %sub3A_686 : memref<160x128xf32, #tpu.memory_space<vmem>>[vector<16xi32>, vector<16xi32>], vector<16xf32>,
        %mul3A_687 = arith.mulf %sub3A_686, %sub3A_686 : vector<16xf32>
        %add3A_688 = arith.addf %add3A_668, %mul3A_687 : vector<16xf32>
        %gather3A_689 = tpu.vector_load_idx %arg9[%add3A_103, %broadcast_in_dim3A_238] : memref<160x128xf32, #tpu.memory_space<vmem>>[vector<16xi32>, vector<16xi32>], vector<16xf32>,
        %gather3A_690 = tpu.vector_load_idx %arg10[%add3A_103, %broadcast_in_dim3A_238] : memref<160x128xf32, #tpu.memory_space<vmem>>[vector<16xi32>, vector<16xi32>], vector<16xf32>,
        %sub3A_691 = arith.subf %gather3A_669, %gather3A_670 : vector<16xf32>
        tpu.vector_store_idx %arg9[%add3A_103, %broadcast_in_dim3A_230], %sub3A_691 : memref<160x128xf32, #tpu.memory_space<vmem>>[vector<16xi32>, vector<16xi32>], vector<16xf32>,
        %mul3A_692 = arith.mulf %sub3A_691, %sub3A_691 : vector<16xf32>
        %add3A_693 = arith.addf %add3A_673, %mul3A_692 : vector<16xf32>
        %gather3A_694 = tpu.vector_load_idx %arg9[%add3A_103, %broadcast_in_dim3A_240] : memref<160x128xf32, #tpu.memory_space<vmem>>[vector<16xi32>, vector<16xi32>], vector<16xf32>,
        %gather3A_695 = tpu.vector_load_idx %arg10[%add3A_103, %broadcast_in_dim3A_240] : memref<160x128xf32, #tpu.memory_space<vmem>>[vector<16xi32>, vector<16xi32>], vector<16xf32>,
        %sub3A_696 = arith.subf %gather3A_674, %gather3A_675 : vector<16xf32>
        tpu.vector_store_idx %arg9[%add3A_103, %broadcast_in_dim3A_232], %sub3A_696 : memref<160x128xf32, #tpu.memory_space<vmem>>[vector<16xi32>, vector<16xi32>], vector<16xf32>,
        %mul3A_697 = arith.mulf %sub3A_696, %sub3A_696 : vector<16xf32>
        %add3A_698 = arith.addf %add3A_678, %mul3A_697 : vector<16xf32>
        %gather3A_699 = tpu.vector_load_idx %arg9[%add3A_103, %broadcast_in_dim3A_242] : memref<160x128xf32, #tpu.memory_space<vmem>>[vector<16xi32>, vector<16xi32>], vector<16xf32>,
        %gather3A_700 = tpu.vector_load_idx %arg10[%add3A_103, %broadcast_in_dim3A_242] : memref<160x128xf32, #tpu.memory_space<vmem>>[vector<16xi32>, vector<16xi32>], vector<16xf32>,
        %sub3A_701 = arith.subf %gather3A_679, %gather3A_680 : vector<16xf32>
        tpu.vector_store_idx %arg9[%add3A_103, %broadcast_in_dim3A_234], %sub3A_701 : memref<160x128xf32, #tpu.memory_space<vmem>>[vector<16xi32>, vector<16xi32>], vector<16xf32>,
        %mul3A_702 = arith.mulf %sub3A_701, %sub3A_701 : vector<16xf32>
        %add3A_703 = arith.addf %add3A_683, %mul3A_702 : vector<16xf32>
        %gather3A_704 = tpu.vector_load_idx %arg9[%add3A_103, %broadcast_in_dim3A_244] : memref<160x128xf32, #tpu.memory_space<vmem>>[vector<16xi32>, vector<16xi32>], vector<16xf32>,
        %gather3A_705 = tpu.vector_load_idx %arg10[%add3A_103, %broadcast_in_dim3A_244] : memref<160x128xf32, #tpu.memory_space<vmem>>[vector<16xi32>, vector<16xi32>], vector<16xf32>,
        %sub3A_706 = arith.subf %gather3A_684, %gather3A_685 : vector<16xf32>
        tpu.vector_store_idx %arg9[%add3A_103, %broadcast_in_dim3A_236], %sub3A_706 : memref<160x128xf32, #tpu.memory_space<vmem>>[vector<16xi32>, vector<16xi32>], vector<16xf32>,
        %mul3A_707 = arith.mulf %sub3A_706, %sub3A_706 : vector<16xf32>
        %add3A_708 = arith.addf %add3A_688, %mul3A_707 : vector<16xf32>
        %gather3A_709 = tpu.vector_load_idx %arg9[%add3A_103, %broadcast_in_dim3A_246] : memref<160x128xf32, #tpu.memory_space<vmem>>[vector<16xi32>, vector<16xi32>], vector<16xf32>,
        %gather3A_710 = tpu.vector_load_idx %arg10[%add3A_103, %broadcast_in_dim3A_246] : memref<160x128xf32, #tpu.memory_space<vmem>>[vector<16xi32>, vector<16xi32>], vector<16xf32>,
        %sub3A_711 = arith.subf %gather3A_689, %gather3A_690 : vector<16xf32>
        tpu.vector_store_idx %arg9[%add3A_103, %broadcast_in_dim3A_238], %sub3A_711 : memref<160x128xf32, #tpu.memory_space<vmem>>[vector<16xi32>, vector<16xi32>], vector<16xf32>,
        %mul3A_712 = arith.mulf %sub3A_711, %sub3A_711 : vector<16xf32>
        %add3A_713 = arith.addf %add3A_693, %mul3A_712 : vector<16xf32>
        %gather3A_714 = tpu.vector_load_idx %arg9[%add3A_103, %broadcast_in_dim3A_248] : memref<160x128xf32, #tpu.memory_space<vmem>>[vector<16xi32>, vector<16xi32>], vector<16xf32>,
        %gather3A_715 = tpu.vector_load_idx %arg10[%add3A_103, %broadcast_in_dim3A_248] : memref<160x128xf32, #tpu.memory_space<vmem>>[vector<16xi32>, vector<16xi32>], vector<16xf32>,
        %sub3A_716 = arith.subf %gather3A_694, %gather3A_695 : vector<16xf32>
        tpu.vector_store_idx %arg9[%add3A_103, %broadcast_in_dim3A_240], %sub3A_716 : memref<160x128xf32, #tpu.memory_space<vmem>>[vector<16xi32>, vector<16xi32>], vector<16xf32>,
        %mul3A_717 = arith.mulf %sub3A_716, %sub3A_716 : vector<16xf32>
        %add3A_718 = arith.addf %add3A_698, %mul3A_717 : vector<16xf32>
        %gather3A_719 = tpu.vector_load_idx %arg9[%add3A_103, %broadcast_in_dim3A_250] : memref<160x128xf32, #tpu.memory_space<vmem>>[vector<16xi32>, vector<16xi32>], vector<16xf32>,
        %gather3A_720 = tpu.vector_load_idx %arg10[%add3A_103, %broadcast_in_dim3A_250] : memref<160x128xf32, #tpu.memory_space<vmem>>[vector<16xi32>, vector<16xi32>], vector<16xf32>,
        %sub3A_721 = arith.subf %gather3A_699, %gather3A_700 : vector<16xf32>
        tpu.vector_store_idx %arg9[%add3A_103, %broadcast_in_dim3A_242], %sub3A_721 : memref<160x128xf32, #tpu.memory_space<vmem>>[vector<16xi32>, vector<16xi32>], vector<16xf32>,
        %mul3A_722 = arith.mulf %sub3A_721, %sub3A_721 : vector<16xf32>
        %add3A_723 = arith.addf %add3A_703, %mul3A_722 : vector<16xf32>
        %gather3A_724 = tpu.vector_load_idx %arg9[%add3A_103, %broadcast_in_dim3A_252] : memref<160x128xf32, #tpu.memory_space<vmem>>[vector<16xi32>, vector<16xi32>], vector<16xf32>,
        %gather3A_725 = tpu.vector_load_idx %arg10[%add3A_103, %broadcast_in_dim3A_252] : memref<160x128xf32, #tpu.memory_space<vmem>>[vector<16xi32>, vector<16xi32>], vector<16xf32>,
        %sub3A_726 = arith.subf %gather3A_704, %gather3A_705 : vector<16xf32>
        tpu.vector_store_idx %arg9[%add3A_103, %broadcast_in_dim3A_244], %sub3A_726 : memref<160x128xf32, #tpu.memory_space<vmem>>[vector<16xi32>, vector<16xi32>], vector<16xf32>,
        %mul3A_727 = arith.mulf %sub3A_726, %sub3A_726 : vector<16xf32>
        %add3A_728 = arith.addf %add3A_708, %mul3A_727 : vector<16xf32>
        %gather3A_729 = tpu.vector_load_idx %arg9[%add3A_103, %broadcast_in_dim3A_254] : memref<160x128xf32, #tpu.memory_space<vmem>>[vector<16xi32>, vector<16xi32>], vector<16xf32>,
        %gather3A_730 = tpu.vector_load_idx %arg10[%add3A_103, %broadcast_in_dim3A_254] : memref<160x128xf32, #tpu.memory_space<vmem>>[vector<16xi32>, vector<16xi32>], vector<16xf32>,
        %sub3A_731 = arith.subf %gather3A_709, %gather3A_710 : vector<16xf32>
        tpu.vector_store_idx %arg9[%add3A_103, %broadcast_in_dim3A_246], %sub3A_731 : memref<160x128xf32, #tpu.memory_space<vmem>>[vector<16xi32>, vector<16xi32>], vector<16xf32>,
        %mul3A_732 = arith.mulf %sub3A_731, %sub3A_731 : vector<16xf32>
        %add3A_733 = arith.addf %add3A_713, %mul3A_732 : vector<16xf32>
        %gather3A_734 = tpu.vector_load_idx %arg9[%add3A_103, %broadcast_in_dim3A_256] : memref<160x128xf32, #tpu.memory_space<vmem>>[vector<16xi32>, vector<16xi32>], vector<16xf32>,
        %gather3A_735 = tpu.vector_load_idx %arg10[%add3A_103, %broadcast_in_dim3A_256] : memref<160x128xf32, #tpu.memory_space<vmem>>[vector<16xi32>, vector<16xi32>], vector<16xf32>,
        %sub3A_736 = arith.subf %gather3A_714, %gather3A_715 : vector<16xf32>
        tpu.vector_store_idx %arg9[%add3A_103, %broadcast_in_dim3A_248], %sub3A_736 : memref<160x128xf32, #tpu.memory_space<vmem>>[vector<16xi32>, vector<16xi32>], vector<16xf32>,
        %mul3A_737 = arith.mulf %sub3A_736, %sub3A_736 : vector<16xf32>
        %add3A_738 = arith.addf %add3A_718, %mul3A_737 : vector<16xf32>
        %gather3A_739 = tpu.vector_load_idx %arg9[%add3A_103, %broadcast_in_dim3A_258] : memref<160x128xf32, #tpu.memory_space<vmem>>[vector<16xi32>, vector<16xi32>], vector<16xf32>,
        %gather3A_740 = tpu.vector_load_idx %arg10[%add3A_103, %broadcast_in_dim3A_258] : memref<160x128xf32, #tpu.memory_space<vmem>>[vector<16xi32>, vector<16xi32>], vector<16xf32>,
        %sub3A_741 = arith.subf %gather3A_719, %gather3A_720 : vector<16xf32>
        tpu.vector_store_idx %arg9[%add3A_103, %broadcast_in_dim3A_250], %sub3A_741 : memref<160x128xf32, #tpu.memory_space<vmem>>[vector<16xi32>, vector<16xi32>], vector<16xf32>,
        %mul3A_742 = arith.mulf %sub3A_741, %sub3A_741 : vector<16xf32>
        %add3A_743 = arith.addf %add3A_723, %mul3A_742 : vector<16xf32>
        %gather3A_744 = tpu.vector_load_idx %arg9[%add3A_103, %broadcast_in_dim3A_260] : memref<160x128xf32, #tpu.memory_space<vmem>>[vector<16xi32>, vector<16xi32>], vector<16xf32>,
        %gather3A_745 = tpu.vector_load_idx %arg10[%add3A_103, %broadcast_in_dim3A_260] : memref<160x128xf32, #tpu.memory_space<vmem>>[vector<16xi32>, vector<16xi32>], vector<16xf32>,
        %sub3A_746 = arith.subf %gather3A_724, %gather3A_725 : vector<16xf32>
        tpu.vector_store_idx %arg9[%add3A_103, %broadcast_in_dim3A_252], %sub3A_746 : memref<160x128xf32, #tpu.memory_space<vmem>>[vector<16xi32>, vector<16xi32>], vector<16xf32>,
        %mul3A_747 = arith.mulf %sub3A_746, %sub3A_746 : vector<16xf32>
        %add3A_748 = arith.addf %add3A_728, %mul3A_747 : vector<16xf32>
        %gather3A_749 = tpu.vector_load_idx %arg9[%add3A_103, %broadcast_in_dim3A_262] : memref<160x128xf32, #tpu.memory_space<vmem>>[vector<16xi32>, vector<16xi32>], vector<16xf32>,
        %gather3A_750 = tpu.vector_load_idx %arg10[%add3A_103, %broadcast_in_dim3A_262] : memref<160x128xf32, #tpu.memory_space<vmem>>[vector<16xi32>, vector<16xi32>], vector<16xf32>,
        %sub3A_751 = arith.subf %gather3A_729, %gather3A_730 : vector<16xf32>
        tpu.vector_store_idx %arg9[%add3A_103, %broadcast_in_dim3A_254], %sub3A_751 : memref<160x128xf32, #tpu.memory_space<vmem>>[vector<16xi32>, vector<16xi32>], vector<16xf32>,
        %mul3A_752 = arith.mulf %sub3A_751, %sub3A_751 : vector<16xf32>
        %add3A_753 = arith.addf %add3A_733, %mul3A_752 : vector<16xf32>
        %gather3A_754 = tpu.vector_load_idx %arg9[%add3A_103, %broadcast_in_dim3A_264] : memref<160x128xf32, #tpu.memory_space<vmem>>[vector<16xi32>, vector<16xi32>], vector<16xf32>,
        %gather3A_755 = tpu.vector_load_idx %arg10[%add3A_103, %broadcast_in_dim3A_264] : memref<160x128xf32, #tpu.memory_space<vmem>>[vector<16xi32>, vector<16xi32>], vector<16xf32>,
        %sub3A_756 = arith.subf %gather3A_734, %gather3A_735 : vector<16xf32>
        tpu.vector_store_idx %arg9[%add3A_103, %broadcast_in_dim3A_256], %sub3A_756 : memref<160x128xf32, #tpu.memory_space<vmem>>[vector<16xi32>, vector<16xi32>], vector<16xf32>,
        %mul3A_757 = arith.mulf %sub3A_756, %sub3A_756 : vector<16xf32>
        %add3A_758 = arith.addf %add3A_738, %mul3A_757 : vector<16xf32>
        %gather3A_759 = tpu.vector_load_idx %arg9[%add3A_103, %broadcast_in_dim3A_266] : memref<160x128xf32, #tpu.memory_space<vmem>>[vector<16xi32>, vector<16xi32>], vector<16xf32>,
        %gather3A_760 = tpu.vector_load_idx %arg10[%add3A_103, %broadcast_in_dim3A_266] : memref<160x128xf32, #tpu.memory_space<vmem>>[vector<16xi32>, vector<16xi32>], vector<16xf32>,
        %sub3A_761 = arith.subf %gather3A_739, %gather3A_740 : vector<16xf32>
        tpu.vector_store_idx %arg9[%add3A_103, %broadcast_in_dim3A_258], %sub3A_761 : memref<160x128xf32, #tpu.memory_space<vmem>>[vector<16xi32>, vector<16xi32>], vector<16xf32>,
        %mul3A_762 = arith.mulf %sub3A_761, %sub3A_761 : vector<16xf32>
        %add3A_763 = arith.addf %add3A_743, %mul3A_762 : vector<16xf32>
        %gather3A_764 = tpu.vector_load_idx %arg9[%add3A_103, %broadcast_in_dim3A_268] : memref<160x128xf32, #tpu.memory_space<vmem>>[vector<16xi32>, vector<16xi32>], vector<16xf32>,
        %gather3A_765 = tpu.vector_load_idx %arg10[%add3A_103, %broadcast_in_dim3A_268] : memref<160x128xf32, #tpu.memory_space<vmem>>[vector<16xi32>, vector<16xi32>], vector<16xf32>,
        %sub3A_766 = arith.subf %gather3A_744, %gather3A_745 : vector<16xf32>
        tpu.vector_store_idx %arg9[%add3A_103, %broadcast_in_dim3A_260], %sub3A_766 : memref<160x128xf32, #tpu.memory_space<vmem>>[vector<16xi32>, vector<16xi32>], vector<16xf32>,
        %mul3A_767 = arith.mulf %sub3A_766, %sub3A_766 : vector<16xf32>
        %add3A_768 = arith.addf %add3A_748, %mul3A_767 : vector<16xf32>
        %gather3A_769 = tpu.vector_load_idx %arg9[%add3A_103, %broadcast_in_dim3A_270] : memref<160x128xf32, #tpu.memory_space<vmem>>[vector<16xi32>, vector<16xi32>], vector<16xf32>,
        %gather3A_770 = tpu.vector_load_idx %arg10[%add3A_103, %broadcast_in_dim3A_270] : memref<160x128xf32, #tpu.memory_space<vmem>>[vector<16xi32>, vector<16xi32>], vector<16xf32>,
        %sub3A_771 = arith.subf %gather3A_749, %gather3A_750 : vector<16xf32>
        tpu.vector_store_idx %arg9[%add3A_103, %broadcast_in_dim3A_262], %sub3A_771 : memref<160x128xf32, #tpu.memory_space<vmem>>[vector<16xi32>, vector<16xi32>], vector<16xf32>,
        %mul3A_772 = arith.mulf %sub3A_771, %sub3A_771 : vector<16xf32>
        %add3A_773 = arith.addf %add3A_753, %mul3A_772 : vector<16xf32>
        %gather3A_774 = tpu.vector_load_idx %arg9[%add3A_103, %broadcast_in_dim3A_272] : memref<160x128xf32, #tpu.memory_space<vmem>>[vector<16xi32>, vector<16xi32>], vector<16xf32>,
        %gather3A_775 = tpu.vector_load_idx %arg10[%add3A_103, %broadcast_in_dim3A_272] : memref<160x128xf32, #tpu.memory_space<vmem>>[vector<16xi32>, vector<16xi32>], vector<16xf32>,
        %sub3A_776 = arith.subf %gather3A_754, %gather3A_755 : vector<16xf32>
        tpu.vector_store_idx %arg9[%add3A_103, %broadcast_in_dim3A_264], %sub3A_776 : memref<160x128xf32, #tpu.memory_space<vmem>>[vector<16xi32>, vector<16xi32>], vector<16xf32>,
        %mul3A_777 = arith.mulf %sub3A_776, %sub3A_776 : vector<16xf32>
        %add3A_778 = arith.addf %add3A_758, %mul3A_777 : vector<16xf32>
        %gather3A_779 = tpu.vector_load_idx %arg9[%add3A_103, %broadcast_in_dim3A_274] : memref<160x128xf32, #tpu.memory_space<vmem>>[vector<16xi32>, vector<16xi32>], vector<16xf32>,
        %gather3A_780 = tpu.vector_load_idx %arg10[%add3A_103, %broadcast_in_dim3A_274] : memref<160x128xf32, #tpu.memory_space<vmem>>[vector<16xi32>, vector<16xi32>], vector<16xf32>,
        %sub3A_781 = arith.subf %gather3A_759, %gather3A_760 : vector<16xf32>
        tpu.vector_store_idx %arg9[%add3A_103, %broadcast_in_dim3A_266], %sub3A_781 : memref<160x128xf32, #tpu.memory_space<vmem>>[vector<16xi32>, vector<16xi32>], vector<16xf32>,
        %mul3A_782 = arith.mulf %sub3A_781, %sub3A_781 : vector<16xf32>
        %add3A_783 = arith.addf %add3A_763, %mul3A_782 : vector<16xf32>
        %gather3A_784 = tpu.vector_load_idx %arg9[%add3A_103, %broadcast_in_dim3A_276] : memref<160x128xf32, #tpu.memory_space<vmem>>[vector<16xi32>, vector<16xi32>], vector<16xf32>,
        %gather3A_785 = tpu.vector_load_idx %arg10[%add3A_103, %broadcast_in_dim3A_276] : memref<160x128xf32, #tpu.memory_space<vmem>>[vector<16xi32>, vector<16xi32>], vector<16xf32>,
        %sub3A_786 = arith.subf %gather3A_764, %gather3A_765 : vector<16xf32>
        tpu.vector_store_idx %arg9[%add3A_103, %broadcast_in_dim3A_268], %sub3A_786 : memref<160x128xf32, #tpu.memory_space<vmem>>[vector<16xi32>, vector<16xi32>], vector<16xf32>,
        %mul3A_787 = arith.mulf %sub3A_786, %sub3A_786 : vector<16xf32>
        %add3A_788 = arith.addf %add3A_768, %mul3A_787 : vector<16xf32>
        %gather3A_789 = tpu.vector_load_idx %arg9[%add3A_103, %broadcast_in_dim3A_278] : memref<160x128xf32, #tpu.memory_space<vmem>>[vector<16xi32>, vector<16xi32>], vector<16xf32>,
        %gather3A_790 = tpu.vector_load_idx %arg10[%add3A_103, %broadcast_in_dim3A_278] : memref<160x128xf32, #tpu.memory_space<vmem>>[vector<16xi32>, vector<16xi32>], vector<16xf32>,
        %sub3A_791 = arith.subf %gather3A_769, %gather3A_770 : vector<16xf32>
        tpu.vector_store_idx %arg9[%add3A_103, %broadcast_in_dim3A_270], %sub3A_791 : memref<160x128xf32, #tpu.memory_space<vmem>>[vector<16xi32>, vector<16xi32>], vector<16xf32>,
        %mul3A_792 = arith.mulf %sub3A_791, %sub3A_791 : vector<16xf32>
        %add3A_793 = arith.addf %add3A_773, %mul3A_792 : vector<16xf32>
        %gather3A_794 = tpu.vector_load_idx %arg9[%add3A_103, %broadcast_in_dim3A_280] : memref<160x128xf32, #tpu.memory_space<vmem>>[vector<16xi32>, vector<16xi32>], vector<16xf32>,
        %gather3A_795 = tpu.vector_load_idx %arg10[%add3A_103, %broadcast_in_dim3A_280] : memref<160x128xf32, #tpu.memory_space<vmem>>[vector<16xi32>, vector<16xi32>], vector<16xf32>,
        %sub3A_796 = arith.subf %gather3A_774, %gather3A_775 : vector<16xf32>
        tpu.vector_store_idx %arg9[%add3A_103, %broadcast_in_dim3A_272], %sub3A_796 : memref<160x128xf32, #tpu.memory_space<vmem>>[vector<16xi32>, vector<16xi32>], vector<16xf32>,
        %mul3A_797 = arith.mulf %sub3A_796, %sub3A_796 : vector<16xf32>
        %add3A_798 = arith.addf %add3A_778, %mul3A_797 : vector<16xf32>
        %gather3A_799 = tpu.vector_load_idx %arg9[%add3A_103, %broadcast_in_dim3A_282] : memref<160x128xf32, #tpu.memory_space<vmem>>[vector<16xi32>, vector<16xi32>], vector<16xf32>,
        %gather3A_800 = tpu.vector_load_idx %arg10[%add3A_103, %broadcast_in_dim3A_282] : memref<160x128xf32, #tpu.memory_space<vmem>>[vector<16xi32>, vector<16xi32>], vector<16xf32>,
        %sub3A_801 = arith.subf %gather3A_779, %gather3A_780 : vector<16xf32>
        tpu.vector_store_idx %arg9[%add3A_103, %broadcast_in_dim3A_274], %sub3A_801 : memref<160x128xf32, #tpu.memory_space<vmem>>[vector<16xi32>, vector<16xi32>], vector<16xf32>,
        %mul3A_802 = arith.mulf %sub3A_801, %sub3A_801 : vector<16xf32>
        %add3A_803 = arith.addf %add3A_783, %mul3A_802 : vector<16xf32>
        %gather3A_804 = tpu.vector_load_idx %arg9[%add3A_103, %broadcast_in_dim3A_284] : memref<160x128xf32, #tpu.memory_space<vmem>>[vector<16xi32>, vector<16xi32>], vector<16xf32>,
        %gather3A_805 = tpu.vector_load_idx %arg10[%add3A_103, %broadcast_in_dim3A_284] : memref<160x128xf32, #tpu.memory_space<vmem>>[vector<16xi32>, vector<16xi32>], vector<16xf32>,
        %sub3A_806 = arith.subf %gather3A_784, %gather3A_785 : vector<16xf32>
        tpu.vector_store_idx %arg9[%add3A_103, %broadcast_in_dim3A_276], %sub3A_806 : memref<160x128xf32, #tpu.memory_space<vmem>>[vector<16xi32>, vector<16xi32>], vector<16xf32>,
        %mul3A_807 = arith.mulf %sub3A_806, %sub3A_806 : vector<16xf32>
        %add3A_808 = arith.addf %add3A_788, %mul3A_807 : vector<16xf32>
        %gather3A_809 = tpu.vector_load_idx %arg9[%add3A_103, %broadcast_in_dim3A_286] : memref<160x128xf32, #tpu.memory_space<vmem>>[vector<16xi32>, vector<16xi32>], vector<16xf32>,
        %gather3A_810 = tpu.vector_load_idx %arg10[%add3A_103, %broadcast_in_dim3A_286] : memref<160x128xf32, #tpu.memory_space<vmem>>[vector<16xi32>, vector<16xi32>], vector<16xf32>,
        %sub3A_811 = arith.subf %gather3A_789, %gather3A_790 : vector<16xf32>
        tpu.vector_store_idx %arg9[%add3A_103, %broadcast_in_dim3A_278], %sub3A_811 : memref<160x128xf32, #tpu.memory_space<vmem>>[vector<16xi32>, vector<16xi32>], vector<16xf32>,
        %mul3A_812 = arith.mulf %sub3A_811, %sub3A_811 : vector<16xf32>
        %add3A_813 = arith.addf %add3A_793, %mul3A_812 : vector<16xf32>
        %gather3A_814 = tpu.vector_load_idx %arg9[%add3A_103, %broadcast_in_dim3A_288] : memref<160x128xf32, #tpu.memory_space<vmem>>[vector<16xi32>, vector<16xi32>], vector<16xf32>,
        %gather3A_815 = tpu.vector_load_idx %arg10[%add3A_103, %broadcast_in_dim3A_288] : memref<160x128xf32, #tpu.memory_space<vmem>>[vector<16xi32>, vector<16xi32>], vector<16xf32>,
        %sub3A_816 = arith.subf %gather3A_794, %gather3A_795 : vector<16xf32>
        tpu.vector_store_idx %arg9[%add3A_103, %broadcast_in_dim3A_280], %sub3A_816 : memref<160x128xf32, #tpu.memory_space<vmem>>[vector<16xi32>, vector<16xi32>], vector<16xf32>,
        %mul3A_817 = arith.mulf %sub3A_816, %sub3A_816 : vector<16xf32>
        %add3A_818 = arith.addf %add3A_798, %mul3A_817 : vector<16xf32>
        %gather3A_819 = tpu.vector_load_idx %arg9[%add3A_103, %broadcast_in_dim3A_290] : memref<160x128xf32, #tpu.memory_space<vmem>>[vector<16xi32>, vector<16xi32>], vector<16xf32>,
        %gather3A_820 = tpu.vector_load_idx %arg10[%add3A_103, %broadcast_in_dim3A_290] : memref<160x128xf32, #tpu.memory_space<vmem>>[vector<16xi32>, vector<16xi32>], vector<16xf32>,
        %sub3A_821 = arith.subf %gather3A_799, %gather3A_800 : vector<16xf32>
        tpu.vector_store_idx %arg9[%add3A_103, %broadcast_in_dim3A_282], %sub3A_821 : memref<160x128xf32, #tpu.memory_space<vmem>>[vector<16xi32>, vector<16xi32>], vector<16xf32>,
        %mul3A_822 = arith.mulf %sub3A_821, %sub3A_821 : vector<16xf32>
        %add3A_823 = arith.addf %add3A_803, %mul3A_822 : vector<16xf32>
        %gather3A_824 = tpu.vector_load_idx %arg9[%add3A_103, %broadcast_in_dim3A_292] : memref<160x128xf32, #tpu.memory_space<vmem>>[vector<16xi32>, vector<16xi32>], vector<16xf32>,
        %gather3A_825 = tpu.vector_load_idx %arg10[%add3A_103, %broadcast_in_dim3A_292] : memref<160x128xf32, #tpu.memory_space<vmem>>[vector<16xi32>, vector<16xi32>], vector<16xf32>,
        %sub3A_826 = arith.subf %gather3A_804, %gather3A_805 : vector<16xf32>
        tpu.vector_store_idx %arg9[%add3A_103, %broadcast_in_dim3A_284], %sub3A_826 : memref<160x128xf32, #tpu.memory_space<vmem>>[vector<16xi32>, vector<16xi32>], vector<16xf32>,
        %mul3A_827 = arith.mulf %sub3A_826, %sub3A_826 : vector<16xf32>
        %add3A_828 = arith.addf %add3A_808, %mul3A_827 : vector<16xf32>
        %gather3A_829 = tpu.vector_load_idx %arg9[%add3A_103, %broadcast_in_dim3A_294] : memref<160x128xf32, #tpu.memory_space<vmem>>[vector<16xi32>, vector<16xi32>], vector<16xf32>,
        %gather3A_830 = tpu.vector_load_idx %arg10[%add3A_103, %broadcast_in_dim3A_294] : memref<160x128xf32, #tpu.memory_space<vmem>>[vector<16xi32>, vector<16xi32>], vector<16xf32>,
        %sub3A_831 = arith.subf %gather3A_809, %gather3A_810 : vector<16xf32>
        tpu.vector_store_idx %arg9[%add3A_103, %broadcast_in_dim3A_286], %sub3A_831 : memref<160x128xf32, #tpu.memory_space<vmem>>[vector<16xi32>, vector<16xi32>], vector<16xf32>,
        %mul3A_832 = arith.mulf %sub3A_831, %sub3A_831 : vector<16xf32>
        %add3A_833 = arith.addf %add3A_813, %mul3A_832 : vector<16xf32>
        %gather3A_834 = tpu.vector_load_idx %arg9[%add3A_103, %broadcast_in_dim3A_296] : memref<160x128xf32, #tpu.memory_space<vmem>>[vector<16xi32>, vector<16xi32>], vector<16xf32>,
        %gather3A_835 = tpu.vector_load_idx %arg10[%add3A_103, %broadcast_in_dim3A_296] : memref<160x128xf32, #tpu.memory_space<vmem>>[vector<16xi32>, vector<16xi32>], vector<16xf32>,
        %sub3A_836 = arith.subf %gather3A_814, %gather3A_815 : vector<16xf32>
        tpu.vector_store_idx %arg9[%add3A_103, %broadcast_in_dim3A_288], %sub3A_836 : memref<160x128xf32, #tpu.memory_space<vmem>>[vector<16xi32>, vector<16xi32>], vector<16xf32>,
        %mul3A_837 = arith.mulf %sub3A_836, %sub3A_836 : vector<16xf32>
        %add3A_838 = arith.addf %add3A_818, %mul3A_837 : vector<16xf32>
        %gather3A_839 = tpu.vector_load_idx %arg9[%add3A_103, %broadcast_in_dim3A_298] : memref<160x128xf32, #tpu.memory_space<vmem>>[vector<16xi32>, vector<16xi32>], vector<16xf32>,
        %gather3A_840 = tpu.vector_load_idx %arg10[%add3A_103, %broadcast_in_dim3A_298] : memref<160x128xf32, #tpu.memory_space<vmem>>[vector<16xi32>, vector<16xi32>], vector<16xf32>,
        %sub3A_841 = arith.subf %gather3A_819, %gather3A_820 : vector<16xf32>
        tpu.vector_store_idx %arg9[%add3A_103, %broadcast_in_dim3A_290], %sub3A_841 : memref<160x128xf32, #tpu.memory_space<vmem>>[vector<16xi32>, vector<16xi32>], vector<16xf32>,
        %mul3A_842 = arith.mulf %sub3A_841, %sub3A_841 : vector<16xf32>
        %add3A_843 = arith.addf %add3A_823, %mul3A_842 : vector<16xf32>
        %gather3A_844 = tpu.vector_load_idx %arg9[%add3A_103, %broadcast_in_dim3A_300] : memref<160x128xf32, #tpu.memory_space<vmem>>[vector<16xi32>, vector<16xi32>], vector<16xf32>,
        %gather3A_845 = tpu.vector_load_idx %arg10[%add3A_103, %broadcast_in_dim3A_300] : memref<160x128xf32, #tpu.memory_space<vmem>>[vector<16xi32>, vector<16xi32>], vector<16xf32>,
        %sub3A_846 = arith.subf %gather3A_824, %gather3A_825 : vector<16xf32>
        tpu.vector_store_idx %arg9[%add3A_103, %broadcast_in_dim3A_292], %sub3A_846 : memref<160x128xf32, #tpu.memory_space<vmem>>[vector<16xi32>, vector<16xi32>], vector<16xf32>,
        %mul3A_847 = arith.mulf %sub3A_846, %sub3A_846 : vector<16xf32>
        %add3A_848 = arith.addf %add3A_828, %mul3A_847 : vector<16xf32>
        %gather3A_849 = tpu.vector_load_idx %arg9[%add3A_103, %broadcast_in_dim3A_302] : memref<160x128xf32, #tpu.memory_space<vmem>>[vector<16xi32>, vector<16xi32>], vector<16xf32>,
        %gather3A_850 = tpu.vector_load_idx %arg10[%add3A_103, %broadcast_in_dim3A_302] : memref<160x128xf32, #tpu.memory_space<vmem>>[vector<16xi32>, vector<16xi32>], vector<16xf32>,
        %sub3A_851 = arith.subf %gather3A_829, %gather3A_830 : vector<16xf32>
        tpu.vector_store_idx %arg9[%add3A_103, %broadcast_in_dim3A_294], %sub3A_851 : memref<160x128xf32, #tpu.memory_space<vmem>>[vector<16xi32>, vector<16xi32>], vector<16xf32>,
        %mul3A_852 = arith.mulf %sub3A_851, %sub3A_851 : vector<16xf32>
        %add3A_853 = arith.addf %add3A_833, %mul3A_852 : vector<16xf32>
        %gather3A_854 = tpu.vector_load_idx %arg9[%add3A_103, %broadcast_in_dim3A_304] : memref<160x128xf32, #tpu.memory_space<vmem>>[vector<16xi32>, vector<16xi32>], vector<16xf32>,
        %gather3A_855 = tpu.vector_load_idx %arg10[%add3A_103, %broadcast_in_dim3A_304] : memref<160x128xf32, #tpu.memory_space<vmem>>[vector<16xi32>, vector<16xi32>], vector<16xf32>,
        %sub3A_856 = arith.subf %gather3A_834, %gather3A_835 : vector<16xf32>
        tpu.vector_store_idx %arg9[%add3A_103, %broadcast_in_dim3A_296], %sub3A_856 : memref<160x128xf32, #tpu.memory_space<vmem>>[vector<16xi32>, vector<16xi32>], vector<16xf32>,
        %mul3A_857 = arith.mulf %sub3A_856, %sub3A_856 : vector<16xf32>
        %add3A_858 = arith.addf %add3A_838, %mul3A_857 : vector<16xf32>
        %gather3A_859 = tpu.vector_load_idx %arg9[%add3A_103, %broadcast_in_dim3A_306] : memref<160x128xf32, #tpu.memory_space<vmem>>[vector<16xi32>, vector<16xi32>], vector<16xf32>,
        %gather3A_860 = tpu.vector_load_idx %arg10[%add3A_103, %broadcast_in_dim3A_306] : memref<160x128xf32, #tpu.memory_space<vmem>>[vector<16xi32>, vector<16xi32>], vector<16xf32>,
        %sub3A_861 = arith.subf %gather3A_839, %gather3A_840 : vector<16xf32>
        tpu.vector_store_idx %arg9[%add3A_103, %broadcast_in_dim3A_298], %sub3A_861 : memref<160x128xf32, #tpu.memory_space<vmem>>[vector<16xi32>, vector<16xi32>], vector<16xf32>,
        %mul3A_862 = arith.mulf %sub3A_861, %sub3A_861 : vector<16xf32>
        %add3A_863 = arith.addf %add3A_843, %mul3A_862 : vector<16xf32>
        %gather3A_864 = tpu.vector_load_idx %arg9[%add3A_103, %broadcast_in_dim3A_308] : memref<160x128xf32, #tpu.memory_space<vmem>>[vector<16xi32>, vector<16xi32>], vector<16xf32>,
        %gather3A_865 = tpu.vector_load_idx %arg10[%add3A_103, %broadcast_in_dim3A_308] : memref<160x128xf32, #tpu.memory_space<vmem>>[vector<16xi32>, vector<16xi32>], vector<16xf32>,
        %sub3A_866 = arith.subf %gather3A_844, %gather3A_845 : vector<16xf32>
        tpu.vector_store_idx %arg9[%add3A_103, %broadcast_in_dim3A_300], %sub3A_866 : memref<160x128xf32, #tpu.memory_space<vmem>>[vector<16xi32>, vector<16xi32>], vector<16xf32>,
        %mul3A_867 = arith.mulf %sub3A_866, %sub3A_866 : vector<16xf32>
        %add3A_868 = arith.addf %add3A_848, %mul3A_867 : vector<16xf32>
        %gather3A_869 = tpu.vector_load_idx %arg9[%add3A_103, %broadcast_in_dim3A_310] : memref<160x128xf32, #tpu.memory_space<vmem>>[vector<16xi32>, vector<16xi32>], vector<16xf32>,
        %gather3A_870 = tpu.vector_load_idx %arg10[%add3A_103, %broadcast_in_dim3A_310] : memref<160x128xf32, #tpu.memory_space<vmem>>[vector<16xi32>, vector<16xi32>], vector<16xf32>,
        %sub3A_871 = arith.subf %gather3A_849, %gather3A_850 : vector<16xf32>
        tpu.vector_store_idx %arg9[%add3A_103, %broadcast_in_dim3A_302], %sub3A_871 : memref<160x128xf32, #tpu.memory_space<vmem>>[vector<16xi32>, vector<16xi32>], vector<16xf32>,
        %mul3A_872 = arith.mulf %sub3A_871, %sub3A_871 : vector<16xf32>
        %add3A_873 = arith.addf %add3A_853, %mul3A_872 : vector<16xf32>
        %gather3A_874 = tpu.vector_load_idx %arg9[%add3A_103, %broadcast_in_dim3A_312] : memref<160x128xf32, #tpu.memory_space<vmem>>[vector<16xi32>, vector<16xi32>], vector<16xf32>,
        %gather3A_875 = tpu.vector_load_idx %arg10[%add3A_103, %broadcast_in_dim3A_312] : memref<160x128xf32, #tpu.memory_space<vmem>>[vector<16xi32>, vector<16xi32>], vector<16xf32>,
        %sub3A_876 = arith.subf %gather3A_854, %gather3A_855 : vector<16xf32>
        tpu.vector_store_idx %arg9[%add3A_103, %broadcast_in_dim3A_304], %sub3A_876 : memref<160x128xf32, #tpu.memory_space<vmem>>[vector<16xi32>, vector<16xi32>], vector<16xf32>,
        %mul3A_877 = arith.mulf %sub3A_876, %sub3A_876 : vector<16xf32>
        %add3A_878 = arith.addf %add3A_858, %mul3A_877 : vector<16xf32>
        %gather3A_879 = tpu.vector_load_idx %arg9[%add3A_103, %broadcast_in_dim3A_314] : memref<160x128xf32, #tpu.memory_space<vmem>>[vector<16xi32>, vector<16xi32>], vector<16xf32>,
        %gather3A_880 = tpu.vector_load_idx %arg10[%add3A_103, %broadcast_in_dim3A_314] : memref<160x128xf32, #tpu.memory_space<vmem>>[vector<16xi32>, vector<16xi32>], vector<16xf32>,
        %sub3A_881 = arith.subf %gather3A_859, %gather3A_860 : vector<16xf32>
        tpu.vector_store_idx %arg9[%add3A_103, %broadcast_in_dim3A_306], %sub3A_881 : memref<160x128xf32, #tpu.memory_space<vmem>>[vector<16xi32>, vector<16xi32>], vector<16xf32>,
        %mul3A_882 = arith.mulf %sub3A_881, %sub3A_881 : vector<16xf32>
        %add3A_883 = arith.addf %add3A_863, %mul3A_882 : vector<16xf32>
        %gather3A_884 = tpu.vector_load_idx %arg9[%add3A_103, %broadcast_in_dim3A_316] : memref<160x128xf32, #tpu.memory_space<vmem>>[vector<16xi32>, vector<16xi32>], vector<16xf32>,
        %gather3A_885 = tpu.vector_load_idx %arg10[%add3A_103, %broadcast_in_dim3A_316] : memref<160x128xf32, #tpu.memory_space<vmem>>[vector<16xi32>, vector<16xi32>], vector<16xf32>,
        %sub3A_886 = arith.subf %gather3A_864, %gather3A_865 : vector<16xf32>
        tpu.vector_store_idx %arg9[%add3A_103, %broadcast_in_dim3A_308], %sub3A_886 : memref<160x128xf32, #tpu.memory_space<vmem>>[vector<16xi32>, vector<16xi32>], vector<16xf32>,
        %mul3A_887 = arith.mulf %sub3A_886, %sub3A_886 : vector<16xf32>
        %add3A_888 = arith.addf %add3A_868, %mul3A_887 : vector<16xf32>
        %gather3A_889 = tpu.vector_load_idx %arg9[%add3A_103, %broadcast_in_dim3A_318] : memref<160x128xf32, #tpu.memory_space<vmem>>[vector<16xi32>, vector<16xi32>], vector<16xf32>,
        %gather3A_890 = tpu.vector_load_idx %arg10[%add3A_103, %broadcast_in_dim3A_318] : memref<160x128xf32, #tpu.memory_space<vmem>>[vector<16xi32>, vector<16xi32>], vector<16xf32>,
        %sub3A_891 = arith.subf %gather3A_869, %gather3A_870 : vector<16xf32>
        tpu.vector_store_idx %arg9[%add3A_103, %broadcast_in_dim3A_310], %sub3A_891 : memref<160x128xf32, #tpu.memory_space<vmem>>[vector<16xi32>, vector<16xi32>], vector<16xf32>,
        %mul3A_892 = arith.mulf %sub3A_891, %sub3A_891 : vector<16xf32>
        %add3A_893 = arith.addf %add3A_873, %mul3A_892 : vector<16xf32>
        %gather3A_894 = tpu.vector_load_idx %arg9[%add3A_103, %broadcast_in_dim3A_320] : memref<160x128xf32, #tpu.memory_space<vmem>>[vector<16xi32>, vector<16xi32>], vector<16xf32>,
        %gather3A_895 = tpu.vector_load_idx %arg10[%add3A_103, %broadcast_in_dim3A_320] : memref<160x128xf32, #tpu.memory_space<vmem>>[vector<16xi32>, vector<16xi32>], vector<16xf32>,
        %sub3A_896 = arith.subf %gather3A_874, %gather3A_875 : vector<16xf32>
        tpu.vector_store_idx %arg9[%add3A_103, %broadcast_in_dim3A_312], %sub3A_896 : memref<160x128xf32, #tpu.memory_space<vmem>>[vector<16xi32>, vector<16xi32>], vector<16xf32>,
        %mul3A_897 = arith.mulf %sub3A_896, %sub3A_896 : vector<16xf32>
        %add3A_898 = arith.addf %add3A_878, %mul3A_897 : vector<16xf32>
        %gather3A_899 = tpu.vector_load_idx %arg9[%add3A_103, %broadcast_in_dim3A_322] : memref<160x128xf32, #tpu.memory_space<vmem>>[vector<16xi32>, vector<16xi32>], vector<16xf32>,
        %gather3A_900 = tpu.vector_load_idx %arg10[%add3A_103, %broadcast_in_dim3A_322] : memref<160x128xf32, #tpu.memory_space<vmem>>[vector<16xi32>, vector<16xi32>], vector<16xf32>,
        %sub3A_901 = arith.subf %gather3A_879, %gather3A_880 : vector<16xf32>
        tpu.vector_store_idx %arg9[%add3A_103, %broadcast_in_dim3A_314], %sub3A_901 : memref<160x128xf32, #tpu.memory_space<vmem>>[vector<16xi32>, vector<16xi32>], vector<16xf32>,
        %mul3A_902 = arith.mulf %sub3A_901, %sub3A_901 : vector<16xf32>
        %add3A_903 = arith.addf %add3A_883, %mul3A_902 : vector<16xf32>
        %gather3A_904 = tpu.vector_load_idx %arg9[%add3A_103, %broadcast_in_dim3A_324] : memref<160x128xf32, #tpu.memory_space<vmem>>[vector<16xi32>, vector<16xi32>], vector<16xf32>,
        %gather3A_905 = tpu.vector_load_idx %arg10[%add3A_103, %broadcast_in_dim3A_324] : memref<160x128xf32, #tpu.memory_space<vmem>>[vector<16xi32>, vector<16xi32>], vector<16xf32>,
        %sub3A_906 = arith.subf %gather3A_884, %gather3A_885 : vector<16xf32>
        tpu.vector_store_idx %arg9[%add3A_103, %broadcast_in_dim3A_316], %sub3A_906 : memref<160x128xf32, #tpu.memory_space<vmem>>[vector<16xi32>, vector<16xi32>], vector<16xf32>,
        %mul3A_907 = arith.mulf %sub3A_906, %sub3A_906 : vector<16xf32>
        %add3A_908 = arith.addf %add3A_888, %mul3A_907 : vector<16xf32>
        %gather3A_909 = tpu.vector_load_idx %arg9[%add3A_103, %broadcast_in_dim3A_326] : memref<160x128xf32, #tpu.memory_space<vmem>>[vector<16xi32>, vector<16xi32>], vector<16xf32>,
        %gather3A_910 = tpu.vector_load_idx %arg10[%add3A_103, %broadcast_in_dim3A_326] : memref<160x128xf32, #tpu.memory_space<vmem>>[vector<16xi32>, vector<16xi32>], vector<16xf32>,
        %sub3A_911 = arith.subf %gather3A_889, %gather3A_890 : vector<16xf32>
        tpu.vector_store_idx %arg9[%add3A_103, %broadcast_in_dim3A_318], %sub3A_911 : memref<160x128xf32, #tpu.memory_space<vmem>>[vector<16xi32>, vector<16xi32>], vector<16xf32>,
        %mul3A_912 = arith.mulf %sub3A_911, %sub3A_911 : vector<16xf32>
        %add3A_913 = arith.addf %add3A_893, %mul3A_912 : vector<16xf32>
        %gather3A_914 = tpu.vector_load_idx %arg9[%add3A_103, %broadcast_in_dim3A_328] : memref<160x128xf32, #tpu.memory_space<vmem>>[vector<16xi32>, vector<16xi32>], vector<16xf32>,
        %gather3A_915 = tpu.vector_load_idx %arg10[%add3A_103, %broadcast_in_dim3A_328] : memref<160x128xf32, #tpu.memory_space<vmem>>[vector<16xi32>, vector<16xi32>], vector<16xf32>,
        %sub3A_916 = arith.subf %gather3A_894, %gather3A_895 : vector<16xf32>
        tpu.vector_store_idx %arg9[%add3A_103, %broadcast_in_dim3A_320], %sub3A_916 : memref<160x128xf32, #tpu.memory_space<vmem>>[vector<16xi32>, vector<16xi32>], vector<16xf32>,
        %mul3A_917 = arith.mulf %sub3A_916, %sub3A_916 : vector<16xf32>
        %add3A_918 = arith.addf %add3A_898, %mul3A_917 : vector<16xf32>
        %gather3A_919 = tpu.vector_load_idx %arg9[%add3A_103, %broadcast_in_dim3A_330] : memref<160x128xf32, #tpu.memory_space<vmem>>[vector<16xi32>, vector<16xi32>], vector<16xf32>,
        %gather3A_920 = tpu.vector_load_idx %arg10[%add3A_103, %broadcast_in_dim3A_330] : memref<160x128xf32, #tpu.memory_space<vmem>>[vector<16xi32>, vector<16xi32>], vector<16xf32>,
        %sub3A_921 = arith.subf %gather3A_899, %gather3A_900 : vector<16xf32>
        tpu.vector_store_idx %arg9[%add3A_103, %broadcast_in_dim3A_322], %sub3A_921 : memref<160x128xf32, #tpu.memory_space<vmem>>[vector<16xi32>, vector<16xi32>], vector<16xf32>,
        %mul3A_922 = arith.mulf %sub3A_921, %sub3A_921 : vector<16xf32>
        %add3A_923 = arith.addf %add3A_903, %mul3A_922 : vector<16xf32>
        %gather3A_924 = tpu.vector_load_idx %arg9[%add3A_103, %broadcast_in_dim3A_332] : memref<160x128xf32, #tpu.memory_space<vmem>>[vector<16xi32>, vector<16xi32>], vector<16xf32>,
        %gather3A_925 = tpu.vector_load_idx %arg10[%add3A_103, %broadcast_in_dim3A_332] : memref<160x128xf32, #tpu.memory_space<vmem>>[vector<16xi32>, vector<16xi32>], vector<16xf32>,
        %sub3A_926 = arith.subf %gather3A_904, %gather3A_905 : vector<16xf32>
        tpu.vector_store_idx %arg9[%add3A_103, %broadcast_in_dim3A_324], %sub3A_926 : memref<160x128xf32, #tpu.memory_space<vmem>>[vector<16xi32>, vector<16xi32>], vector<16xf32>,
        %mul3A_927 = arith.mulf %sub3A_926, %sub3A_926 : vector<16xf32>
        %add3A_928 = arith.addf %add3A_908, %mul3A_927 : vector<16xf32>
        %gather3A_929 = tpu.vector_load_idx %arg9[%add3A_103, %broadcast_in_dim3A_334] : memref<160x128xf32, #tpu.memory_space<vmem>>[vector<16xi32>, vector<16xi32>], vector<16xf32>,
        %gather3A_930 = tpu.vector_load_idx %arg10[%add3A_103, %broadcast_in_dim3A_334] : memref<160x128xf32, #tpu.memory_space<vmem>>[vector<16xi32>, vector<16xi32>], vector<16xf32>,
        %sub3A_931 = arith.subf %gather3A_909, %gather3A_910 : vector<16xf32>
        tpu.vector_store_idx %arg9[%add3A_103, %broadcast_in_dim3A_326], %sub3A_931 : memref<160x128xf32, #tpu.memory_space<vmem>>[vector<16xi32>, vector<16xi32>], vector<16xf32>,
        %mul3A_932 = arith.mulf %sub3A_931, %sub3A_931 : vector<16xf32>
        %add3A_933 = arith.addf %add3A_913, %mul3A_932 : vector<16xf32>
        %gather3A_934 = tpu.vector_load_idx %arg9[%add3A_103, %broadcast_in_dim3A_336] : memref<160x128xf32, #tpu.memory_space<vmem>>[vector<16xi32>, vector<16xi32>], vector<16xf32>,
        %gather3A_935 = tpu.vector_load_idx %arg10[%add3A_103, %broadcast_in_dim3A_336] : memref<160x128xf32, #tpu.memory_space<vmem>>[vector<16xi32>, vector<16xi32>], vector<16xf32>,
        %sub3A_936 = arith.subf %gather3A_914, %gather3A_915 : vector<16xf32>
        tpu.vector_store_idx %arg9[%add3A_103, %broadcast_in_dim3A_328], %sub3A_936 : memref<160x128xf32, #tpu.memory_space<vmem>>[vector<16xi32>, vector<16xi32>], vector<16xf32>,
        %mul3A_937 = arith.mulf %sub3A_936, %sub3A_936 : vector<16xf32>
        %add3A_938 = arith.addf %add3A_918, %mul3A_937 : vector<16xf32>
        %gather3A_939 = tpu.vector_load_idx %arg9[%add3A_103, %broadcast_in_dim3A_338] : memref<160x128xf32, #tpu.memory_space<vmem>>[vector<16xi32>, vector<16xi32>], vector<16xf32>,
        %gather3A_940 = tpu.vector_load_idx %arg10[%add3A_103, %broadcast_in_dim3A_338] : memref<160x128xf32, #tpu.memory_space<vmem>>[vector<16xi32>, vector<16xi32>], vector<16xf32>,
        %sub3A_941 = arith.subf %gather3A_919, %gather3A_920 : vector<16xf32>
        tpu.vector_store_idx %arg9[%add3A_103, %broadcast_in_dim3A_330], %sub3A_941 : memref<160x128xf32, #tpu.memory_space<vmem>>[vector<16xi32>, vector<16xi32>], vector<16xf32>,
        %mul3A_942 = arith.mulf %sub3A_941, %sub3A_941 : vector<16xf32>
        %add3A_943 = arith.addf %add3A_923, %mul3A_942 : vector<16xf32>
        %gather3A_944 = tpu.vector_load_idx %arg9[%add3A_103, %broadcast_in_dim3A_340] : memref<160x128xf32, #tpu.memory_space<vmem>>[vector<16xi32>, vector<16xi32>], vector<16xf32>,
        %gather3A_945 = tpu.vector_load_idx %arg10[%add3A_103, %broadcast_in_dim3A_340] : memref<160x128xf32, #tpu.memory_space<vmem>>[vector<16xi32>, vector<16xi32>], vector<16xf32>,
        %sub3A_946 = arith.subf %gather3A_924, %gather3A_925 : vector<16xf32>
        tpu.vector_store_idx %arg9[%add3A_103, %broadcast_in_dim3A_332], %sub3A_946 : memref<160x128xf32, #tpu.memory_space<vmem>>[vector<16xi32>, vector<16xi32>], vector<16xf32>,
        %mul3A_947 = arith.mulf %sub3A_946, %sub3A_946 : vector<16xf32>
        %add3A_948 = arith.addf %add3A_928, %mul3A_947 : vector<16xf32>
        %gather3A_949 = tpu.vector_load_idx %arg9[%add3A_103, %broadcast_in_dim3A_342] : memref<160x128xf32, #tpu.memory_space<vmem>>[vector<16xi32>, vector<16xi32>], vector<16xf32>,
        %gather3A_950 = tpu.vector_load_idx %arg10[%add3A_103, %broadcast_in_dim3A_342] : memref<160x128xf32, #tpu.memory_space<vmem>>[vector<16xi32>, vector<16xi32>], vector<16xf32>,
        %sub3A_951 = arith.subf %gather3A_929, %gather3A_930 : vector<16xf32>
        tpu.vector_store_idx %arg9[%add3A_103, %broadcast_in_dim3A_334], %sub3A_951 : memref<160x128xf32, #tpu.memory_space<vmem>>[vector<16xi32>, vector<16xi32>], vector<16xf32>,
        %mul3A_952 = arith.mulf %sub3A_951, %sub3A_951 : vector<16xf32>
        %add3A_953 = arith.addf %add3A_933, %mul3A_952 : vector<16xf32>
        %gather3A_954 = tpu.vector_load_idx %arg9[%add3A_103, %broadcast_in_dim3A_344] : memref<160x128xf32, #tpu.memory_space<vmem>>[vector<16xi32>, vector<16xi32>], vector<16xf32>,
        %gather3A_955 = tpu.vector_load_idx %arg10[%add3A_103, %broadcast_in_dim3A_344] : memref<160x128xf32, #tpu.memory_space<vmem>>[vector<16xi32>, vector<16xi32>], vector<16xf32>,
        %sub3A_956 = arith.subf %gather3A_934, %gather3A_935 : vector<16xf32>
        tpu.vector_store_idx %arg9[%add3A_103, %broadcast_in_dim3A_336], %sub3A_956 : memref<160x128xf32, #tpu.memory_space<vmem>>[vector<16xi32>, vector<16xi32>], vector<16xf32>,
        %mul3A_957 = arith.mulf %sub3A_956, %sub3A_956 : vector<16xf32>
        %add3A_958 = arith.addf %add3A_938, %mul3A_957 : vector<16xf32>
        %gather3A_959 = tpu.vector_load_idx %arg9[%add3A_103, %broadcast_in_dim3A_346] : memref<160x128xf32, #tpu.memory_space<vmem>>[vector<16xi32>, vector<16xi32>], vector<16xf32>,
        %gather3A_960 = tpu.vector_load_idx %arg10[%add3A_103, %broadcast_in_dim3A_346] : memref<160x128xf32, #tpu.memory_space<vmem>>[vector<16xi32>, vector<16xi32>], vector<16xf32>,
        %sub3A_961 = arith.subf %gather3A_939, %gather3A_940 : vector<16xf32>
        tpu.vector_store_idx %arg9[%add3A_103, %broadcast_in_dim3A_338], %sub3A_961 : memref<160x128xf32, #tpu.memory_space<vmem>>[vector<16xi32>, vector<16xi32>], vector<16xf32>,
        %mul3A_962 = arith.mulf %sub3A_961, %sub3A_961 : vector<16xf32>
        %add3A_963 = arith.addf %add3A_943, %mul3A_962 : vector<16xf32>
        %gather3A_964 = tpu.vector_load_idx %arg9[%add3A_103, %broadcast_in_dim3A_348] : memref<160x128xf32, #tpu.memory_space<vmem>>[vector<16xi32>, vector<16xi32>], vector<16xf32>,
        %gather3A_965 = tpu.vector_load_idx %arg10[%add3A_103, %broadcast_in_dim3A_348] : memref<160x128xf32, #tpu.memory_space<vmem>>[vector<16xi32>, vector<16xi32>], vector<16xf32>,
        %sub3A_966 = arith.subf %gather3A_944, %gather3A_945 : vector<16xf32>
        tpu.vector_store_idx %arg9[%add3A_103, %broadcast_in_dim3A_340], %sub3A_966 : memref<160x128xf32, #tpu.memory_space<vmem>>[vector<16xi32>, vector<16xi32>], vector<16xf32>,
        %mul3A_967 = arith.mulf %sub3A_966, %sub3A_966 : vector<16xf32>
        %add3A_968 = arith.addf %add3A_948, %mul3A_967 : vector<16xf32>
        %gather3A_969 = tpu.vector_load_idx %arg9[%add3A_103, %broadcast_in_dim3A_350] : memref<160x128xf32, #tpu.memory_space<vmem>>[vector<16xi32>, vector<16xi32>], vector<16xf32>,
        %gather3A_970 = tpu.vector_load_idx %arg10[%add3A_103, %broadcast_in_dim3A_350] : memref<160x128xf32, #tpu.memory_space<vmem>>[vector<16xi32>, vector<16xi32>], vector<16xf32>,
        %sub3A_971 = arith.subf %gather3A_949, %gather3A_950 : vector<16xf32>
        tpu.vector_store_idx %arg9[%add3A_103, %broadcast_in_dim3A_342], %sub3A_971 : memref<160x128xf32, #tpu.memory_space<vmem>>[vector<16xi32>, vector<16xi32>], vector<16xf32>,
        %mul3A_972 = arith.mulf %sub3A_971, %sub3A_971 : vector<16xf32>
        %add3A_973 = arith.addf %add3A_953, %mul3A_972 : vector<16xf32>
        %gather3A_974 = tpu.vector_load_idx %arg9[%add3A_103, %broadcast_in_dim3A_352] : memref<160x128xf32, #tpu.memory_space<vmem>>[vector<16xi32>, vector<16xi32>], vector<16xf32>,
        %gather3A_975 = tpu.vector_load_idx %arg10[%add3A_103, %broadcast_in_dim3A_352] : memref<160x128xf32, #tpu.memory_space<vmem>>[vector<16xi32>, vector<16xi32>], vector<16xf32>,
        %sub3A_976 = arith.subf %gather3A_954, %gather3A_955 : vector<16xf32>
        tpu.vector_store_idx %arg9[%add3A_103, %broadcast_in_dim3A_344], %sub3A_976 : memref<160x128xf32, #tpu.memory_space<vmem>>[vector<16xi32>, vector<16xi32>], vector<16xf32>,
        %mul3A_977 = arith.mulf %sub3A_976, %sub3A_976 : vector<16xf32>
        %add3A_978 = arith.addf %add3A_958, %mul3A_977 : vector<16xf32>
        %gather3A_979 = tpu.vector_load_idx %arg9[%add3A_103, %broadcast_in_dim3A_354] : memref<160x128xf32, #tpu.memory_space<vmem>>[vector<16xi32>, vector<16xi32>], vector<16xf32>,
        %gather3A_980 = tpu.vector_load_idx %arg10[%add3A_103, %broadcast_in_dim3A_354] : memref<160x128xf32, #tpu.memory_space<vmem>>[vector<16xi32>, vector<16xi32>], vector<16xf32>,
        %sub3A_981 = arith.subf %gather3A_959, %gather3A_960 : vector<16xf32>
        tpu.vector_store_idx %arg9[%add3A_103, %broadcast_in_dim3A_346], %sub3A_981 : memref<160x128xf32, #tpu.memory_space<vmem>>[vector<16xi32>, vector<16xi32>], vector<16xf32>,
        %mul3A_982 = arith.mulf %sub3A_981, %sub3A_981 : vector<16xf32>
        %add3A_983 = arith.addf %add3A_963, %mul3A_982 : vector<16xf32>
        %gather3A_984 = tpu.vector_load_idx %arg9[%add3A_103, %broadcast_in_dim3A_356] : memref<160x128xf32, #tpu.memory_space<vmem>>[vector<16xi32>, vector<16xi32>], vector<16xf32>,
        %gather3A_985 = tpu.vector_load_idx %arg10[%add3A_103, %broadcast_in_dim3A_356] : memref<160x128xf32, #tpu.memory_space<vmem>>[vector<16xi32>, vector<16xi32>], vector<16xf32>,
        %sub3A_986 = arith.subf %gather3A_964, %gather3A_965 : vector<16xf32>
        tpu.vector_store_idx %arg9[%add3A_103, %broadcast_in_dim3A_348], %sub3A_986 : memref<160x128xf32, #tpu.memory_space<vmem>>[vector<16xi32>, vector<16xi32>], vector<16xf32>,
        %mul3A_987 = arith.mulf %sub3A_986, %sub3A_986 : vector<16xf32>
        %add3A_988 = arith.addf %add3A_968, %mul3A_987 : vector<16xf32>
        %gather3A_989 = tpu.vector_load_idx %arg9[%add3A_103, %broadcast_in_dim3A_358] : memref<160x128xf32, #tpu.memory_space<vmem>>[vector<16xi32>, vector<16xi32>], vector<16xf32>,
        %gather3A_990 = tpu.vector_load_idx %arg10[%add3A_103, %broadcast_in_dim3A_358] : memref<160x128xf32, #tpu.memory_space<vmem>>[vector<16xi32>, vector<16xi32>], vector<16xf32>,
        %sub3A_991 = arith.subf %gather3A_969, %gather3A_970 : vector<16xf32>
        tpu.vector_store_idx %arg9[%add3A_103, %broadcast_in_dim3A_350], %sub3A_991 : memref<160x128xf32, #tpu.memory_space<vmem>>[vector<16xi32>, vector<16xi32>], vector<16xf32>,
        %mul3A_992 = arith.mulf %sub3A_991, %sub3A_991 : vector<16xf32>
        %add3A_993 = arith.addf %add3A_973, %mul3A_992 : vector<16xf32>
        %sub3A_994 = arith.subf %gather3A_974, %gather3A_975 : vector<16xf32>
        tpu.vector_store_idx %arg9[%add3A_103, %broadcast_in_dim3A_352], %sub3A_994 : memref<160x128xf32, #tpu.memory_space<vmem>>[vector<16xi32>, vector<16xi32>], vector<16xf32>,
        %mul3A_995 = arith.mulf %sub3A_994, %sub3A_994 : vector<16xf32>
        %add3A_996 = arith.addf %add3A_978, %mul3A_995 : vector<16xf32>
        %sub3A_997 = arith.subf %gather3A_979, %gather3A_980 : vector<16xf32>
        tpu.vector_store_idx %arg9[%add3A_103, %broadcast_in_dim3A_354], %sub3A_997 : memref<160x128xf32, #tpu.memory_space<vmem>>[vector<16xi32>, vector<16xi32>], vector<16xf32>,
        %mul3A_998 = arith.mulf %sub3A_997, %sub3A_997 : vector<16xf32>
        %add3A_999 = arith.addf %add3A_983, %mul3A_998 : vector<16xf32>
        %sub3A_1000 = arith.subf %gather3A_984, %gather3A_985 : vector<16xf32>
        tpu.vector_store_idx %arg9[%add3A_103, %broadcast_in_dim3A_356], %sub3A_1000 : memref<160x128xf32, #tpu.memory_space<vmem>>[vector<16xi32>, vector<16xi32>], vector<16xf32>,
        %mul3A_1001 = arith.mulf %sub3A_1000, %sub3A_1000 : vector<16xf32>
        %add3A_1002 = arith.addf %add3A_988, %mul3A_1001 : vector<16xf32>
        %sub3A_1003 = arith.subf %gather3A_989, %gather3A_990 : vector<16xf32>
        tpu.vector_store_idx %arg9[%add3A_103, %broadcast_in_dim3A_358], %sub3A_1003 : memref<160x128xf32, #tpu.memory_space<vmem>>[vector<16xi32>, vector<16xi32>], vector<16xf32>,
        %mul3A_1004 = arith.mulf %sub3A_1003, %sub3A_1003 : vector<16xf32>
        %add3A_1005 = arith.addf %add3A_993, %mul3A_1004 : vector<16xf32>
        %add3A_1006 = arith.addf %add3A_996, %add3A_999 : vector<16xf32>
        %add3A_1007 = arith.addf %add3A_1002, %add3A_1005 : vector<16xf32>
        %add3A_1008 = arith.addf %add3A_1006, %add3A_1007 : vector<16xf32>
        %bitcast3A = vector.bitcast %add3A_1008 : vector<16xf32> to vector<16xi32>
        %shift_right_logical3A = arith.constant 1 : i32
        %shift_right_logical3A_1009 = vector.broadcast %shift_right_logical3A : i32 to vector<16xi32>
        %shift_right_logical3A_1010 = arith.shrui %bitcast3A, %shift_right_logical3A_1009 : vector<16xi32>
        %sub3A_1011 = arith.constant 1597463007 : i32
        %sub3A_1012 = vector.broadcast %sub3A_1011 : i32 to vector<16xi32>
        %sub3A_1013 = arith.subi %sub3A_1012, %shift_right_logical3A_1010 : vector<16xi32>
        %bitcast3A_1014 = vector.bitcast %sub3A_1013 : vector<16xi32> to vector<16xf32>
        %mul3A_1015 = arith.constant 5.000000e-01 : f32
        %mul3A_1016 = vector.broadcast %mul3A_1015 : f32 to vector<16xf32>
        %mul3A_1017 = arith.mulf %add3A_1008, %mul3A_1016 : vector<16xf32>
        %mul3A_1018 = arith.mulf %mul3A_1017, %bitcast3A_1014 : vector<16xf32>
        %mul3A_1019 = arith.mulf %mul3A_1018, %bitcast3A_1014 : vector<16xf32>
        %sub3A_1020 = arith.constant 1.500000e+00 : f32
        %sub3A_1021 = vector.broadcast %sub3A_1020 : f32 to vector<16xf32>
        %sub3A_1022 = arith.subf %sub3A_1021, %mul3A_1019 : vector<16xf32>
        %mul3A_1023 = arith.mulf %bitcast3A_1014, %sub3A_1022 : vector<16xf32>
        %mul3A_1024 = arith.mulf %mul3A_1017, %mul3A_1023 : vector<16xf32>
        %mul3A_1025 = arith.mulf %mul3A_1024, %mul3A_1023 : vector<16xf32>
        %sub3A_1026 = arith.constant 1.500000e+00 : f32
        %sub3A_1027 = vector.broadcast %sub3A_1026 : f32 to vector<16xf32>
        %sub3A_1028 = arith.subf %sub3A_1027, %mul3A_1025 : vector<16xf32>
        %mul3A_1029 = arith.mulf %mul3A_1023, %sub3A_1028 : vector<16xf32>
        %mul3A_1030 = arith.mulf %mul3A_1017, %mul3A_1029 : vector<16xf32>
        %mul3A_1031 = arith.mulf %mul3A_1030, %mul3A_1029 : vector<16xf32>
        %sub3A_1032 = arith.constant 1.500000e+00 : f32
        %sub3A_1033 = vector.broadcast %sub3A_1032 : f32 to vector<16xf32>
        %sub3A_1034 = arith.subf %sub3A_1033, %mul3A_1031 : vector<16xf32>
        %mul3A_1035 = arith.mulf %mul3A_1029, %sub3A_1034 : vector<16xf32>
        %mul3A_1036 = arith.mulf %add3A_1008, %mul3A_1035 : vector<16xf32>
        %gt3A = arith.constant 0.000000e+00 : f32
        %gt3A_1037 = vector.broadcast %gt3A : f32 to vector<16xf32>
        %gt3A_1038 = arith.cmpf ogt, %add3A_1008, %gt3A_1037 : vector<16xf32>
        %jit3A = arith.constant 0.000000e+00 : f32
        %broadcast_in_dim3A_1039 = vector.broadcast %jit3A : f32 to vector<16xf32>
        %select_n3A = arith.select %gt3A_1038, %mul3A_1036, %broadcast_in_dim3A_1039 : vector<16xi1>, vector<16xf32>
        %mul3A_1040 = arith.constant 16 : i32
        %mul3A_1041 = arith.muli %add3A_98, %mul3A_1040 : i32
        %add3A_1042 = arith.addi %mul3A_44, %mul3A_1041 : i32
        %swap3A = arith.index_cast %add3A_1042 : i32 to index
        %swap3A_1043 = tpu.vector_load %arg11[%swap3A] {strides = array<i32>} : memref<160xf32, #tpu.memory_space<vmem>>, vector<16xf32>,
        tpu.vector_store %arg11[%swap3A], %select_n3A {strides = array<i32>} : memref<160xf32, #tpu.memory_space<vmem>>, vector<16xf32>,
        %add3A_1044 = arith.constant 1.000000e+00 : f32
        %add3A_1045 = vector.broadcast %add3A_1044 : f32 to vector<16xf32>
        %add3A_1046 = arith.addf %add3A_1045, %select_n3A : vector<16xf32>
        %div3A = arith.constant 1.000000e+00 : f32
        %div3A_1047 = vector.broadcast %div3A : f32 to vector<16xf32>
        %div3A_1048 = arith.divf %div3A_1047, %add3A_1046 : vector<16xf32>
        %gather3A_1049 = tpu.vector_load_idx %arg9[%add3A_103, %broadcast_in_dim3A_104] : memref<160x128xf32, #tpu.memory_space<vmem>>[vector<16xi32>, vector<16xi32>], vector<16xf32>,
        %gather3A_1050 = tpu.vector_load_idx %arg9[%add3A_103, %broadcast_in_dim3A_106] : memref<160x128xf32, #tpu.memory_space<vmem>>[vector<16xi32>, vector<16xi32>], vector<16xf32>,
        %gather3A_1051 = tpu.vector_load_idx %arg9[%add3A_103, %broadcast_in_dim3A_108] : memref<160x128xf32, #tpu.memory_space<vmem>>[vector<16xi32>, vector<16xi32>], vector<16xf32>,
        %gather3A_1052 = tpu.vector_load_idx %arg9[%add3A_103, %broadcast_in_dim3A_110] : memref<160x128xf32, #tpu.memory_space<vmem>>[vector<16xi32>, vector<16xi32>], vector<16xf32>,
        %gather3A_1053 = tpu.vector_load_idx %arg9[%add3A_103, %broadcast_in_dim3A_112] : memref<160x128xf32, #tpu.memory_space<vmem>>[vector<16xi32>, vector<16xi32>], vector<16xf32>,
        %mul3A_1054 = arith.mulf %gather3A_1049, %div3A_1048 : vector<16xf32>
        tpu.vector_store_idx %arg9[%add3A_103, %broadcast_in_dim3A_104], %mul3A_1054 : memref<160x128xf32, #tpu.memory_space<vmem>>[vector<16xi32>, vector<16xi32>], vector<16xf32>,
        %gather3A_1055 = tpu.vector_load_idx %arg9[%add3A_103, %broadcast_in_dim3A_114] : memref<160x128xf32, #tpu.memory_space<vmem>>[vector<16xi32>, vector<16xi32>], vector<16xf32>,
        %mul3A_1056 = arith.mulf %gather3A_1050, %div3A_1048 : vector<16xf32>
        tpu.vector_store_idx %arg9[%add3A_103, %broadcast_in_dim3A_106], %mul3A_1056 : memref<160x128xf32, #tpu.memory_space<vmem>>[vector<16xi32>, vector<16xi32>], vector<16xf32>,
        %gather3A_1057 = tpu.vector_load_idx %arg9[%add3A_103, %broadcast_in_dim3A_116] : memref<160x128xf32, #tpu.memory_space<vmem>>[vector<16xi32>, vector<16xi32>], vector<16xf32>,
        %mul3A_1058 = arith.mulf %gather3A_1051, %div3A_1048 : vector<16xf32>
        tpu.vector_store_idx %arg9[%add3A_103, %broadcast_in_dim3A_108], %mul3A_1058 : memref<160x128xf32, #tpu.memory_space<vmem>>[vector<16xi32>, vector<16xi32>], vector<16xf32>,
        %gather3A_1059 = tpu.vector_load_idx %arg9[%add3A_103, %broadcast_in_dim3A_118] : memref<160x128xf32, #tpu.memory_space<vmem>>[vector<16xi32>, vector<16xi32>], vector<16xf32>,
        %mul3A_1060 = arith.mulf %gather3A_1052, %div3A_1048 : vector<16xf32>
        tpu.vector_store_idx %arg9[%add3A_103, %broadcast_in_dim3A_110], %mul3A_1060 : memref<160x128xf32, #tpu.memory_space<vmem>>[vector<16xi32>, vector<16xi32>], vector<16xf32>,
        %gather3A_1061 = tpu.vector_load_idx %arg9[%add3A_103, %broadcast_in_dim3A_120] : memref<160x128xf32, #tpu.memory_space<vmem>>[vector<16xi32>, vector<16xi32>], vector<16xf32>,
        %mul3A_1062 = arith.mulf %gather3A_1053, %div3A_1048 : vector<16xf32>
        tpu.vector_store_idx %arg9[%add3A_103, %broadcast_in_dim3A_112], %mul3A_1062 : memref<160x128xf32, #tpu.memory_space<vmem>>[vector<16xi32>, vector<16xi32>], vector<16xf32>,
        %gather3A_1063 = tpu.vector_load_idx %arg9[%add3A_103, %broadcast_in_dim3A_122] : memref<160x128xf32, #tpu.memory_space<vmem>>[vector<16xi32>, vector<16xi32>], vector<16xf32>,
        %mul3A_1064 = arith.mulf %gather3A_1055, %div3A_1048 : vector<16xf32>
        tpu.vector_store_idx %arg9[%add3A_103, %broadcast_in_dim3A_114], %mul3A_1064 : memref<160x128xf32, #tpu.memory_space<vmem>>[vector<16xi32>, vector<16xi32>], vector<16xf32>,
        %gather3A_1065 = tpu.vector_load_idx %arg9[%add3A_103, %broadcast_in_dim3A_124] : memref<160x128xf32, #tpu.memory_space<vmem>>[vector<16xi32>, vector<16xi32>], vector<16xf32>,
        %mul3A_1066 = arith.mulf %gather3A_1057, %div3A_1048 : vector<16xf32>
        tpu.vector_store_idx %arg9[%add3A_103, %broadcast_in_dim3A_116], %mul3A_1066 : memref<160x128xf32, #tpu.memory_space<vmem>>[vector<16xi32>, vector<16xi32>], vector<16xf32>,
        %gather3A_1067 = tpu.vector_load_idx %arg9[%add3A_103, %broadcast_in_dim3A_126] : memref<160x128xf32, #tpu.memory_space<vmem>>[vector<16xi32>, vector<16xi32>], vector<16xf32>,
        %mul3A_1068 = arith.mulf %gather3A_1059, %div3A_1048 : vector<16xf32>
        tpu.vector_store_idx %arg9[%add3A_103, %broadcast_in_dim3A_118], %mul3A_1068 : memref<160x128xf32, #tpu.memory_space<vmem>>[vector<16xi32>, vector<16xi32>], vector<16xf32>,
        %gather3A_1069 = tpu.vector_load_idx %arg9[%add3A_103, %broadcast_in_dim3A_128] : memref<160x128xf32, #tpu.memory_space<vmem>>[vector<16xi32>, vector<16xi32>], vector<16xf32>,
        %mul3A_1070 = arith.mulf %gather3A_1061, %div3A_1048 : vector<16xf32>
        tpu.vector_store_idx %arg9[%add3A_103, %broadcast_in_dim3A_120], %mul3A_1070 : memref<160x128xf32, #tpu.memory_space<vmem>>[vector<16xi32>, vector<16xi32>], vector<16xf32>,
        %gather3A_1071 = tpu.vector_load_idx %arg9[%add3A_103, %broadcast_in_dim3A_130] : memref<160x128xf32, #tpu.memory_space<vmem>>[vector<16xi32>, vector<16xi32>], vector<16xf32>,
        %mul3A_1072 = arith.mulf %gather3A_1063, %div3A_1048 : vector<16xf32>
        tpu.vector_store_idx %arg9[%add3A_103, %broadcast_in_dim3A_122], %mul3A_1072 : memref<160x128xf32, #tpu.memory_space<vmem>>[vector<16xi32>, vector<16xi32>], vector<16xf32>,
        %gather3A_1073 = tpu.vector_load_idx %arg9[%add3A_103, %broadcast_in_dim3A_132] : memref<160x128xf32, #tpu.memory_space<vmem>>[vector<16xi32>, vector<16xi32>], vector<16xf32>,
        %mul3A_1074 = arith.mulf %gather3A_1065, %div3A_1048 : vector<16xf32>
        tpu.vector_store_idx %arg9[%add3A_103, %broadcast_in_dim3A_124], %mul3A_1074 : memref<160x128xf32, #tpu.memory_space<vmem>>[vector<16xi32>, vector<16xi32>], vector<16xf32>,
        %gather3A_1075 = tpu.vector_load_idx %arg9[%add3A_103, %broadcast_in_dim3A_134] : memref<160x128xf32, #tpu.memory_space<vmem>>[vector<16xi32>, vector<16xi32>], vector<16xf32>,
        %mul3A_1076 = arith.mulf %gather3A_1067, %div3A_1048 : vector<16xf32>
        tpu.vector_store_idx %arg9[%add3A_103, %broadcast_in_dim3A_126], %mul3A_1076 : memref<160x128xf32, #tpu.memory_space<vmem>>[vector<16xi32>, vector<16xi32>], vector<16xf32>,
        %gather3A_1077 = tpu.vector_load_idx %arg9[%add3A_103, %broadcast_in_dim3A_136] : memref<160x128xf32, #tpu.memory_space<vmem>>[vector<16xi32>, vector<16xi32>], vector<16xf32>,
        %mul3A_1078 = arith.mulf %gather3A_1069, %div3A_1048 : vector<16xf32>
        tpu.vector_store_idx %arg9[%add3A_103, %broadcast_in_dim3A_128], %mul3A_1078 : memref<160x128xf32, #tpu.memory_space<vmem>>[vector<16xi32>, vector<16xi32>], vector<16xf32>,
        %gather3A_1079 = tpu.vector_load_idx %arg9[%add3A_103, %broadcast_in_dim3A_138] : memref<160x128xf32, #tpu.memory_space<vmem>>[vector<16xi32>, vector<16xi32>], vector<16xf32>,
        %mul3A_1080 = arith.mulf %gather3A_1071, %div3A_1048 : vector<16xf32>
        tpu.vector_store_idx %arg9[%add3A_103, %broadcast_in_dim3A_130], %mul3A_1080 : memref<160x128xf32, #tpu.memory_space<vmem>>[vector<16xi32>, vector<16xi32>], vector<16xf32>,
        %gather3A_1081 = tpu.vector_load_idx %arg9[%add3A_103, %broadcast_in_dim3A_140] : memref<160x128xf32, #tpu.memory_space<vmem>>[vector<16xi32>, vector<16xi32>], vector<16xf32>,
        %mul3A_1082 = arith.mulf %gather3A_1073, %div3A_1048 : vector<16xf32>
        tpu.vector_store_idx %arg9[%add3A_103, %broadcast_in_dim3A_132], %mul3A_1082 : memref<160x128xf32, #tpu.memory_space<vmem>>[vector<16xi32>, vector<16xi32>], vector<16xf32>,
        %gather3A_1083 = tpu.vector_load_idx %arg9[%add3A_103, %broadcast_in_dim3A_142] : memref<160x128xf32, #tpu.memory_space<vmem>>[vector<16xi32>, vector<16xi32>], vector<16xf32>,
        %mul3A_1084 = arith.mulf %gather3A_1075, %div3A_1048 : vector<16xf32>
        tpu.vector_store_idx %arg9[%add3A_103, %broadcast_in_dim3A_134], %mul3A_1084 : memref<160x128xf32, #tpu.memory_space<vmem>>[vector<16xi32>, vector<16xi32>], vector<16xf32>,
        %gather3A_1085 = tpu.vector_load_idx %arg9[%add3A_103, %broadcast_in_dim3A_144] : memref<160x128xf32, #tpu.memory_space<vmem>>[vector<16xi32>, vector<16xi32>], vector<16xf32>,
        %mul3A_1086 = arith.mulf %gather3A_1077, %div3A_1048 : vector<16xf32>
        tpu.vector_store_idx %arg9[%add3A_103, %broadcast_in_dim3A_136], %mul3A_1086 : memref<160x128xf32, #tpu.memory_space<vmem>>[vector<16xi32>, vector<16xi32>], vector<16xf32>,
        %gather3A_1087 = tpu.vector_load_idx %arg9[%add3A_103, %broadcast_in_dim3A_146] : memref<160x128xf32, #tpu.memory_space<vmem>>[vector<16xi32>, vector<16xi32>], vector<16xf32>,
        %mul3A_1088 = arith.mulf %gather3A_1079, %div3A_1048 : vector<16xf32>
        tpu.vector_store_idx %arg9[%add3A_103, %broadcast_in_dim3A_138], %mul3A_1088 : memref<160x128xf32, #tpu.memory_space<vmem>>[vector<16xi32>, vector<16xi32>], vector<16xf32>,
        %gather3A_1089 = tpu.vector_load_idx %arg9[%add3A_103, %broadcast_in_dim3A_148] : memref<160x128xf32, #tpu.memory_space<vmem>>[vector<16xi32>, vector<16xi32>], vector<16xf32>,
        %mul3A_1090 = arith.mulf %gather3A_1081, %div3A_1048 : vector<16xf32>
        tpu.vector_store_idx %arg9[%add3A_103, %broadcast_in_dim3A_140], %mul3A_1090 : memref<160x128xf32, #tpu.memory_space<vmem>>[vector<16xi32>, vector<16xi32>], vector<16xf32>,
        %gather3A_1091 = tpu.vector_load_idx %arg9[%add3A_103, %broadcast_in_dim3A_150] : memref<160x128xf32, #tpu.memory_space<vmem>>[vector<16xi32>, vector<16xi32>], vector<16xf32>,
        %mul3A_1092 = arith.mulf %gather3A_1083, %div3A_1048 : vector<16xf32>
        tpu.vector_store_idx %arg9[%add3A_103, %broadcast_in_dim3A_142], %mul3A_1092 : memref<160x128xf32, #tpu.memory_space<vmem>>[vector<16xi32>, vector<16xi32>], vector<16xf32>,
        %gather3A_1093 = tpu.vector_load_idx %arg9[%add3A_103, %broadcast_in_dim3A_152] : memref<160x128xf32, #tpu.memory_space<vmem>>[vector<16xi32>, vector<16xi32>], vector<16xf32>,
        %mul3A_1094 = arith.mulf %gather3A_1085, %div3A_1048 : vector<16xf32>
        tpu.vector_store_idx %arg9[%add3A_103, %broadcast_in_dim3A_144], %mul3A_1094 : memref<160x128xf32, #tpu.memory_space<vmem>>[vector<16xi32>, vector<16xi32>], vector<16xf32>,
        %gather3A_1095 = tpu.vector_load_idx %arg9[%add3A_103, %broadcast_in_dim3A_154] : memref<160x128xf32, #tpu.memory_space<vmem>>[vector<16xi32>, vector<16xi32>], vector<16xf32>,
        %mul3A_1096 = arith.mulf %gather3A_1087, %div3A_1048 : vector<16xf32>
        tpu.vector_store_idx %arg9[%add3A_103, %broadcast_in_dim3A_146], %mul3A_1096 : memref<160x128xf32, #tpu.memory_space<vmem>>[vector<16xi32>, vector<16xi32>], vector<16xf32>,
        %gather3A_1097 = tpu.vector_load_idx %arg9[%add3A_103, %broadcast_in_dim3A_156] : memref<160x128xf32, #tpu.memory_space<vmem>>[vector<16xi32>, vector<16xi32>], vector<16xf32>,
        %mul3A_1098 = arith.mulf %gather3A_1089, %div3A_1048 : vector<16xf32>
        tpu.vector_store_idx %arg9[%add3A_103, %broadcast_in_dim3A_148], %mul3A_1098 : memref<160x128xf32, #tpu.memory_space<vmem>>[vector<16xi32>, vector<16xi32>], vector<16xf32>,
        %gather3A_1099 = tpu.vector_load_idx %arg9[%add3A_103, %broadcast_in_dim3A_158] : memref<160x128xf32, #tpu.memory_space<vmem>>[vector<16xi32>, vector<16xi32>], vector<16xf32>,
        %mul3A_1100 = arith.mulf %gather3A_1091, %div3A_1048 : vector<16xf32>
        tpu.vector_store_idx %arg9[%add3A_103, %broadcast_in_dim3A_150], %mul3A_1100 : memref<160x128xf32, #tpu.memory_space<vmem>>[vector<16xi32>, vector<16xi32>], vector<16xf32>,
        %gather3A_1101 = tpu.vector_load_idx %arg9[%add3A_103, %broadcast_in_dim3A_160] : memref<160x128xf32, #tpu.memory_space<vmem>>[vector<16xi32>, vector<16xi32>], vector<16xf32>,
        %mul3A_1102 = arith.mulf %gather3A_1093, %div3A_1048 : vector<16xf32>
        tpu.vector_store_idx %arg9[%add3A_103, %broadcast_in_dim3A_152], %mul3A_1102 : memref<160x128xf32, #tpu.memory_space<vmem>>[vector<16xi32>, vector<16xi32>], vector<16xf32>,
        %gather3A_1103 = tpu.vector_load_idx %arg9[%add3A_103, %broadcast_in_dim3A_162] : memref<160x128xf32, #tpu.memory_space<vmem>>[vector<16xi32>, vector<16xi32>], vector<16xf32>,
        %mul3A_1104 = arith.mulf %gather3A_1095, %div3A_1048 : vector<16xf32>
        tpu.vector_store_idx %arg9[%add3A_103, %broadcast_in_dim3A_154], %mul3A_1104 : memref<160x128xf32, #tpu.memory_space<vmem>>[vector<16xi32>, vector<16xi32>], vector<16xf32>,
        %gather3A_1105 = tpu.vector_load_idx %arg9[%add3A_103, %broadcast_in_dim3A_164] : memref<160x128xf32, #tpu.memory_space<vmem>>[vector<16xi32>, vector<16xi32>], vector<16xf32>,
        %mul3A_1106 = arith.mulf %gather3A_1097, %div3A_1048 : vector<16xf32>
        tpu.vector_store_idx %arg9[%add3A_103, %broadcast_in_dim3A_156], %mul3A_1106 : memref<160x128xf32, #tpu.memory_space<vmem>>[vector<16xi32>, vector<16xi32>], vector<16xf32>,
        %gather3A_1107 = tpu.vector_load_idx %arg9[%add3A_103, %broadcast_in_dim3A_166] : memref<160x128xf32, #tpu.memory_space<vmem>>[vector<16xi32>, vector<16xi32>], vector<16xf32>,
        %mul3A_1108 = arith.mulf %gather3A_1099, %div3A_1048 : vector<16xf32>
        tpu.vector_store_idx %arg9[%add3A_103, %broadcast_in_dim3A_158], %mul3A_1108 : memref<160x128xf32, #tpu.memory_space<vmem>>[vector<16xi32>, vector<16xi32>], vector<16xf32>,
        %gather3A_1109 = tpu.vector_load_idx %arg9[%add3A_103, %broadcast_in_dim3A_168] : memref<160x128xf32, #tpu.memory_space<vmem>>[vector<16xi32>, vector<16xi32>], vector<16xf32>,
        %mul3A_1110 = arith.mulf %gather3A_1101, %div3A_1048 : vector<16xf32>
        tpu.vector_store_idx %arg9[%add3A_103, %broadcast_in_dim3A_160], %mul3A_1110 : memref<160x128xf32, #tpu.memory_space<vmem>>[vector<16xi32>, vector<16xi32>], vector<16xf32>,
        %gather3A_1111 = tpu.vector_load_idx %arg9[%add3A_103, %broadcast_in_dim3A_170] : memref<160x128xf32, #tpu.memory_space<vmem>>[vector<16xi32>, vector<16xi32>], vector<16xf32>,
        %mul3A_1112 = arith.mulf %gather3A_1103, %div3A_1048 : vector<16xf32>
        tpu.vector_store_idx %arg9[%add3A_103, %broadcast_in_dim3A_162], %mul3A_1112 : memref<160x128xf32, #tpu.memory_space<vmem>>[vector<16xi32>, vector<16xi32>], vector<16xf32>,
        %gather3A_1113 = tpu.vector_load_idx %arg9[%add3A_103, %broadcast_in_dim3A_172] : memref<160x128xf32, #tpu.memory_space<vmem>>[vector<16xi32>, vector<16xi32>], vector<16xf32>,
        %mul3A_1114 = arith.mulf %gather3A_1105, %div3A_1048 : vector<16xf32>
        tpu.vector_store_idx %arg9[%add3A_103, %broadcast_in_dim3A_164], %mul3A_1114 : memref<160x128xf32, #tpu.memory_space<vmem>>[vector<16xi32>, vector<16xi32>], vector<16xf32>,
        %gather3A_1115 = tpu.vector_load_idx %arg9[%add3A_103, %broadcast_in_dim3A_174] : memref<160x128xf32, #tpu.memory_space<vmem>>[vector<16xi32>, vector<16xi32>], vector<16xf32>,
        %mul3A_1116 = arith.mulf %gather3A_1107, %div3A_1048 : vector<16xf32>
        tpu.vector_store_idx %arg9[%add3A_103, %broadcast_in_dim3A_166], %mul3A_1116 : memref<160x128xf32, #tpu.memory_space<vmem>>[vector<16xi32>, vector<16xi32>], vector<16xf32>,
        %gather3A_1117 = tpu.vector_load_idx %arg9[%add3A_103, %broadcast_in_dim3A_176] : memref<160x128xf32, #tpu.memory_space<vmem>>[vector<16xi32>, vector<16xi32>], vector<16xf32>,
        %mul3A_1118 = arith.mulf %gather3A_1109, %div3A_1048 : vector<16xf32>
        tpu.vector_store_idx %arg9[%add3A_103, %broadcast_in_dim3A_168], %mul3A_1118 : memref<160x128xf32, #tpu.memory_space<vmem>>[vector<16xi32>, vector<16xi32>], vector<16xf32>,
        %gather3A_1119 = tpu.vector_load_idx %arg9[%add3A_103, %broadcast_in_dim3A_178] : memref<160x128xf32, #tpu.memory_space<vmem>>[vector<16xi32>, vector<16xi32>], vector<16xf32>,
        %mul3A_1120 = arith.mulf %gather3A_1111, %div3A_1048 : vector<16xf32>
        tpu.vector_store_idx %arg9[%add3A_103, %broadcast_in_dim3A_170], %mul3A_1120 : memref<160x128xf32, #tpu.memory_space<vmem>>[vector<16xi32>, vector<16xi32>], vector<16xf32>,
        %gather3A_1121 = tpu.vector_load_idx %arg9[%add3A_103, %broadcast_in_dim3A_180] : memref<160x128xf32, #tpu.memory_space<vmem>>[vector<16xi32>, vector<16xi32>], vector<16xf32>,
        %mul3A_1122 = arith.mulf %gather3A_1113, %div3A_1048 : vector<16xf32>
        tpu.vector_store_idx %arg9[%add3A_103, %broadcast_in_dim3A_172], %mul3A_1122 : memref<160x128xf32, #tpu.memory_space<vmem>>[vector<16xi32>, vector<16xi32>], vector<16xf32>,
        %gather3A_1123 = tpu.vector_load_idx %arg9[%add3A_103, %broadcast_in_dim3A_182] : memref<160x128xf32, #tpu.memory_space<vmem>>[vector<16xi32>, vector<16xi32>], vector<16xf32>,
        %mul3A_1124 = arith.mulf %gather3A_1115, %div3A_1048 : vector<16xf32>
        tpu.vector_store_idx %arg9[%add3A_103, %broadcast_in_dim3A_174], %mul3A_1124 : memref<160x128xf32, #tpu.memory_space<vmem>>[vector<16xi32>, vector<16xi32>], vector<16xf32>,
        %gather3A_1125 = tpu.vector_load_idx %arg9[%add3A_103, %broadcast_in_dim3A_184] : memref<160x128xf32, #tpu.memory_space<vmem>>[vector<16xi32>, vector<16xi32>], vector<16xf32>,
        %mul3A_1126 = arith.mulf %gather3A_1117, %div3A_1048 : vector<16xf32>
        tpu.vector_store_idx %arg9[%add3A_103, %broadcast_in_dim3A_176], %mul3A_1126 : memref<160x128xf32, #tpu.memory_space<vmem>>[vector<16xi32>, vector<16xi32>], vector<16xf32>,
        %gather3A_1127 = tpu.vector_load_idx %arg9[%add3A_103, %broadcast_in_dim3A_186] : memref<160x128xf32, #tpu.memory_space<vmem>>[vector<16xi32>, vector<16xi32>], vector<16xf32>,
        %mul3A_1128 = arith.mulf %gather3A_1119, %div3A_1048 : vector<16xf32>
        tpu.vector_store_idx %arg9[%add3A_103, %broadcast_in_dim3A_178], %mul3A_1128 : memref<160x128xf32, #tpu.memory_space<vmem>>[vector<16xi32>, vector<16xi32>], vector<16xf32>,
        %gather3A_1129 = tpu.vector_load_idx %arg9[%add3A_103, %broadcast_in_dim3A_188] : memref<160x128xf32, #tpu.memory_space<vmem>>[vector<16xi32>, vector<16xi32>], vector<16xf32>,
        %mul3A_1130 = arith.mulf %gather3A_1121, %div3A_1048 : vector<16xf32>
        tpu.vector_store_idx %arg9[%add3A_103, %broadcast_in_dim3A_180], %mul3A_1130 : memref<160x128xf32, #tpu.memory_space<vmem>>[vector<16xi32>, vector<16xi32>], vector<16xf32>,
        %gather3A_1131 = tpu.vector_load_idx %arg9[%add3A_103, %broadcast_in_dim3A_190] : memref<160x128xf32, #tpu.memory_space<vmem>>[vector<16xi32>, vector<16xi32>], vector<16xf32>,
        %mul3A_1132 = arith.mulf %gather3A_1123, %div3A_1048 : vector<16xf32>
        tpu.vector_store_idx %arg9[%add3A_103, %broadcast_in_dim3A_182], %mul3A_1132 : memref<160x128xf32, #tpu.memory_space<vmem>>[vector<16xi32>, vector<16xi32>], vector<16xf32>,
        %gather3A_1133 = tpu.vector_load_idx %arg9[%add3A_103, %broadcast_in_dim3A_192] : memref<160x128xf32, #tpu.memory_space<vmem>>[vector<16xi32>, vector<16xi32>], vector<16xf32>,
        %mul3A_1134 = arith.mulf %gather3A_1125, %div3A_1048 : vector<16xf32>
        tpu.vector_store_idx %arg9[%add3A_103, %broadcast_in_dim3A_184], %mul3A_1134 : memref<160x128xf32, #tpu.memory_space<vmem>>[vector<16xi32>, vector<16xi32>], vector<16xf32>,
        %gather3A_1135 = tpu.vector_load_idx %arg9[%add3A_103, %broadcast_in_dim3A_194] : memref<160x128xf32, #tpu.memory_space<vmem>>[vector<16xi32>, vector<16xi32>], vector<16xf32>,
        %mul3A_1136 = arith.mulf %gather3A_1127, %div3A_1048 : vector<16xf32>
        tpu.vector_store_idx %arg9[%add3A_103, %broadcast_in_dim3A_186], %mul3A_1136 : memref<160x128xf32, #tpu.memory_space<vmem>>[vector<16xi32>, vector<16xi32>], vector<16xf32>,
        %gather3A_1137 = tpu.vector_load_idx %arg9[%add3A_103, %broadcast_in_dim3A_196] : memref<160x128xf32, #tpu.memory_space<vmem>>[vector<16xi32>, vector<16xi32>], vector<16xf32>,
        %mul3A_1138 = arith.mulf %gather3A_1129, %div3A_1048 : vector<16xf32>
        tpu.vector_store_idx %arg9[%add3A_103, %broadcast_in_dim3A_188], %mul3A_1138 : memref<160x128xf32, #tpu.memory_space<vmem>>[vector<16xi32>, vector<16xi32>], vector<16xf32>,
        %gather3A_1139 = tpu.vector_load_idx %arg9[%add3A_103, %broadcast_in_dim3A_198] : memref<160x128xf32, #tpu.memory_space<vmem>>[vector<16xi32>, vector<16xi32>], vector<16xf32>,
        %mul3A_1140 = arith.mulf %gather3A_1131, %div3A_1048 : vector<16xf32>
        tpu.vector_store_idx %arg9[%add3A_103, %broadcast_in_dim3A_190], %mul3A_1140 : memref<160x128xf32, #tpu.memory_space<vmem>>[vector<16xi32>, vector<16xi32>], vector<16xf32>,
        %gather3A_1141 = tpu.vector_load_idx %arg9[%add3A_103, %broadcast_in_dim3A_200] : memref<160x128xf32, #tpu.memory_space<vmem>>[vector<16xi32>, vector<16xi32>], vector<16xf32>,
        %mul3A_1142 = arith.mulf %gather3A_1133, %div3A_1048 : vector<16xf32>
        tpu.vector_store_idx %arg9[%add3A_103, %broadcast_in_dim3A_192], %mul3A_1142 : memref<160x128xf32, #tpu.memory_space<vmem>>[vector<16xi32>, vector<16xi32>], vector<16xf32>,
        %gather3A_1143 = tpu.vector_load_idx %arg9[%add3A_103, %broadcast_in_dim3A_202] : memref<160x128xf32, #tpu.memory_space<vmem>>[vector<16xi32>, vector<16xi32>], vector<16xf32>,
        %mul3A_1144 = arith.mulf %gather3A_1135, %div3A_1048 : vector<16xf32>
        tpu.vector_store_idx %arg9[%add3A_103, %broadcast_in_dim3A_194], %mul3A_1144 : memref<160x128xf32, #tpu.memory_space<vmem>>[vector<16xi32>, vector<16xi32>], vector<16xf32>,
        %gather3A_1145 = tpu.vector_load_idx %arg9[%add3A_103, %broadcast_in_dim3A_204] : memref<160x128xf32, #tpu.memory_space<vmem>>[vector<16xi32>, vector<16xi32>], vector<16xf32>,
        %mul3A_1146 = arith.mulf %gather3A_1137, %div3A_1048 : vector<16xf32>
        tpu.vector_store_idx %arg9[%add3A_103, %broadcast_in_dim3A_196], %mul3A_1146 : memref<160x128xf32, #tpu.memory_space<vmem>>[vector<16xi32>, vector<16xi32>], vector<16xf32>,
        %gather3A_1147 = tpu.vector_load_idx %arg9[%add3A_103, %broadcast_in_dim3A_206] : memref<160x128xf32, #tpu.memory_space<vmem>>[vector<16xi32>, vector<16xi32>], vector<16xf32>,
        %mul3A_1148 = arith.mulf %gather3A_1139, %div3A_1048 : vector<16xf32>
        tpu.vector_store_idx %arg9[%add3A_103, %broadcast_in_dim3A_198], %mul3A_1148 : memref<160x128xf32, #tpu.memory_space<vmem>>[vector<16xi32>, vector<16xi32>], vector<16xf32>,
        %gather3A_1149 = tpu.vector_load_idx %arg9[%add3A_103, %broadcast_in_dim3A_208] : memref<160x128xf32, #tpu.memory_space<vmem>>[vector<16xi32>, vector<16xi32>], vector<16xf32>,
        %mul3A_1150 = arith.mulf %gather3A_1141, %div3A_1048 : vector<16xf32>
        tpu.vector_store_idx %arg9[%add3A_103, %broadcast_in_dim3A_200], %mul3A_1150 : memref<160x128xf32, #tpu.memory_space<vmem>>[vector<16xi32>, vector<16xi32>], vector<16xf32>,
        %gather3A_1151 = tpu.vector_load_idx %arg9[%add3A_103, %broadcast_in_dim3A_210] : memref<160x128xf32, #tpu.memory_space<vmem>>[vector<16xi32>, vector<16xi32>], vector<16xf32>,
        %mul3A_1152 = arith.mulf %gather3A_1143, %div3A_1048 : vector<16xf32>
        tpu.vector_store_idx %arg9[%add3A_103, %broadcast_in_dim3A_202], %mul3A_1152 : memref<160x128xf32, #tpu.memory_space<vmem>>[vector<16xi32>, vector<16xi32>], vector<16xf32>,
        %gather3A_1153 = tpu.vector_load_idx %arg9[%add3A_103, %broadcast_in_dim3A_212] : memref<160x128xf32, #tpu.memory_space<vmem>>[vector<16xi32>, vector<16xi32>], vector<16xf32>,
        %mul3A_1154 = arith.mulf %gather3A_1145, %div3A_1048 : vector<16xf32>
        tpu.vector_store_idx %arg9[%add3A_103, %broadcast_in_dim3A_204], %mul3A_1154 : memref<160x128xf32, #tpu.memory_space<vmem>>[vector<16xi32>, vector<16xi32>], vector<16xf32>,
        %gather3A_1155 = tpu.vector_load_idx %arg9[%add3A_103, %broadcast_in_dim3A_214] : memref<160x128xf32, #tpu.memory_space<vmem>>[vector<16xi32>, vector<16xi32>], vector<16xf32>,
        %mul3A_1156 = arith.mulf %gather3A_1147, %div3A_1048 : vector<16xf32>
        tpu.vector_store_idx %arg9[%add3A_103, %broadcast_in_dim3A_206], %mul3A_1156 : memref<160x128xf32, #tpu.memory_space<vmem>>[vector<16xi32>, vector<16xi32>], vector<16xf32>,
        %gather3A_1157 = tpu.vector_load_idx %arg9[%add3A_103, %broadcast_in_dim3A_216] : memref<160x128xf32, #tpu.memory_space<vmem>>[vector<16xi32>, vector<16xi32>], vector<16xf32>,
        %mul3A_1158 = arith.mulf %gather3A_1149, %div3A_1048 : vector<16xf32>
        tpu.vector_store_idx %arg9[%add3A_103, %broadcast_in_dim3A_208], %mul3A_1158 : memref<160x128xf32, #tpu.memory_space<vmem>>[vector<16xi32>, vector<16xi32>], vector<16xf32>,
        %gather3A_1159 = tpu.vector_load_idx %arg9[%add3A_103, %broadcast_in_dim3A_218] : memref<160x128xf32, #tpu.memory_space<vmem>>[vector<16xi32>, vector<16xi32>], vector<16xf32>,
        %mul3A_1160 = arith.mulf %gather3A_1151, %div3A_1048 : vector<16xf32>
        tpu.vector_store_idx %arg9[%add3A_103, %broadcast_in_dim3A_210], %mul3A_1160 : memref<160x128xf32, #tpu.memory_space<vmem>>[vector<16xi32>, vector<16xi32>], vector<16xf32>,
        %gather3A_1161 = tpu.vector_load_idx %arg9[%add3A_103, %broadcast_in_dim3A_220] : memref<160x128xf32, #tpu.memory_space<vmem>>[vector<16xi32>, vector<16xi32>], vector<16xf32>,
        %mul3A_1162 = arith.mulf %gather3A_1153, %div3A_1048 : vector<16xf32>
        tpu.vector_store_idx %arg9[%add3A_103, %broadcast_in_dim3A_212], %mul3A_1162 : memref<160x128xf32, #tpu.memory_space<vmem>>[vector<16xi32>, vector<16xi32>], vector<16xf32>,
        %gather3A_1163 = tpu.vector_load_idx %arg9[%add3A_103, %broadcast_in_dim3A_222] : memref<160x128xf32, #tpu.memory_space<vmem>>[vector<16xi32>, vector<16xi32>], vector<16xf32>,
        %mul3A_1164 = arith.mulf %gather3A_1155, %div3A_1048 : vector<16xf32>
        tpu.vector_store_idx %arg9[%add3A_103, %broadcast_in_dim3A_214], %mul3A_1164 : memref<160x128xf32, #tpu.memory_space<vmem>>[vector<16xi32>, vector<16xi32>], vector<16xf32>,
        %gather3A_1165 = tpu.vector_load_idx %arg9[%add3A_103, %broadcast_in_dim3A_224] : memref<160x128xf32, #tpu.memory_space<vmem>>[vector<16xi32>, vector<16xi32>], vector<16xf32>,
        %mul3A_1166 = arith.mulf %gather3A_1157, %div3A_1048 : vector<16xf32>
        tpu.vector_store_idx %arg9[%add3A_103, %broadcast_in_dim3A_216], %mul3A_1166 : memref<160x128xf32, #tpu.memory_space<vmem>>[vector<16xi32>, vector<16xi32>], vector<16xf32>,
        %gather3A_1167 = tpu.vector_load_idx %arg9[%add3A_103, %broadcast_in_dim3A_226] : memref<160x128xf32, #tpu.memory_space<vmem>>[vector<16xi32>, vector<16xi32>], vector<16xf32>,
        %mul3A_1168 = arith.mulf %gather3A_1159, %div3A_1048 : vector<16xf32>
        tpu.vector_store_idx %arg9[%add3A_103, %broadcast_in_dim3A_218], %mul3A_1168 : memref<160x128xf32, #tpu.memory_space<vmem>>[vector<16xi32>, vector<16xi32>], vector<16xf32>,
        %gather3A_1169 = tpu.vector_load_idx %arg9[%add3A_103, %broadcast_in_dim3A_228] : memref<160x128xf32, #tpu.memory_space<vmem>>[vector<16xi32>, vector<16xi32>], vector<16xf32>,
        %mul3A_1170 = arith.mulf %gather3A_1161, %div3A_1048 : vector<16xf32>
        tpu.vector_store_idx %arg9[%add3A_103, %broadcast_in_dim3A_220], %mul3A_1170 : memref<160x128xf32, #tpu.memory_space<vmem>>[vector<16xi32>, vector<16xi32>], vector<16xf32>,
        %gather3A_1171 = tpu.vector_load_idx %arg9[%add3A_103, %broadcast_in_dim3A_230] : memref<160x128xf32, #tpu.memory_space<vmem>>[vector<16xi32>, vector<16xi32>], vector<16xf32>,
        %mul3A_1172 = arith.mulf %gather3A_1163, %div3A_1048 : vector<16xf32>
        tpu.vector_store_idx %arg9[%add3A_103, %broadcast_in_dim3A_222], %mul3A_1172 : memref<160x128xf32, #tpu.memory_space<vmem>>[vector<16xi32>, vector<16xi32>], vector<16xf32>,
        %gather3A_1173 = tpu.vector_load_idx %arg9[%add3A_103, %broadcast_in_dim3A_232] : memref<160x128xf32, #tpu.memory_space<vmem>>[vector<16xi32>, vector<16xi32>], vector<16xf32>,
        %mul3A_1174 = arith.mulf %gather3A_1165, %div3A_1048 : vector<16xf32>
        tpu.vector_store_idx %arg9[%add3A_103, %broadcast_in_dim3A_224], %mul3A_1174 : memref<160x128xf32, #tpu.memory_space<vmem>>[vector<16xi32>, vector<16xi32>], vector<16xf32>,
        %gather3A_1175 = tpu.vector_load_idx %arg9[%add3A_103, %broadcast_in_dim3A_234] : memref<160x128xf32, #tpu.memory_space<vmem>>[vector<16xi32>, vector<16xi32>], vector<16xf32>,
        %mul3A_1176 = arith.mulf %gather3A_1167, %div3A_1048 : vector<16xf32>
        tpu.vector_store_idx %arg9[%add3A_103, %broadcast_in_dim3A_226], %mul3A_1176 : memref<160x128xf32, #tpu.memory_space<vmem>>[vector<16xi32>, vector<16xi32>], vector<16xf32>,
        %gather3A_1177 = tpu.vector_load_idx %arg9[%add3A_103, %broadcast_in_dim3A_236] : memref<160x128xf32, #tpu.memory_space<vmem>>[vector<16xi32>, vector<16xi32>], vector<16xf32>,
        %mul3A_1178 = arith.mulf %gather3A_1169, %div3A_1048 : vector<16xf32>
        tpu.vector_store_idx %arg9[%add3A_103, %broadcast_in_dim3A_228], %mul3A_1178 : memref<160x128xf32, #tpu.memory_space<vmem>>[vector<16xi32>, vector<16xi32>], vector<16xf32>,
        %gather3A_1179 = tpu.vector_load_idx %arg9[%add3A_103, %broadcast_in_dim3A_238] : memref<160x128xf32, #tpu.memory_space<vmem>>[vector<16xi32>, vector<16xi32>], vector<16xf32>,
        %mul3A_1180 = arith.mulf %gather3A_1171, %div3A_1048 : vector<16xf32>
        tpu.vector_store_idx %arg9[%add3A_103, %broadcast_in_dim3A_230], %mul3A_1180 : memref<160x128xf32, #tpu.memory_space<vmem>>[vector<16xi32>, vector<16xi32>], vector<16xf32>,
        %gather3A_1181 = tpu.vector_load_idx %arg9[%add3A_103, %broadcast_in_dim3A_240] : memref<160x128xf32, #tpu.memory_space<vmem>>[vector<16xi32>, vector<16xi32>], vector<16xf32>,
        %mul3A_1182 = arith.mulf %gather3A_1173, %div3A_1048 : vector<16xf32>
        tpu.vector_store_idx %arg9[%add3A_103, %broadcast_in_dim3A_232], %mul3A_1182 : memref<160x128xf32, #tpu.memory_space<vmem>>[vector<16xi32>, vector<16xi32>], vector<16xf32>,
        %gather3A_1183 = tpu.vector_load_idx %arg9[%add3A_103, %broadcast_in_dim3A_242] : memref<160x128xf32, #tpu.memory_space<vmem>>[vector<16xi32>, vector<16xi32>], vector<16xf32>,
        %mul3A_1184 = arith.mulf %gather3A_1175, %div3A_1048 : vector<16xf32>
        tpu.vector_store_idx %arg9[%add3A_103, %broadcast_in_dim3A_234], %mul3A_1184 : memref<160x128xf32, #tpu.memory_space<vmem>>[vector<16xi32>, vector<16xi32>], vector<16xf32>,
        %gather3A_1185 = tpu.vector_load_idx %arg9[%add3A_103, %broadcast_in_dim3A_244] : memref<160x128xf32, #tpu.memory_space<vmem>>[vector<16xi32>, vector<16xi32>], vector<16xf32>,
        %mul3A_1186 = arith.mulf %gather3A_1177, %div3A_1048 : vector<16xf32>
        tpu.vector_store_idx %arg9[%add3A_103, %broadcast_in_dim3A_236], %mul3A_1186 : memref<160x128xf32, #tpu.memory_space<vmem>>[vector<16xi32>, vector<16xi32>], vector<16xf32>,
        %gather3A_1187 = tpu.vector_load_idx %arg9[%add3A_103, %broadcast_in_dim3A_246] : memref<160x128xf32, #tpu.memory_space<vmem>>[vector<16xi32>, vector<16xi32>], vector<16xf32>,
        %mul3A_1188 = arith.mulf %gather3A_1179, %div3A_1048 : vector<16xf32>
        tpu.vector_store_idx %arg9[%add3A_103, %broadcast_in_dim3A_238], %mul3A_1188 : memref<160x128xf32, #tpu.memory_space<vmem>>[vector<16xi32>, vector<16xi32>], vector<16xf32>,
        %gather3A_1189 = tpu.vector_load_idx %arg9[%add3A_103, %broadcast_in_dim3A_248] : memref<160x128xf32, #tpu.memory_space<vmem>>[vector<16xi32>, vector<16xi32>], vector<16xf32>,
        %mul3A_1190 = arith.mulf %gather3A_1181, %div3A_1048 : vector<16xf32>
        tpu.vector_store_idx %arg9[%add3A_103, %broadcast_in_dim3A_240], %mul3A_1190 : memref<160x128xf32, #tpu.memory_space<vmem>>[vector<16xi32>, vector<16xi32>], vector<16xf32>,
        %gather3A_1191 = tpu.vector_load_idx %arg9[%add3A_103, %broadcast_in_dim3A_250] : memref<160x128xf32, #tpu.memory_space<vmem>>[vector<16xi32>, vector<16xi32>], vector<16xf32>,
        %mul3A_1192 = arith.mulf %gather3A_1183, %div3A_1048 : vector<16xf32>
        tpu.vector_store_idx %arg9[%add3A_103, %broadcast_in_dim3A_242], %mul3A_1192 : memref<160x128xf32, #tpu.memory_space<vmem>>[vector<16xi32>, vector<16xi32>], vector<16xf32>,
        %gather3A_1193 = tpu.vector_load_idx %arg9[%add3A_103, %broadcast_in_dim3A_252] : memref<160x128xf32, #tpu.memory_space<vmem>>[vector<16xi32>, vector<16xi32>], vector<16xf32>,
        %mul3A_1194 = arith.mulf %gather3A_1185, %div3A_1048 : vector<16xf32>
        tpu.vector_store_idx %arg9[%add3A_103, %broadcast_in_dim3A_244], %mul3A_1194 : memref<160x128xf32, #tpu.memory_space<vmem>>[vector<16xi32>, vector<16xi32>], vector<16xf32>,
        %gather3A_1195 = tpu.vector_load_idx %arg9[%add3A_103, %broadcast_in_dim3A_254] : memref<160x128xf32, #tpu.memory_space<vmem>>[vector<16xi32>, vector<16xi32>], vector<16xf32>,
        %mul3A_1196 = arith.mulf %gather3A_1187, %div3A_1048 : vector<16xf32>
        tpu.vector_store_idx %arg9[%add3A_103, %broadcast_in_dim3A_246], %mul3A_1196 : memref<160x128xf32, #tpu.memory_space<vmem>>[vector<16xi32>, vector<16xi32>], vector<16xf32>,
        %gather3A_1197 = tpu.vector_load_idx %arg9[%add3A_103, %broadcast_in_dim3A_256] : memref<160x128xf32, #tpu.memory_space<vmem>>[vector<16xi32>, vector<16xi32>], vector<16xf32>,
        %mul3A_1198 = arith.mulf %gather3A_1189, %div3A_1048 : vector<16xf32>
        tpu.vector_store_idx %arg9[%add3A_103, %broadcast_in_dim3A_248], %mul3A_1198 : memref<160x128xf32, #tpu.memory_space<vmem>>[vector<16xi32>, vector<16xi32>], vector<16xf32>,
        %gather3A_1199 = tpu.vector_load_idx %arg9[%add3A_103, %broadcast_in_dim3A_258] : memref<160x128xf32, #tpu.memory_space<vmem>>[vector<16xi32>, vector<16xi32>], vector<16xf32>,
        %mul3A_1200 = arith.mulf %gather3A_1191, %div3A_1048 : vector<16xf32>
        tpu.vector_store_idx %arg9[%add3A_103, %broadcast_in_dim3A_250], %mul3A_1200 : memref<160x128xf32, #tpu.memory_space<vmem>>[vector<16xi32>, vector<16xi32>], vector<16xf32>,
        %gather3A_1201 = tpu.vector_load_idx %arg9[%add3A_103, %broadcast_in_dim3A_260] : memref<160x128xf32, #tpu.memory_space<vmem>>[vector<16xi32>, vector<16xi32>], vector<16xf32>,
        %mul3A_1202 = arith.mulf %gather3A_1193, %div3A_1048 : vector<16xf32>
        tpu.vector_store_idx %arg9[%add3A_103, %broadcast_in_dim3A_252], %mul3A_1202 : memref<160x128xf32, #tpu.memory_space<vmem>>[vector<16xi32>, vector<16xi32>], vector<16xf32>,
        %gather3A_1203 = tpu.vector_load_idx %arg9[%add3A_103, %broadcast_in_dim3A_262] : memref<160x128xf32, #tpu.memory_space<vmem>>[vector<16xi32>, vector<16xi32>], vector<16xf32>,
        %mul3A_1204 = arith.mulf %gather3A_1195, %div3A_1048 : vector<16xf32>
        tpu.vector_store_idx %arg9[%add3A_103, %broadcast_in_dim3A_254], %mul3A_1204 : memref<160x128xf32, #tpu.memory_space<vmem>>[vector<16xi32>, vector<16xi32>], vector<16xf32>,
        %gather3A_1205 = tpu.vector_load_idx %arg9[%add3A_103, %broadcast_in_dim3A_264] : memref<160x128xf32, #tpu.memory_space<vmem>>[vector<16xi32>, vector<16xi32>], vector<16xf32>,
        %mul3A_1206 = arith.mulf %gather3A_1197, %div3A_1048 : vector<16xf32>
        tpu.vector_store_idx %arg9[%add3A_103, %broadcast_in_dim3A_256], %mul3A_1206 : memref<160x128xf32, #tpu.memory_space<vmem>>[vector<16xi32>, vector<16xi32>], vector<16xf32>,
        %gather3A_1207 = tpu.vector_load_idx %arg9[%add3A_103, %broadcast_in_dim3A_266] : memref<160x128xf32, #tpu.memory_space<vmem>>[vector<16xi32>, vector<16xi32>], vector<16xf32>,
        %mul3A_1208 = arith.mulf %gather3A_1199, %div3A_1048 : vector<16xf32>
        tpu.vector_store_idx %arg9[%add3A_103, %broadcast_in_dim3A_258], %mul3A_1208 : memref<160x128xf32, #tpu.memory_space<vmem>>[vector<16xi32>, vector<16xi32>], vector<16xf32>,
        %gather3A_1209 = tpu.vector_load_idx %arg9[%add3A_103, %broadcast_in_dim3A_268] : memref<160x128xf32, #tpu.memory_space<vmem>>[vector<16xi32>, vector<16xi32>], vector<16xf32>,
        %mul3A_1210 = arith.mulf %gather3A_1201, %div3A_1048 : vector<16xf32>
        tpu.vector_store_idx %arg9[%add3A_103, %broadcast_in_dim3A_260], %mul3A_1210 : memref<160x128xf32, #tpu.memory_space<vmem>>[vector<16xi32>, vector<16xi32>], vector<16xf32>,
        %gather3A_1211 = tpu.vector_load_idx %arg9[%add3A_103, %broadcast_in_dim3A_270] : memref<160x128xf32, #tpu.memory_space<vmem>>[vector<16xi32>, vector<16xi32>], vector<16xf32>,
        %mul3A_1212 = arith.mulf %gather3A_1203, %div3A_1048 : vector<16xf32>
        tpu.vector_store_idx %arg9[%add3A_103, %broadcast_in_dim3A_262], %mul3A_1212 : memref<160x128xf32, #tpu.memory_space<vmem>>[vector<16xi32>, vector<16xi32>], vector<16xf32>,
        %gather3A_1213 = tpu.vector_load_idx %arg9[%add3A_103, %broadcast_in_dim3A_272] : memref<160x128xf32, #tpu.memory_space<vmem>>[vector<16xi32>, vector<16xi32>], vector<16xf32>,
        %mul3A_1214 = arith.mulf %gather3A_1205, %div3A_1048 : vector<16xf32>
        tpu.vector_store_idx %arg9[%add3A_103, %broadcast_in_dim3A_264], %mul3A_1214 : memref<160x128xf32, #tpu.memory_space<vmem>>[vector<16xi32>, vector<16xi32>], vector<16xf32>,
        %gather3A_1215 = tpu.vector_load_idx %arg9[%add3A_103, %broadcast_in_dim3A_274] : memref<160x128xf32, #tpu.memory_space<vmem>>[vector<16xi32>, vector<16xi32>], vector<16xf32>,
        %mul3A_1216 = arith.mulf %gather3A_1207, %div3A_1048 : vector<16xf32>
        tpu.vector_store_idx %arg9[%add3A_103, %broadcast_in_dim3A_266], %mul3A_1216 : memref<160x128xf32, #tpu.memory_space<vmem>>[vector<16xi32>, vector<16xi32>], vector<16xf32>,
        %gather3A_1217 = tpu.vector_load_idx %arg9[%add3A_103, %broadcast_in_dim3A_276] : memref<160x128xf32, #tpu.memory_space<vmem>>[vector<16xi32>, vector<16xi32>], vector<16xf32>,
        %mul3A_1218 = arith.mulf %gather3A_1209, %div3A_1048 : vector<16xf32>
        tpu.vector_store_idx %arg9[%add3A_103, %broadcast_in_dim3A_268], %mul3A_1218 : memref<160x128xf32, #tpu.memory_space<vmem>>[vector<16xi32>, vector<16xi32>], vector<16xf32>,
        %gather3A_1219 = tpu.vector_load_idx %arg9[%add3A_103, %broadcast_in_dim3A_278] : memref<160x128xf32, #tpu.memory_space<vmem>>[vector<16xi32>, vector<16xi32>], vector<16xf32>,
        %mul3A_1220 = arith.mulf %gather3A_1211, %div3A_1048 : vector<16xf32>
        tpu.vector_store_idx %arg9[%add3A_103, %broadcast_in_dim3A_270], %mul3A_1220 : memref<160x128xf32, #tpu.memory_space<vmem>>[vector<16xi32>, vector<16xi32>], vector<16xf32>,
        %gather3A_1221 = tpu.vector_load_idx %arg9[%add3A_103, %broadcast_in_dim3A_280] : memref<160x128xf32, #tpu.memory_space<vmem>>[vector<16xi32>, vector<16xi32>], vector<16xf32>,
        %mul3A_1222 = arith.mulf %gather3A_1213, %div3A_1048 : vector<16xf32>
        tpu.vector_store_idx %arg9[%add3A_103, %broadcast_in_dim3A_272], %mul3A_1222 : memref<160x128xf32, #tpu.memory_space<vmem>>[vector<16xi32>, vector<16xi32>], vector<16xf32>,
        %gather3A_1223 = tpu.vector_load_idx %arg9[%add3A_103, %broadcast_in_dim3A_282] : memref<160x128xf32, #tpu.memory_space<vmem>>[vector<16xi32>, vector<16xi32>], vector<16xf32>,
        %mul3A_1224 = arith.mulf %gather3A_1215, %div3A_1048 : vector<16xf32>
        tpu.vector_store_idx %arg9[%add3A_103, %broadcast_in_dim3A_274], %mul3A_1224 : memref<160x128xf32, #tpu.memory_space<vmem>>[vector<16xi32>, vector<16xi32>], vector<16xf32>,
        %gather3A_1225 = tpu.vector_load_idx %arg9[%add3A_103, %broadcast_in_dim3A_284] : memref<160x128xf32, #tpu.memory_space<vmem>>[vector<16xi32>, vector<16xi32>], vector<16xf32>,
        %mul3A_1226 = arith.mulf %gather3A_1217, %div3A_1048 : vector<16xf32>
        tpu.vector_store_idx %arg9[%add3A_103, %broadcast_in_dim3A_276], %mul3A_1226 : memref<160x128xf32, #tpu.memory_space<vmem>>[vector<16xi32>, vector<16xi32>], vector<16xf32>,
        %gather3A_1227 = tpu.vector_load_idx %arg9[%add3A_103, %broadcast_in_dim3A_286] : memref<160x128xf32, #tpu.memory_space<vmem>>[vector<16xi32>, vector<16xi32>], vector<16xf32>,
        %mul3A_1228 = arith.mulf %gather3A_1219, %div3A_1048 : vector<16xf32>
        tpu.vector_store_idx %arg9[%add3A_103, %broadcast_in_dim3A_278], %mul3A_1228 : memref<160x128xf32, #tpu.memory_space<vmem>>[vector<16xi32>, vector<16xi32>], vector<16xf32>,
        %gather3A_1229 = tpu.vector_load_idx %arg9[%add3A_103, %broadcast_in_dim3A_288] : memref<160x128xf32, #tpu.memory_space<vmem>>[vector<16xi32>, vector<16xi32>], vector<16xf32>,
        %mul3A_1230 = arith.mulf %gather3A_1221, %div3A_1048 : vector<16xf32>
        tpu.vector_store_idx %arg9[%add3A_103, %broadcast_in_dim3A_280], %mul3A_1230 : memref<160x128xf32, #tpu.memory_space<vmem>>[vector<16xi32>, vector<16xi32>], vector<16xf32>,
        %gather3A_1231 = tpu.vector_load_idx %arg9[%add3A_103, %broadcast_in_dim3A_290] : memref<160x128xf32, #tpu.memory_space<vmem>>[vector<16xi32>, vector<16xi32>], vector<16xf32>,
        %mul3A_1232 = arith.mulf %gather3A_1223, %div3A_1048 : vector<16xf32>
        tpu.vector_store_idx %arg9[%add3A_103, %broadcast_in_dim3A_282], %mul3A_1232 : memref<160x128xf32, #tpu.memory_space<vmem>>[vector<16xi32>, vector<16xi32>], vector<16xf32>,
        %gather3A_1233 = tpu.vector_load_idx %arg9[%add3A_103, %broadcast_in_dim3A_292] : memref<160x128xf32, #tpu.memory_space<vmem>>[vector<16xi32>, vector<16xi32>], vector<16xf32>,
        %mul3A_1234 = arith.mulf %gather3A_1225, %div3A_1048 : vector<16xf32>
        tpu.vector_store_idx %arg9[%add3A_103, %broadcast_in_dim3A_284], %mul3A_1234 : memref<160x128xf32, #tpu.memory_space<vmem>>[vector<16xi32>, vector<16xi32>], vector<16xf32>,
        %gather3A_1235 = tpu.vector_load_idx %arg9[%add3A_103, %broadcast_in_dim3A_294] : memref<160x128xf32, #tpu.memory_space<vmem>>[vector<16xi32>, vector<16xi32>], vector<16xf32>,
        %mul3A_1236 = arith.mulf %gather3A_1227, %div3A_1048 : vector<16xf32>
        tpu.vector_store_idx %arg9[%add3A_103, %broadcast_in_dim3A_286], %mul3A_1236 : memref<160x128xf32, #tpu.memory_space<vmem>>[vector<16xi32>, vector<16xi32>], vector<16xf32>,
        %gather3A_1237 = tpu.vector_load_idx %arg9[%add3A_103, %broadcast_in_dim3A_296] : memref<160x128xf32, #tpu.memory_space<vmem>>[vector<16xi32>, vector<16xi32>], vector<16xf32>,
        %mul3A_1238 = arith.mulf %gather3A_1229, %div3A_1048 : vector<16xf32>
        tpu.vector_store_idx %arg9[%add3A_103, %broadcast_in_dim3A_288], %mul3A_1238 : memref<160x128xf32, #tpu.memory_space<vmem>>[vector<16xi32>, vector<16xi32>], vector<16xf32>,
        %gather3A_1239 = tpu.vector_load_idx %arg9[%add3A_103, %broadcast_in_dim3A_298] : memref<160x128xf32, #tpu.memory_space<vmem>>[vector<16xi32>, vector<16xi32>], vector<16xf32>,
        %mul3A_1240 = arith.mulf %gather3A_1231, %div3A_1048 : vector<16xf32>
        tpu.vector_store_idx %arg9[%add3A_103, %broadcast_in_dim3A_290], %mul3A_1240 : memref<160x128xf32, #tpu.memory_space<vmem>>[vector<16xi32>, vector<16xi32>], vector<16xf32>,
        %gather3A_1241 = tpu.vector_load_idx %arg9[%add3A_103, %broadcast_in_dim3A_300] : memref<160x128xf32, #tpu.memory_space<vmem>>[vector<16xi32>, vector<16xi32>], vector<16xf32>,
        %mul3A_1242 = arith.mulf %gather3A_1233, %div3A_1048 : vector<16xf32>
        tpu.vector_store_idx %arg9[%add3A_103, %broadcast_in_dim3A_292], %mul3A_1242 : memref<160x128xf32, #tpu.memory_space<vmem>>[vector<16xi32>, vector<16xi32>], vector<16xf32>,
        %gather3A_1243 = tpu.vector_load_idx %arg9[%add3A_103, %broadcast_in_dim3A_302] : memref<160x128xf32, #tpu.memory_space<vmem>>[vector<16xi32>, vector<16xi32>], vector<16xf32>,
        %mul3A_1244 = arith.mulf %gather3A_1235, %div3A_1048 : vector<16xf32>
        tpu.vector_store_idx %arg9[%add3A_103, %broadcast_in_dim3A_294], %mul3A_1244 : memref<160x128xf32, #tpu.memory_space<vmem>>[vector<16xi32>, vector<16xi32>], vector<16xf32>,
        %gather3A_1245 = tpu.vector_load_idx %arg9[%add3A_103, %broadcast_in_dim3A_304] : memref<160x128xf32, #tpu.memory_space<vmem>>[vector<16xi32>, vector<16xi32>], vector<16xf32>,
        %mul3A_1246 = arith.mulf %gather3A_1237, %div3A_1048 : vector<16xf32>
        tpu.vector_store_idx %arg9[%add3A_103, %broadcast_in_dim3A_296], %mul3A_1246 : memref<160x128xf32, #tpu.memory_space<vmem>>[vector<16xi32>, vector<16xi32>], vector<16xf32>,
        %gather3A_1247 = tpu.vector_load_idx %arg9[%add3A_103, %broadcast_in_dim3A_306] : memref<160x128xf32, #tpu.memory_space<vmem>>[vector<16xi32>, vector<16xi32>], vector<16xf32>,
        %mul3A_1248 = arith.mulf %gather3A_1239, %div3A_1048 : vector<16xf32>
        tpu.vector_store_idx %arg9[%add3A_103, %broadcast_in_dim3A_298], %mul3A_1248 : memref<160x128xf32, #tpu.memory_space<vmem>>[vector<16xi32>, vector<16xi32>], vector<16xf32>,
        %gather3A_1249 = tpu.vector_load_idx %arg9[%add3A_103, %broadcast_in_dim3A_308] : memref<160x128xf32, #tpu.memory_space<vmem>>[vector<16xi32>, vector<16xi32>], vector<16xf32>,
        %mul3A_1250 = arith.mulf %gather3A_1241, %div3A_1048 : vector<16xf32>
        tpu.vector_store_idx %arg9[%add3A_103, %broadcast_in_dim3A_300], %mul3A_1250 : memref<160x128xf32, #tpu.memory_space<vmem>>[vector<16xi32>, vector<16xi32>], vector<16xf32>,
        %gather3A_1251 = tpu.vector_load_idx %arg9[%add3A_103, %broadcast_in_dim3A_310] : memref<160x128xf32, #tpu.memory_space<vmem>>[vector<16xi32>, vector<16xi32>], vector<16xf32>,
        %mul3A_1252 = arith.mulf %gather3A_1243, %div3A_1048 : vector<16xf32>
        tpu.vector_store_idx %arg9[%add3A_103, %broadcast_in_dim3A_302], %mul3A_1252 : memref<160x128xf32, #tpu.memory_space<vmem>>[vector<16xi32>, vector<16xi32>], vector<16xf32>,
        %gather3A_1253 = tpu.vector_load_idx %arg9[%add3A_103, %broadcast_in_dim3A_312] : memref<160x128xf32, #tpu.memory_space<vmem>>[vector<16xi32>, vector<16xi32>], vector<16xf32>,
        %mul3A_1254 = arith.mulf %gather3A_1245, %div3A_1048 : vector<16xf32>
        tpu.vector_store_idx %arg9[%add3A_103, %broadcast_in_dim3A_304], %mul3A_1254 : memref<160x128xf32, #tpu.memory_space<vmem>>[vector<16xi32>, vector<16xi32>], vector<16xf32>,
        %gather3A_1255 = tpu.vector_load_idx %arg9[%add3A_103, %broadcast_in_dim3A_314] : memref<160x128xf32, #tpu.memory_space<vmem>>[vector<16xi32>, vector<16xi32>], vector<16xf32>,
        %mul3A_1256 = arith.mulf %gather3A_1247, %div3A_1048 : vector<16xf32>
        tpu.vector_store_idx %arg9[%add3A_103, %broadcast_in_dim3A_306], %mul3A_1256 : memref<160x128xf32, #tpu.memory_space<vmem>>[vector<16xi32>, vector<16xi32>], vector<16xf32>,
        %gather3A_1257 = tpu.vector_load_idx %arg9[%add3A_103, %broadcast_in_dim3A_316] : memref<160x128xf32, #tpu.memory_space<vmem>>[vector<16xi32>, vector<16xi32>], vector<16xf32>,
        %mul3A_1258 = arith.mulf %gather3A_1249, %div3A_1048 : vector<16xf32>
        tpu.vector_store_idx %arg9[%add3A_103, %broadcast_in_dim3A_308], %mul3A_1258 : memref<160x128xf32, #tpu.memory_space<vmem>>[vector<16xi32>, vector<16xi32>], vector<16xf32>,
        %gather3A_1259 = tpu.vector_load_idx %arg9[%add3A_103, %broadcast_in_dim3A_318] : memref<160x128xf32, #tpu.memory_space<vmem>>[vector<16xi32>, vector<16xi32>], vector<16xf32>,
        %mul3A_1260 = arith.mulf %gather3A_1251, %div3A_1048 : vector<16xf32>
        tpu.vector_store_idx %arg9[%add3A_103, %broadcast_in_dim3A_310], %mul3A_1260 : memref<160x128xf32, #tpu.memory_space<vmem>>[vector<16xi32>, vector<16xi32>], vector<16xf32>,
        %gather3A_1261 = tpu.vector_load_idx %arg9[%add3A_103, %broadcast_in_dim3A_320] : memref<160x128xf32, #tpu.memory_space<vmem>>[vector<16xi32>, vector<16xi32>], vector<16xf32>,
        %mul3A_1262 = arith.mulf %gather3A_1253, %div3A_1048 : vector<16xf32>
        tpu.vector_store_idx %arg9[%add3A_103, %broadcast_in_dim3A_312], %mul3A_1262 : memref<160x128xf32, #tpu.memory_space<vmem>>[vector<16xi32>, vector<16xi32>], vector<16xf32>,
        %gather3A_1263 = tpu.vector_load_idx %arg9[%add3A_103, %broadcast_in_dim3A_322] : memref<160x128xf32, #tpu.memory_space<vmem>>[vector<16xi32>, vector<16xi32>], vector<16xf32>,
        %mul3A_1264 = arith.mulf %gather3A_1255, %div3A_1048 : vector<16xf32>
        tpu.vector_store_idx %arg9[%add3A_103, %broadcast_in_dim3A_314], %mul3A_1264 : memref<160x128xf32, #tpu.memory_space<vmem>>[vector<16xi32>, vector<16xi32>], vector<16xf32>,
        %gather3A_1265 = tpu.vector_load_idx %arg9[%add3A_103, %broadcast_in_dim3A_324] : memref<160x128xf32, #tpu.memory_space<vmem>>[vector<16xi32>, vector<16xi32>], vector<16xf32>,
        %mul3A_1266 = arith.mulf %gather3A_1257, %div3A_1048 : vector<16xf32>
        tpu.vector_store_idx %arg9[%add3A_103, %broadcast_in_dim3A_316], %mul3A_1266 : memref<160x128xf32, #tpu.memory_space<vmem>>[vector<16xi32>, vector<16xi32>], vector<16xf32>,
        %gather3A_1267 = tpu.vector_load_idx %arg9[%add3A_103, %broadcast_in_dim3A_326] : memref<160x128xf32, #tpu.memory_space<vmem>>[vector<16xi32>, vector<16xi32>], vector<16xf32>,
        %mul3A_1268 = arith.mulf %gather3A_1259, %div3A_1048 : vector<16xf32>
        tpu.vector_store_idx %arg9[%add3A_103, %broadcast_in_dim3A_318], %mul3A_1268 : memref<160x128xf32, #tpu.memory_space<vmem>>[vector<16xi32>, vector<16xi32>], vector<16xf32>,
        %gather3A_1269 = tpu.vector_load_idx %arg9[%add3A_103, %broadcast_in_dim3A_328] : memref<160x128xf32, #tpu.memory_space<vmem>>[vector<16xi32>, vector<16xi32>], vector<16xf32>,
        %mul3A_1270 = arith.mulf %gather3A_1261, %div3A_1048 : vector<16xf32>
        tpu.vector_store_idx %arg9[%add3A_103, %broadcast_in_dim3A_320], %mul3A_1270 : memref<160x128xf32, #tpu.memory_space<vmem>>[vector<16xi32>, vector<16xi32>], vector<16xf32>,
        %gather3A_1271 = tpu.vector_load_idx %arg9[%add3A_103, %broadcast_in_dim3A_330] : memref<160x128xf32, #tpu.memory_space<vmem>>[vector<16xi32>, vector<16xi32>], vector<16xf32>,
        %mul3A_1272 = arith.mulf %gather3A_1263, %div3A_1048 : vector<16xf32>
        tpu.vector_store_idx %arg9[%add3A_103, %broadcast_in_dim3A_322], %mul3A_1272 : memref<160x128xf32, #tpu.memory_space<vmem>>[vector<16xi32>, vector<16xi32>], vector<16xf32>,
        %gather3A_1273 = tpu.vector_load_idx %arg9[%add3A_103, %broadcast_in_dim3A_332] : memref<160x128xf32, #tpu.memory_space<vmem>>[vector<16xi32>, vector<16xi32>], vector<16xf32>,
        %mul3A_1274 = arith.mulf %gather3A_1265, %div3A_1048 : vector<16xf32>
        tpu.vector_store_idx %arg9[%add3A_103, %broadcast_in_dim3A_324], %mul3A_1274 : memref<160x128xf32, #tpu.memory_space<vmem>>[vector<16xi32>, vector<16xi32>], vector<16xf32>,
        %gather3A_1275 = tpu.vector_load_idx %arg9[%add3A_103, %broadcast_in_dim3A_334] : memref<160x128xf32, #tpu.memory_space<vmem>>[vector<16xi32>, vector<16xi32>], vector<16xf32>,
        %mul3A_1276 = arith.mulf %gather3A_1267, %div3A_1048 : vector<16xf32>
        tpu.vector_store_idx %arg9[%add3A_103, %broadcast_in_dim3A_326], %mul3A_1276 : memref<160x128xf32, #tpu.memory_space<vmem>>[vector<16xi32>, vector<16xi32>], vector<16xf32>,
        %gather3A_1277 = tpu.vector_load_idx %arg9[%add3A_103, %broadcast_in_dim3A_336] : memref<160x128xf32, #tpu.memory_space<vmem>>[vector<16xi32>, vector<16xi32>], vector<16xf32>,
        %mul3A_1278 = arith.mulf %gather3A_1269, %div3A_1048 : vector<16xf32>
        tpu.vector_store_idx %arg9[%add3A_103, %broadcast_in_dim3A_328], %mul3A_1278 : memref<160x128xf32, #tpu.memory_space<vmem>>[vector<16xi32>, vector<16xi32>], vector<16xf32>,
        %gather3A_1279 = tpu.vector_load_idx %arg9[%add3A_103, %broadcast_in_dim3A_338] : memref<160x128xf32, #tpu.memory_space<vmem>>[vector<16xi32>, vector<16xi32>], vector<16xf32>,
        %mul3A_1280 = arith.mulf %gather3A_1271, %div3A_1048 : vector<16xf32>
        tpu.vector_store_idx %arg9[%add3A_103, %broadcast_in_dim3A_330], %mul3A_1280 : memref<160x128xf32, #tpu.memory_space<vmem>>[vector<16xi32>, vector<16xi32>], vector<16xf32>,
        %gather3A_1281 = tpu.vector_load_idx %arg9[%add3A_103, %broadcast_in_dim3A_340] : memref<160x128xf32, #tpu.memory_space<vmem>>[vector<16xi32>, vector<16xi32>], vector<16xf32>,
        %mul3A_1282 = arith.mulf %gather3A_1273, %div3A_1048 : vector<16xf32>
        tpu.vector_store_idx %arg9[%add3A_103, %broadcast_in_dim3A_332], %mul3A_1282 : memref<160x128xf32, #tpu.memory_space<vmem>>[vector<16xi32>, vector<16xi32>], vector<16xf32>,
        %gather3A_1283 = tpu.vector_load_idx %arg9[%add3A_103, %broadcast_in_dim3A_342] : memref<160x128xf32, #tpu.memory_space<vmem>>[vector<16xi32>, vector<16xi32>], vector<16xf32>,
        %mul3A_1284 = arith.mulf %gather3A_1275, %div3A_1048 : vector<16xf32>
        tpu.vector_store_idx %arg9[%add3A_103, %broadcast_in_dim3A_334], %mul3A_1284 : memref<160x128xf32, #tpu.memory_space<vmem>>[vector<16xi32>, vector<16xi32>], vector<16xf32>,
        %gather3A_1285 = tpu.vector_load_idx %arg9[%add3A_103, %broadcast_in_dim3A_344] : memref<160x128xf32, #tpu.memory_space<vmem>>[vector<16xi32>, vector<16xi32>], vector<16xf32>,
        %mul3A_1286 = arith.mulf %gather3A_1277, %div3A_1048 : vector<16xf32>
        tpu.vector_store_idx %arg9[%add3A_103, %broadcast_in_dim3A_336], %mul3A_1286 : memref<160x128xf32, #tpu.memory_space<vmem>>[vector<16xi32>, vector<16xi32>], vector<16xf32>,
        %gather3A_1287 = tpu.vector_load_idx %arg9[%add3A_103, %broadcast_in_dim3A_346] : memref<160x128xf32, #tpu.memory_space<vmem>>[vector<16xi32>, vector<16xi32>], vector<16xf32>,
        %mul3A_1288 = arith.mulf %gather3A_1279, %div3A_1048 : vector<16xf32>
        tpu.vector_store_idx %arg9[%add3A_103, %broadcast_in_dim3A_338], %mul3A_1288 : memref<160x128xf32, #tpu.memory_space<vmem>>[vector<16xi32>, vector<16xi32>], vector<16xf32>,
        %gather3A_1289 = tpu.vector_load_idx %arg9[%add3A_103, %broadcast_in_dim3A_348] : memref<160x128xf32, #tpu.memory_space<vmem>>[vector<16xi32>, vector<16xi32>], vector<16xf32>,
        %mul3A_1290 = arith.mulf %gather3A_1281, %div3A_1048 : vector<16xf32>
        tpu.vector_store_idx %arg9[%add3A_103, %broadcast_in_dim3A_340], %mul3A_1290 : memref<160x128xf32, #tpu.memory_space<vmem>>[vector<16xi32>, vector<16xi32>], vector<16xf32>,
        %gather3A_1291 = tpu.vector_load_idx %arg9[%add3A_103, %broadcast_in_dim3A_350] : memref<160x128xf32, #tpu.memory_space<vmem>>[vector<16xi32>, vector<16xi32>], vector<16xf32>,
        %mul3A_1292 = arith.mulf %gather3A_1283, %div3A_1048 : vector<16xf32>
        tpu.vector_store_idx %arg9[%add3A_103, %broadcast_in_dim3A_342], %mul3A_1292 : memref<160x128xf32, #tpu.memory_space<vmem>>[vector<16xi32>, vector<16xi32>], vector<16xf32>,
        %gather3A_1293 = tpu.vector_load_idx %arg9[%add3A_103, %broadcast_in_dim3A_352] : memref<160x128xf32, #tpu.memory_space<vmem>>[vector<16xi32>, vector<16xi32>], vector<16xf32>,
        %mul3A_1294 = arith.mulf %gather3A_1285, %div3A_1048 : vector<16xf32>
        tpu.vector_store_idx %arg9[%add3A_103, %broadcast_in_dim3A_344], %mul3A_1294 : memref<160x128xf32, #tpu.memory_space<vmem>>[vector<16xi32>, vector<16xi32>], vector<16xf32>,
        %gather3A_1295 = tpu.vector_load_idx %arg9[%add3A_103, %broadcast_in_dim3A_354] : memref<160x128xf32, #tpu.memory_space<vmem>>[vector<16xi32>, vector<16xi32>], vector<16xf32>,
        %mul3A_1296 = arith.mulf %gather3A_1287, %div3A_1048 : vector<16xf32>
        tpu.vector_store_idx %arg9[%add3A_103, %broadcast_in_dim3A_346], %mul3A_1296 : memref<160x128xf32, #tpu.memory_space<vmem>>[vector<16xi32>, vector<16xi32>], vector<16xf32>,
        %gather3A_1297 = tpu.vector_load_idx %arg9[%add3A_103, %broadcast_in_dim3A_356] : memref<160x128xf32, #tpu.memory_space<vmem>>[vector<16xi32>, vector<16xi32>], vector<16xf32>,
        %mul3A_1298 = arith.mulf %gather3A_1289, %div3A_1048 : vector<16xf32>
        tpu.vector_store_idx %arg9[%add3A_103, %broadcast_in_dim3A_348], %mul3A_1298 : memref<160x128xf32, #tpu.memory_space<vmem>>[vector<16xi32>, vector<16xi32>], vector<16xf32>,
        %gather3A_1299 = tpu.vector_load_idx %arg9[%add3A_103, %broadcast_in_dim3A_358] : memref<160x128xf32, #tpu.memory_space<vmem>>[vector<16xi32>, vector<16xi32>], vector<16xf32>,
        %mul3A_1300 = arith.mulf %gather3A_1291, %div3A_1048 : vector<16xf32>
        tpu.vector_store_idx %arg9[%add3A_103, %broadcast_in_dim3A_350], %mul3A_1300 : memref<160x128xf32, #tpu.memory_space<vmem>>[vector<16xi32>, vector<16xi32>], vector<16xf32>,
        %mul3A_1301 = arith.mulf %gather3A_1293, %div3A_1048 : vector<16xf32>
        tpu.vector_store_idx %arg9[%add3A_103, %broadcast_in_dim3A_352], %mul3A_1301 : memref<160x128xf32, #tpu.memory_space<vmem>>[vector<16xi32>, vector<16xi32>], vector<16xf32>,
        %mul3A_1302 = arith.mulf %gather3A_1295, %div3A_1048 : vector<16xf32>
        tpu.vector_store_idx %arg9[%add3A_103, %broadcast_in_dim3A_354], %mul3A_1302 : memref<160x128xf32, #tpu.memory_space<vmem>>[vector<16xi32>, vector<16xi32>], vector<16xf32>,
        %mul3A_1303 = arith.mulf %gather3A_1297, %div3A_1048 : vector<16xf32>
        tpu.vector_store_idx %arg9[%add3A_103, %broadcast_in_dim3A_356], %mul3A_1303 : memref<160x128xf32, #tpu.memory_space<vmem>>[vector<16xi32>, vector<16xi32>], vector<16xf32>,
        %mul3A_1304 = arith.mulf %gather3A_1299, %div3A_1048 : vector<16xf32>
        tpu.vector_store_idx %arg9[%add3A_103, %broadcast_in_dim3A_358], %mul3A_1304 : memref<160x128xf32, #tpu.memory_space<vmem>>[vector<16xi32>, vector<16xi32>], vector<16xf32>,
      }
      %scan3A_81 = arith.constant 5 : i32
      %dma_start3A_82 = tpu.memref_slice %arg11[%mul3A_44] : memref<160xf32, #tpu.memory_space<vmem>> -> memref<80xf32, #tpu.memory_space<vmem>>
      %dma_start3A_83 = tpu.memref_slice %arg5[%add3A_48] : memref<320000xf32, #tpu.memory_space<hbm>> -> memref<80xf32, #tpu.memory_space<hbm>>
      %dma_start3A_84 = tpu.memref_slice %arg5[%add3A_48] : memref<320000xf32, #tpu.memory_space<hbm>> -> memref<80xf32, #tpu.memory_space<hbm>>
      %dma_start3A_85 = tpu.memref_slice %arg11[%mul3A_44] : memref<160xf32, #tpu.memory_space<vmem>> -> memref<80xf32, #tpu.memory_space<vmem>>
      tpu.enqueue_dma source(%dma_start3A_85 : memref<80xf32, #tpu.memory_space<vmem>>) target(%dma_start3A_84 : memref<80xf32, #tpu.memory_space<hbm>>) target_semaphore(%arg13 : memref<!tpu.dma_semaphore, #tpu.memory_space<semaphore_mem>>)
      %dma_start3A_86 = arith.constant 0 : i32
      %dma_start3A_87 = tpu.memref_slice %arg9[%mul3A_44, %dma_start3A_86] : memref<160x128xf32, #tpu.memory_space<vmem>> -> memref<80x128xf32, #tpu.memory_space<vmem>>
      %dma_start3A_88 = arith.constant 0 : i32
      %dma_start3A_89 = tpu.memref_slice %arg6[%add3A_48, %dma_start3A_88] : memref<320000x128xf32, #tpu.memory_space<hbm>> -> memref<80x128xf32, #tpu.memory_space<hbm>>
      %dma_start3A_90 = arith.constant 0 : i32
      %dma_start3A_91 = tpu.memref_slice %arg6[%add3A_48, %dma_start3A_90] : memref<320000x128xf32, #tpu.memory_space<hbm>> -> memref<80x128xf32, #tpu.memory_space<hbm>>
      %dma_start3A_92 = arith.constant 0 : i32
      %dma_start3A_93 = tpu.memref_slice %arg9[%mul3A_44, %dma_start3A_92] : memref<160x128xf32, #tpu.memory_space<vmem>> -> memref<80x128xf32, #tpu.memory_space<vmem>>
      tpu.enqueue_dma source(%dma_start3A_93 : memref<80x128xf32, #tpu.memory_space<vmem>>) target(%dma_start3A_91 : memref<80x128xf32, #tpu.memory_space<hbm>>) target_semaphore(%arg13 : memref<!tpu.dma_semaphore, #tpu.memory_space<semaphore_mem>>)
    }
    %scan3A_21 = arith.constant 125 : i32
    %dma_wait3A = arith.constant 0 : i32
    %dma_wait3A_22 = tpu.memref_slice %arg11[%dma_wait3A] : memref<160xf32, #tpu.memory_space<vmem>> -> memref<80xf32, #tpu.memory_space<vmem>>
    %dma_wait3A_23 = tpu.memref_slice %arg5[%mul3A_2] : memref<320000xf32, #tpu.memory_space<hbm>> -> memref<80xf32, #tpu.memory_space<hbm>>
    %dma_wait3A_24 = tpu.memref_slice %arg5[%mul3A_2] : memref<320000xf32, #tpu.memory_space<hbm>> -> memref<80xf32, #tpu.memory_space<hbm>>
    %dma_wait3A_25 = arith.constant 0 : i32
    %dma_wait3A_26 = tpu.memref_slice %arg11[%dma_wait3A_25] : memref<160xf32, #tpu.memory_space<vmem>> -> memref<80xf32, #tpu.memory_space<vmem>>
    tpu.wait_dma2 semaphore(%arg13 : memref<!tpu.dma_semaphore, #tpu.memory_space<semaphore_mem>>) src(%dma_wait3A_26 : memref<80xf32, #tpu.memory_space<vmem>>) dst(%dma_wait3A_24 : memref<80xf32, #tpu.memory_space<hbm>>)
    %dma_wait3A_27 = arith.constant 0 : i32
    %dma_wait3A_28 = arith.constant 0 : i32
    %dma_wait3A_29 = tpu.memref_slice %arg9[%dma_wait3A_27, %dma_wait3A_28] : memref<160x128xf32, #tpu.memory_space<vmem>> -> memref<80x128xf32, #tpu.memory_space<vmem>>
    %dma_wait3A_30 = arith.constant 0 : i32
    %dma_wait3A_31 = tpu.memref_slice %arg6[%mul3A_2, %dma_wait3A_30] : memref<320000x128xf32, #tpu.memory_space<hbm>> -> memref<80x128xf32, #tpu.memory_space<hbm>>
    %dma_wait3A_32 = arith.constant 0 : i32
    %dma_wait3A_33 = tpu.memref_slice %arg6[%mul3A_2, %dma_wait3A_32] : memref<320000x128xf32, #tpu.memory_space<hbm>> -> memref<80x128xf32, #tpu.memory_space<hbm>>
    %dma_wait3A_34 = arith.constant 0 : i32
    %dma_wait3A_35 = arith.constant 0 : i32
    %dma_wait3A_36 = tpu.memref_slice %arg9[%dma_wait3A_34, %dma_wait3A_35] : memref<160x128xf32, #tpu.memory_space<vmem>> -> memref<80x128xf32, #tpu.memory_space<vmem>>
    tpu.wait_dma2 semaphore(%arg13 : memref<!tpu.dma_semaphore, #tpu.memory_space<semaphore_mem>>) src(%dma_wait3A_36 : memref<80x128xf32, #tpu.memory_space<vmem>>) dst(%dma_wait3A_33 : memref<80x128xf32, #tpu.memory_space<hbm>>)
    return
  }
}

</mosaic_0001>

<sc_bundles>
// kernel: kernel.3.cloned.1.call-start
scs
__scs_entry_jumppad:
0x0: {  	(pc) =	sbr.rel $0x88, $3  }
0x1: {  	(tag) =	ssettag $0x0;
	lr =	simm.s32 $0x1  }
0x2: {  	[smem:$0x3F9F] =	sst lr;
	_ =	strace $0xD0000000  }
0x3: {  	_ = 	snop  }
0x4: {  	_ = 	snop  }
0x5: {  	_ = 	snop  }
0x6: {  	_ = 	snop  }
0x7: {  	_ = 	snop  }
__scs_overlays_trampoline_lowered:
0x8: {  	[smem:$0x3FAE] =	sst s0  }
0x9: {  	[smem:$0x3FAF] =	sst s1  }
0xa: {  	[smem:$0x3FB0] =	sst s2  }
0xb: {  	[smem:$0x3FB1] =	sst s3  }
0xc: {  	[smem:$0x3FB2] =	sst s4  }
0xd: {  	[smem:$0x3FB3] =	sst s5  }
0xe: {  	[smem:$0x3FB4] =	sst s6  }
0xf: {  	[smem:$0x3FB5] =	sst s7  }
0x10: {  	[smem:$0x3FB6] =	sst s8  }
0x11: {  	[smem:$0x3FB7] =	sst s9;
	s0 =	simm.s32 @!p0 $0x0  }
0x12: {  	s1 =	sld [smem:$0x3F9D];
	s0 =	simm.s32 @p0 $0x1  }
0x13: {  	[smem:$0x3FB8] =	sst s0;
	s0 =	simm.s32 @!p1 $0x0  }
0x14: {  	s2 =	sld [smem:$0x3F9C];
	s0 =	simm.s32 @p1 $0x1  }
0x15: {  	[smem:$0x3FB9] =	sst s0;
	s0 =	simm.s32 @!p2 $0x0  }
0x16: {  	s3 =	sld [smem:$0x3FDB];
	s0 =	simm.s32 @p2 $0x1  }
0x17: {  	s4 =	simm.s32 $0x1BF5;
	[smem:$0x3FBB] =	sst s0  }
0x18: {  	s0 =	sld [smem:$0x3F9E];
	_ =	swait.ge [sflag:s4], $0x0  }
0x19: {  	s7 =	sld [smem:$0x3F9F]  }
0x1a: {  	s8 =	sadd.s32 $0xFFFFE003, lr  }
0x1b: {  	s9 =	sadd.s32 $0xFFFFFEF7, lr;
	s5 =	simm.s32 $0xFFFFFFFF;
	p2 =	slt.u32 s8, $0xFFFFF086  }
0x1c: {  	p1 =	slt.u32 s9, $0xF7A;
	s5 =	simm.s32 @!p2 $0x0  }
0x1d: {  	s5 =	simm.s32 @p1 $0x1;
	p0 =	seq.s32 s7, s2  }
0x1e: {  	s7 =	smul.u32 @!p0 $0xF7A, s2;
	p2 =	seq.s32 @!p0 s5, $0x0  }
0x1f: {  	s9 =	smul.u32 $0xF7A, s1;
	s8 =	simm.s32 @!p0 $0x1BF5;
	p2 =	por !p2, p0  }
0x20: {  	[sflag:s8] =	ssyncset.s32 @!p0 $0xFFFFF086;
	s6 =	sadd.s32 @!p0 s3, s7;
	s7 =	simm.s32 @!p0 $0x108  }
0x21: {  	s3 =	sadd.s32 s3, s9;
	s6 =	sadd.s32 @!p0 $0x88, s6;
	s7 =	simm.s32 @p2 $0x1082  }
0x22: {  	[simem:s7], [sflag:s8] =	dma.local @!p0 [hbm:s6], $0xF7A  }
0x23: {  	s9 =	sor.u32 $0xD0000000, s2;
	s6 =	simm.s32 $0x108;
	_ =	swait.ge @!p0 [sflag:s8], $0x0  }
0x24: {  	s3 =	sadd.s32 $0x88, s3;
	s6 =	simm.s32 @!p1 $0x1082;
	[sflag:s4] =	ssyncset.s32 $0xFFFFF086  }
0x25: {  	[simem:s6], [sflag:s4] =	dma.local [hbm:s3], $0xF7A  }
0x26: {  	[smem:$0x3F9F] =	sst s1;
	(tag) =	ssettag s2;
	_ =	strace s9  }
0x27: {  	s1 =	sld [smem:$0x3FAF]  }
0x28: {  	s2 =	sld [smem:$0x3FB0]  }
0x29: {  	s4 =	sld [smem:$0x3FB2]  }
0x2a: {  	p0 =	seq.s32 s5, $0x0;
	s5 =	sld [smem:$0x3FB3]  }
0x2b: {  	s6 =	sld [smem:$0x3FB4]  }
0x2c: {  	s7 =	sld [smem:$0x3FB5]  }
0x2d: {  	s3 =	simm.s32 $0x108;
	s8 =	sld [smem:$0x3FB6]  }
0x2e: {  	s3 =	simm.s32 @!p0 $0x1082;
	s9 =	sld [smem:$0x3FB7]  }
0x2f: {  	lr =	sadd.s32 s0, s3;
	s0 =	sld [smem:$0x3FAE]  }
0x30: {  	s3 =	sld [smem:$0x3FB1]  }
0x31: {  	[smem:$0x3FBA] =	sst s10  }
0x32: {  	s10 =	sld [smem:$0x3FB8];
	_ =	sdelay $0x3  }
0x33: {  	p0 =	seq.s32 s10, $0x1;
	s10 =	sld [smem:$0x3FBA];
	_ =	sdelay $0x3  }
0x34: {  	[smem:$0x3FBA] =	sst s10  }
0x35: {  	s10 =	sld [smem:$0x3FB9];
	_ =	sdelay $0x3  }
0x36: {  	p1 =	seq.s32 s10, $0x1;
	s10 =	sld [smem:$0x3FBA];
	_ =	sdelay $0x3  }
0x37: {  	[smem:$0x3FBA] =	sst s10  }
0x38: {  	s10 =	sld [smem:$0x3FBB]  }
0x39: {  	_ = 	snop;
	(pc) =	sbr.ind lr, $3  }
0x3a: {  	_ = 	snop  }
0x3b: {  	_ = 	snop  }
0x3c: {  	p2 =	seq.s32 s10, $0x1;
	s10 =	sld [smem:$0x3FBA]  }
0x3d: {  	_ =	shalt  }
0x3e: {  	_ =	shalt  }
0x3f: {  	_ =	shalt  }
0x40: {  	_ =	shalt  }
0x41: {  	_ =	shalt  }
0x42: {  	_ =	shalt  }
0x43: {  	_ =	shalt  }
0x44: {  	_ =	shalt  }
0x45: {  	_ =	shalt  }
0x46: {  	_ =	shalt  }
0x47: {  	_ =	shalt  }
0x48: {  	_ =	shalt  }
0x49: {  	_ =	shalt  }
0x4a: {  	_ =	shalt  }
0x4b: {  	_ =	shalt  }
0x4c: {  	_ =	shalt  }
0x4d: {  	_ =	shalt  }
0x4e: {  	_ =	shalt  }
0x4f: {  	_ =	shalt  }
0x50: {  	_ =	shalt  }
0x51: {  	_ =	shalt  }
0x52: {  	_ =	shalt  }
0x53: {  	_ =	shalt  }
0x54: {  	_ =	shalt  }
0x55: {  	_ =	shalt  }
0x56: {  	_ =	shalt  }
0x57: {  	_ =	shalt  }
0x58: {  	_ =	shalt  }
0x59: {  	_ =	shalt  }
0x5a: {  	_ =	shalt  }
0x5b: {  	_ =	shalt  }
0x5c: {  	_ =	shalt  }
0x5d: {  	_ =	shalt  }
0x5e: {  	_ =	shalt  }
0x5f: {  	_ =	shalt  }
0x60: {  	_ =	shalt  }
0x61: {  	_ =	shalt  }
0x62: {  	_ =	shalt  }
0x63: {  	_ =	shalt  }
0x64: {  	_ =	shalt  }
0x65: {  	_ =	shalt  }
0x66: {  	_ =	shalt  }
0x67: {  	_ =	shalt  }
0x68: {  	_ =	shalt  }
0x69: {  	_ =	shalt  }
0x6a: {  	_ =	shalt  }
0x6b: {  	_ =	shalt  }
0x6c: {  	_ =	shalt  }
0x6d: {  	_ =	shalt  }
0x6e: {  	_ =	shalt  }
0x6f: {  	_ =	shalt  }
0x70: {  	_ =	shalt  }
0x71: {  	_ =	shalt  }
0x72: {  	_ =	shalt  }
0x73: {  	_ =	shalt  }
0x74: {  	_ =	shalt  }
0x75: {  	_ =	shalt  }
0x76: {  	_ =	shalt  }
0x77: {  	_ =	shalt  }
0x78: {  	_ =	shalt  }
0x79: {  	_ =	shalt  }
0x7a: {  	_ =	shalt  }
0x7b: {  	_ =	shalt  }
0x7c: {  	_ =	shalt  }
0x7d: {  	_ =	shalt  }
0x7e: {  	_ =	shalt  }
0x7f: {  	_ =	shalt  }
0x80: {  	_ =	shalt  }
0x81: {  	_ =	shalt  }
0x82: {  	_ =	shalt  }
0x83: {  	_ =	shalt  }
0x84: {  	_ =	shalt  }
0x85: {  	_ =	shalt  }
0x86: {  	_ =	shalt  }
0x87: {  	_ =	shalt  }
.Lfunc_end0:
.L_simem_size_0:
called_computation_lowered:
.L_overlay_start_0:
0x88: {  	s2 =	sld [smem:$0x3FD9]  }
0x89: {  	s3 =	sld [smem:$0x3FFE];
	_ =	sdelay $0x1  }
0x8a: {  	s1 =	srdreg.scid  }
0x8b: {  	s0 =	sand.u32 $0x1, s1  }
0x8c: {  	s14 =	sshll.u32 s0, $0xA;
	s2 =	sadd.s32 s3, s2  }
0x8d: {  	s2 =	sadd.s32 s2, s14  }
0x8e: {  	[smem:$0x3FC6] =	sst s2  }
0x8f: {  	_ = 	snop  }
0x90: {  	s2 =	sld [smem:$0x3FD0];
	_ =	sdelay $0x2  }
0x91: {  	s4 =	simm.s32 $0xA;
	s5 =	simm.s32 $0x10;
	s15 =	sld [smem:$0x3FC9]  }
0x92: {  	[smem:s5], [sflag:s4] =	dma.local [hbm:s2], $0x1  }
0x93: {  	_ =	swait.eq [sflag:s4], $0x1  }
0x94: {  	[sflag:s4] =	ssyncset.done $0x0  }
0x95: {  	s16 =	sld [smem:$0x10];
	[sflag:s4] =	ssyncadd.s32 $0xFFFFFFFF  }
0x96: {  	s17 =	sld [smem:$0x11];
	(tm) =	ssettm $0x1  }
0x97: {  	s18 =	sld [smem:$0x3FFB];
	_ =	sdelay $0x3  }
0x98: {  	_ =	strace s18  }
0x99: {  	s5 =	sld [smem:$0x3FFC];
	_ =	sdelay $0x3  }
0x9a: {  	_ =	strace s5  }
0x9b: {  	s5 =	sld [smem:$0x3FFD];
	_ =	sdelay $0x3  }
0x9c: {  	_ =	strace s5  }
0x9d: {  	_ =	strace $0x8FFFFFFF  }
0x9e: {  	s19 =	sld [smem:$0x3FDB];
	_ =	sdelay $0x1  }
0x9f: {  	s6 =	simm.s32 $_scs_section_size  }
0xa0: {  	s7 =	simm.s32 $_size__tile_overlayer_lowered;
	s8 =	simm.s32 $_tile_overlayer_lowered  }
0xa1: {  	s22 =	simm.s32 $0x1BFF;
	s21 =	sshll.u32 s8, $0x1;
	s5 =	sadd.s32 s6, s19  }
0xa2: {  	s9 =	simm.s32 $0x0;
	s20 =	sshll.u32 s7, $0x1;
	s7 =	sadd.s32 s21, s5  }
0xa3: {  	[timem:s9], [sflag:s22] =	dma.local [hbm:s7], s20  }
0xa4: {  	_ =	swait.ge [sflag:s22], s20  }
0xa5: {  	s6 =	ssub.s32 $0x0, s20;
	[sflag:s22] =	ssyncset.done $0x0  }
0xa6: {  	[sflag:s22] =	ssyncadd.s32 s6;
	_ =	sdelay $0x1  }
0xa7: {  	s23 =	simm.s32 $0x1B8B  }
0xa8: {  	_ =	swait.ge [sflag:s23], $0x1  }
0xa9: {  	[sflag:s23] =	ssyncset.done $0x0  }
0xaa: {  	s25 =	simm.s32 $0x1B8E;
	s24 =	sld [smem:$0x3FFE];
	[sflag:s23] =	ssyncadd.s32 $0xFFFFFFFF  }
0xab: {  	s26 =	simm.s32 $execute0_lowered;
	[smem:$0x3FD2] =	sst s25  }
0xac: {  	s7 =	sshll.u32 s26, $0x1;
	_ =	strace $0x80000046;
	[dreg:$0x1] =	wrdreg $0xFFFFFFFF  }
0xad: {  	s28 =	simm.s32 $_size_execute0_lowered;
	s5 =	sadd.s32 s5, s7;
	[dreg:$0x0] =	wrdreg $0x0  }
0xae: {  	s7 =	sshll.u32 s28, $0x1;
	[dreg:$0x2] =	wrdreg s5  }
0xaf: {  	[dreg:$0x3] =	wrdreg s7  }
0xb0: {  	[dreg:$0x4] =	wrdreg $0xC0  }
0xb1: {  	_ =	task [dreg:s9], $0x5FFFF  }
0xb2: {  	[dreg:$0x1] =	wrdreg $0xFFFFFFFF  }
0xb3: {  	[dreg:$0x0] =	wrdreg $0x60  }
0xb4: {  	[dreg:$0x2] =	wrdreg s15  }
0xb5: {  	[dreg:$0x3] =	wrdreg s24  }
0xb6: {  	[dreg:$0x4] =	wrdreg s16  }
0xb7: {  	[dreg:$0x5] =	wrdreg s17  }
0xb8: {  	[dreg:$0x6] =	wrdreg $0x9  }
0xb9: {  	_ =	task.clear_ibuf [dreg:s9], $0x7FFFF;
	_ =	strace $0x90000046  }
0xba: {  	s29 =	simm.s32 $0x9;
	_ =	strace $0x80000048  }
0xbb: {  	_ =	swait.ge [sflag:s29], $0x1  }
0xbc: {  	[sflag:s29] =	ssyncadd.s32 $0xFFFFFFFF  }
0xbd: {  	_ =	strace $0x90000048  }
0xbe: {  	_ =	sfence  }
0xbf: {  	s30 =	sld [smem:$0x0];
	_ =	sdelay $0x2  }
0xc0: {  	s31 =	sshll.u32 s1, $0xD;
	s1 =	sshrl.u32 s1, $0x2  }
0xc1: {  	s3 =	sand.u32 $0x4000, s31;
	s1 =	sadd.s32 s1, s30  }
0xc2: {  	s0 =	sor.u32 s3, s0;
	s1 =	sshll.u32 s1, $0x11  }
0xc3: {  	s0 =	sor.u32 s1, s0  }
0xc4: {  	s0 =	sadd.s32 $0x8F2B, s0  }
0xc5: {  	[sflag:s0] =	ssyncadd.remote.s32 $0x1  }
0xc6: {  	_ =	sfence.sel $0xFFFF  }
0xc7: {  	[dreg:$0x0] =	wrdreg $0xFFFFFFFF;
	(pc) =	sbr.abs _section_cstart, $3  }
0xc8: {  	[dreg:$0x1] =	wrdreg $0xFFFFFFFF  }
0xc9: {  	_ =	task.clear_ibuf [dreg:s9], $0x2FFFF;
	_ =	strace $0x9FFFFFFF  }
0xca: {  	(tm) =	ssettm $0x7FFFFFFF  }
0xcb: {  	_ =	shalt  }
tec
execute0_lowered:
.L_overlay_start_1:
0x0: {  	(tag) =	ssettag $0x1  }
0x1: {  	s1 =	rddreg [dreg:$0x0]  }
0x2: {  	s2 =	srdreg.scid;
	s7 =	rddreg [dreg:$0x1]  }
0x3: {  	s0 =	stileid.u32;
	s3 =	rddreg [dreg:$0x2]  }
0x4: {  	s4 =	rddreg [dreg:$0x3];
	s6 =	simm.s32 $0x0;
	s11 =	simm.s32 $0x2780  }
0x5: {  	s12 =	simm.s32 $0x50;
	s8 =	sand.u32 $0x1, s2;
	s30 =	sshll.u32 s0, $0x1  }
0x6: {  	s13 =	simm.s32 $0x4F00;
	s14 =	simm.s32 $0x9F00;
	s2 =	sor.u32 s8, s30  }
0x7: {  	s15 =	simm.s32 $0x1;
	s16 =	simm.s32 $0x2;
	s5 =	smul.u32 $0x2710, s2  }
0x8: {  	v0 =	vlaneseq.u32;
	s17 =	simm.s32 $0x0;
	[smem:$0x7FF] =	sst s6;
	s8 =	ssub.s32 $0x2, s8  }
0x9: {  	v1 =	vmul.u32 $0x80, v0;
	s2 =	rddreg [dreg:$0x4];
	s10 =	sshrl.u32 s8, $0x1;
	s9 =	sshrl.u32 s5, $0x3  }
0xa: {  	_ =	strace $0x80000047;
	s31 =	ssub.s32 s8, s10;
	s7 =	sadd.s32 s7, s9  }
0xb: {  	[tilespmem:$0x1FFF0] =	vst v1;
	s10 =	simm.s32 $0x3;
	s9 =	smax.u32 s31, $0x1;
	s8 =	sadd.s32 $0x9E00, s7  }
.LBB2_1:
0xc: {  	[tilespmem:s6], [sflag:$0x3] =	stream.linear.gather [hbm4b:s8+s6], $0x2710, $0x38;
	[tilespmem:$0xF000] =	vst v63  }
0xd: {  	_ =	swait.ge [sflag:s10], $0x2710  }
0xe: {  	[sflag:s10] =	ssyncset.done $0x0  }
0xf: {  	[sflag:s10] =	ssyncadd.s32 $0xFFFFD8F0  }
0x10: {  	[tilespmem:s11], [sflag:$0x3] =	stream.linear.gather [hbm4b:s7+s6], $0x2710, $0x38;
	[tilespmem:$0xF000] =	vst v63  }
0x11: {  	_ =	swait.ge [sflag:s10], $0x2710  }
0x12: {  	[sflag:s10] =	ssyncset.done $0x0  }
0x13: {  	[sflag:s10] =	ssyncadd.s32 $0xFFFFD8F0  }
0x14: {  	[tilespmem:s13], [sflag:$0x1] =	stream.indirect.gather [hbm4b:s1+s12], $0x80, s6, s12, $0xb8;
	[tilespmem:$0xF000] =	vst v63  }
0x15: {  	s20 =	simm.s32 $0x0  }
0x16: {  	[tilespmem:s14], [sflag:$0x1] =	stream.indirect.gather [hbm4b:s1+s12], $0x80, s11, s12, $0xb8;
	[tilespmem:$0xF000] =	vst v63  }
.LBB2_2:
0x17: {  	_ =	swait.ge [sflag:s15], $0x2800  }
0x18: {  	[sflag:s15] =	ssyncset.done $0x0  }
0x19: {  	[sflag:s15] =	ssyncadd.s32 $0xFFFFD800  }
0x1a: {  	p0 =	seq.s32 s20, $0x0;
	s18 =	sand.u32 $0x1, s20;
	_ =	swait.ge [sflag:s15], $0x2800  }
0x1b: {  	s19 =	simm.s32 @!p0 $0x2;
	p1 =	seq.s32 s18, $0x1;
	[sflag:s15] =	ssyncset.done $0x0  }
0x1c: {  	s18 =	simm.s32 $0x50;
	p2 =	seq.s32 @!p0 s20, $0x7C;
	[sflag:s15] =	ssyncadd.s32 $0xFFFFD800  }
0x1d: {  	s18 =	simm.s32 @!p1 $0x0;
	p1 =	por p0, !p2;
	_ =	swait.ge @!p0 [sflag:s19], $0x50  }
.Ltmp0:
0x1e: {  	[sflag:s19] =	ssyncset.done @!p0 $0x0;
	(pc) =	sbr.rel @!p1 .LBB2_4-.Ltmp0, $4  }
0x1f: {  	[sflag:s19] =	ssyncadd.s32 @!p0 $0xFFFFFFB0  }
0x20: {  	_ =	swait.ge @!p0 [sflag:s19], $0x2800  }
0x21: {  	[sflag:s19] =	ssyncset.done @!p0 $0x0  }
0x22: {  	s23 =	sshll.u32 s18, $0x7;
	[sflag:s19] =	ssyncadd.s32 @!p0 $0xFFFFD800;
	s19 =	simm.s32 @!p0 $0x7D  }
0x23: {  	s19 =	sadd.s32 @!p0 $0x1, s20  }
0x24: {  	s19 =	simm.s32 @p0 $0x1  }
0x25: {  	s21 =	smul.u32 $0x50, s19  }
0x26: {  	s22 =	ssub.s32 $0x7700, s23  }
0x27: {  	[tilespmem:s22], [sflag:$0x1] =	stream.indirect.gather [hbm4b:s1+s12], $0x80, s21, s12, $0xb8;
	[tilespmem:$0xF000] =	vst v63  }
0x28: {  	s31 =	ssub.s32 $0xC700, s23;
	s21 =	sadd.s32 $0x2780, s21  }
0x29: {  	[tilespmem:s31], [sflag:$0x1] =	stream.indirect.gather [hbm4b:s1+s12], $0x80, s21, s12, $0xb8;
	[tilespmem:$0xF000] =	vst v63  }
.LBB2_4:
0x2a: {  	s20 =	smul.u32 $0x50, s20;
	s22 =	sor.u32 $0xEF00, s18  }
0x2b: {  	v0 =	vmov s22  }
0x2c: {  	s21 =	sadd.s32 s5, s20;
	s20 =	sadd.s32 $0x4F00, s23;
	s23 =	simm.s32 $0x0;
	[tilespmem:$0x1FFE0] =	vst v0  }
.LBB2_5:
0x2d: {  	_ =	sdelay $0x1  }
0x2e: {  	v0 =	vmov s18  }
0x2f: {  	v0 =	vshll.u32 v0, $0x7  }
0x30: {  	v8 =	vor.u32 v1, v0;
	_ =	sdelay $0x1  }
0x31: {  	v14 =	vor.u32 $0x1, v8;
	_ =	sdelay $0x2  }
0x32: {  	v12 =	vor.u32 $0x2, v8;
	v0 =	vld.idx.msk [tilespmem:v8+s13+$0x0], $0xffff  }
0x33: {  	v13 =	vor.u32 $0x3, v8;
	v3 =	vld.idx.msk [tilespmem:v8+s14+$0x0], $0xffff  }
0x34: {  	v1 =	vld.idx.msk [tilespmem:v14+s13+$0x0], $0xffff  }
0x35: {  	v5 =	vld.idx.msk [tilespmem:v14+s14+$0x0], $0xffff  }
0x36: {  	v15 =	vor.u32 $0x4, v8  }
0x37: {  	v2 =	vld.idx.msk [tilespmem:v12+s13+$0x0], $0xffff  }
0x38: {  	v16 =	vor.u32 $0x5, v8;
	v4 =	vld.idx.msk [tilespmem:v13+s13+$0x0], $0xffff  }
0x39: {  	v10 =	vor.u32 $0x6, v8;
	v6 =	vld.idx.msk [tilespmem:v12+s14+$0x0], $0xffff  }
0x3a: {  	v7 =	vld.idx.msk [tilespmem:v13+s14+$0x0], $0xffff;
	v24 =	vsub.f32 v0, v3;
	v25 =	vsub.f32 v1, v5;
	v1 =	vmov v10  }
0x3b: {  	v9 =	vld.idx.msk [tilespmem:v15+s13+$0x0], $0xffff  }
0x3c: {  	v0 =	vld.idx.msk [tilespmem:v15+s14+$0x0], $0xffff;
	[tilespmem:v8+s13+$0x0] =	vst.idx.msk $0xffff, v24  }
0x3d: {  	v17 =	vor.u32 $0x7, v8;
	v3 =	vld.idx.msk [tilespmem:v16+s13+$0x0], $0xffff  }
0x3e: {  	v41 =	vld.idx.msk [tilespmem:v16+s14+$0x0], $0xffff;
	[tilespmem:v14+s13+$0x0] =	vst.idx.msk $0xffff, v25  }
0x3f: {  	v21 =	vsub.f32 v2, v6;
	v42 =	vmov v1;
	[tilespmem:$0x1FA00] =	vst v1;
	v2 =	vld.idx.msk [tilespmem:v1+s14+$0x0], $0xffff;
	v1 =	vor.u32 $0x8, v8;
	_ =	sdelay $0x1  }
0x40: {  	v23 =	vsub.f32 v4, v7;
	v10 =	vld.idx.msk [tilespmem:v10+s13+$0x0], $0xffff;
	[tilespmem:v12+s13+$0x0] =	vst.idx.msk $0xffff, v21;
	v11 =	vmov v1  }
0x41: {  	v45 =	vor.u32 $0x9, v8;
	v43 =	vld.idx.msk [tilespmem:v17+s13+$0x0], $0xffff  }
0x42: {  	v44 =	vld.idx.msk [tilespmem:v17+s14+$0x0], $0xffff;
	[tilespmem:v13+s13+$0x0] =	vst.idx.msk $0xffff, v23  }
0x43: {  	v48 =	vor.u32 $0xA, v8;
	v46 =	vld.idx.msk [tilespmem:v1+s13+$0x0], $0xffff;
	v1 =	vsub.f32 v9, v0;
	_ =	sdelay $0x1  }
0x44: {  	v51 =	vor.u32 $0xB, v8;
	v0 =	vsub.f32 v3, v41;
	v47 =	vld.idx.msk [tilespmem:v11+s14+$0x0], $0xffff;
	[tilespmem:v15+s13+$0x0] =	vst.idx.msk $0xffff, v1  }
0x45: {  	[tilespmem:$0x1F9B0] =	vst v14;
	v49 =	vld.idx.msk [tilespmem:v45+s13+$0x0], $0xffff  }
0x46: {  	v54 =	vor.u32 $0xC, v8;
	v26 =	vsub.f32 v10, v2;
	v3 =	vld.idx.msk [tilespmem:v45+s14+$0x0], $0xffff;
	[tilespmem:v16+s13+$0x0] =	vst.idx.msk $0xffff, v0  }
0x47: {  	[tilespmem:$0x1F9C0] =	vst v12;
	v18 =	vmov v11;
	v52 =	vld.idx.msk [tilespmem:v48+s13+$0x0], $0xffff  }
0x48: {  	v58 =	vor.u32 $0xD, v8;
	v28 =	vsub.f32 v43, v44;
	v2 =	vld.idx.msk [tilespmem:v48+s14+$0x0], $0xffff;
	[tilespmem:v42+s13+$0x0] =	vst.idx.msk $0xffff, v26  }
0x49: {  	[tilespmem:$0x1F9D0] =	vst v13;
	v50 =	vmov v45;
	v55 =	vld.idx.msk [tilespmem:v51+s13+$0x0], $0xffff  }
0x4a: {  	v30 =	vor.u32 $0xE, v8;
	v56 =	vld.idx.msk [tilespmem:v51+s14+$0x0], $0xffff;
	[tilespmem:v17+s13+$0x0] =	vst.idx.msk $0xffff, v28;
	v29 =	vsub.f32 v46, v47  }
0x4b: {  	[tilespmem:$0x1F9E0] =	vst v15;
	v53 =	vmov v48;
	v59 =	vld.idx.msk [tilespmem:v54+s13+$0x0], $0xffff  }
0x4c: {  	v22 =	vld.idx.msk [tilespmem:v54+s14+$0x0], $0xffff;
	[tilespmem:v18+s13+$0x0] =	vst.idx.msk $0xffff, v29;
	v33 =	vsub.f32 v49, v3;
	v3 =	vor.u32 $0xF, v8  }
0x4d: {  	[tilespmem:$0x1FA30] =	vst v45;
	v31 =	vld.idx.msk [tilespmem:v58+s13+$0x0], $0xffff  }
0x4e: {  	v34 =	vld.idx.msk [tilespmem:v58+s14+$0x0], $0xffff;
	v40 =	vsub.f32 v52, v2;
	[tilespmem:v50+s13+$0x0] =	vst.idx.msk $0xffff, v33  }
0x4f: {  	[tilespmem:$0x1FA40] =	vst v48;
	v57 =	vmov v51;
	v36 =	vld.idx.msk [tilespmem:v30+s13+$0x0], $0xffff  }
0x50: {  	v19 =	vor.u32 $0x10, v8;
	v37 =	vld.idx.msk [tilespmem:v30+s14+$0x0], $0xffff;
	[tilespmem:v53+s13+$0x0] =	vst.idx.msk $0xffff, v40  }
0x51: {  	[tilespmem:$0x1FA50] =	vst v51;
	v27 =	vmov v54;
	v39 =	vld.idx.msk [tilespmem:v3+s13+$0x0], $0xffff  }
0x52: {  	v42 =	vmov v3;
	[tilespmem:$0x1FA90] =	vst v3;
	v62 =	vsub.f32 v55, v56;
	v41 =	vld.idx.msk [tilespmem:v3+s14+$0x0], $0xffff;
	v3 =	vor.u32 $0x11, v8  }
0x53: {  	v35 =	vmov v58;
	[tilespmem:$0x1FA20] =	vst v11;
	v7 =	vsub.f32 v59, v22  }
0x54: {  	v2 =	vor.u32 $0x12, v8;
	[tilespmem:v57+s13+$0x0] =	vst.idx.msk $0xffff, v62  }
0x55: {  	[tilespmem:$0x1F6C0] =	vst v7;
	v43 =	vld.idx.msk [tilespmem:v19+s13+$0x0], $0xffff  }
0x56: {  	v44 =	vld.idx.msk [tilespmem:v19+s14+$0x0], $0xffff;
	[tilespmem:v27+s13+$0x0] =	vst.idx.msk $0xffff, v7;
	v11 =	vsub.f32 v31, v34  }
0x57: {  	v38 =	vmov v30;
	[tilespmem:$0x1FAB0] =	vst v3;
	v7 =	vld.idx.msk [tilespmem:v3+s13+$0x0], $0xffff  }
0x58: {  	v46 =	vmov v3;
	v45 =	vld.idx.msk [tilespmem:v3+s14+$0x0], $0xffff;
	v3 =	vor.u32 $0x13, v8;
	[tilespmem:v35+s13+$0x0] =	vst.idx.msk $0xffff, v11  }
0x59: {  	[tilespmem:$0x1F6D0] =	vst v11;
	v11 =	vld.idx.msk [tilespmem:v2+s13+$0x0], $0xffff  }
0x5a: {  	v49 =	vmov v2;
	[tilespmem:$0x1FAC0] =	vst v2;
	v47 =	vsub.f32 v36, v37;
	v48 =	vld.idx.msk [tilespmem:v2+s14+$0x0], $0xffff;
	v2 =	vor.u32 $0x14, v8  }
0x5b: {  	[tilespmem:$0x1FA60] =	vst v54  }
0x5c: {  	v13 =	vsub.f32 v39, v41;
	[tilespmem:v38+s13+$0x0] =	vst.idx.msk $0xffff, v47  }
0x5d: {  	[tilespmem:$0x1FA70] =	vst v58;
	v14 =	vld.idx.msk [tilespmem:v3+s13+$0x0], $0xffff  }
0x5e: {  	v52 =	vor.u32 $0x15, v8;
	v50 =	vld.idx.msk [tilespmem:v3+s14+$0x0], $0xffff;
	[tilespmem:v42+s13+$0x0] =	vst.idx.msk $0xffff, v13  }
0x5f: {  	[tilespmem:$0x1F6F0] =	vst v13;
	v13 =	vld.idx.msk [tilespmem:v2+s13+$0x0], $0xffff  }
0x60: {  	v10 =	vsub.f32 v43, v44;
	v54 =	vmov v2;
	[tilespmem:$0x1FAE0] =	vst v2;
	v53 =	vld.idx.msk [tilespmem:v2+s14+$0x0], $0xffff;
	v2 =	vor.u32 $0x16, v8  }
0x61: {  	[tilespmem:$0x1FAD0] =	vst v3  }
0x62: {  	v9 =	vsub.f32 v7, v45;
	[tilespmem:v19+s13+$0x0] =	vst.idx.msk $0xffff, v10  }
0x63: {  	v51 =	vmov v3;
	[tilespmem:$0x1F700] =	vst v10;
	v3 =	vor.u32 $0x17, v8;
	v10 =	vld.idx.msk [tilespmem:v52+s13+$0x0], $0xffff  }
0x64: {  	v55 =	vld.idx.msk [tilespmem:v52+s14+$0x0], $0xffff;
	[tilespmem:v46+s13+$0x0] =	vst.idx.msk $0xffff, v9  }
0x65: {  	v12 =	vsub.f32 v11, v48;
	[tilespmem:$0x1F710] =	vst v9;
	v9 =	vld.idx.msk [tilespmem:v2+s13+$0x0], $0xffff  }
0x66: {  	v57 =	vmov v2;
	[tilespmem:$0x1FB00] =	vst v2;
	v56 =	vld.idx.msk [tilespmem:v2+s14+$0x0], $0xffff;
	v2 =	vor.u32 $0x18, v8  }
0x67: {  	[tilespmem:v49+s13+$0x0] =	vst.idx.msk $0xffff, v12  }
0x68: {  	[tilespmem:$0x1F720] =	vst v12;
	v58 =	vsub.f32 v14, v50;
	v12 =	vld.idx.msk [tilespmem:v3+s13+$0x0], $0xffff  }
0x69: {  	v60 =	vmov v3;
	[tilespmem:$0x1FB10] =	vst v3;
	v59 =	vld.idx.msk [tilespmem:v3+s14+$0x0], $0xffff;
	v3 =	vor.u32 $0x19, v8  }
0x6a: {  	[tilespmem:v51+s13+$0x0] =	vst.idx.msk $0xffff, v58  }
0x6b: {  	[tilespmem:$0x1F9F0] =	vst v16;
	v13 =	vsub.f32 v13, v53;
	v15 =	vld.idx.msk [tilespmem:v2+s13+$0x0], $0xffff  }
0x6c: {  	v63 =	vmov v2;
	[tilespmem:$0x1FB20] =	vst v2;
	v61 =	vld.idx.msk [tilespmem:v2+s14+$0x0], $0xffff;
	v2 =	vor.u32 $0x1A, v8  }
0x6d: {  	[tilespmem:v54+s13+$0x0] =	vst.idx.msk $0xffff, v13  }
0x6e: {  	v20 =	vsub.f32 v10, v55;
	[tilespmem:$0x1F740] =	vst v13;
	v13 =	vld.idx.msk [tilespmem:v3+s13+$0x0], $0xffff  }
0x6f: {  	v27 =	vmov v3;
	[tilespmem:$0x1FB30] =	vst v3;
	v22 =	vld.idx.msk [tilespmem:v3+s14+$0x0], $0xffff;
	v3 =	vor.u32 $0x1B, v8  }
0x70: {  	[tilespmem:v52+s13+$0x0] =	vst.idx.msk $0xffff, v20  }
0x71: {  	[tilespmem:$0x1FA80] =	vst v30;
	v11 =	vsub.f32 v9, v56;
	v16 =	vld.idx.msk [tilespmem:v2+s13+$0x0], $0xffff  }
0x72: {  	v31 =	vmov v2;
	[tilespmem:$0x1FB40] =	vst v2;
	v30 =	vld.idx.msk [tilespmem:v2+s14+$0x0], $0xffff;
	v2 =	vor.u32 $0x1C, v8  }
0x73: {  	[tilespmem:v57+s13+$0x0] =	vst.idx.msk $0xffff, v11  }
0x74: {  	v14 =	vsub.f32 v12, v59;
	[tilespmem:$0x1F760] =	vst v11;
	v11 =	vld.idx.msk [tilespmem:v3+s13+$0x0], $0xffff  }
0x75: {  	v34 =	vmov v3;
	[tilespmem:$0x1FB50] =	vst v3;
	v32 =	vld.idx.msk [tilespmem:v3+s14+$0x0], $0xffff;
	v3 =	vor.u32 $0x1D, v8  }
0x76: {  	[tilespmem:v60+s13+$0x0] =	vst.idx.msk $0xffff, v14  }
0x77: {  	[tilespmem:$0x1F770] =	vst v14;
	v6 =	vsub.f32 v15, v61;
	v14 =	vld.idx.msk [tilespmem:v2+s13+$0x0], $0xffff  }
0x78: {  	v36 =	vmov v2;
	[tilespmem:$0x1FB60] =	vst v2;
	v35 =	vld.idx.msk [tilespmem:v2+s14+$0x0], $0xffff;
	v2 =	vor.u32 $0x1E, v8  }
0x79: {  	[tilespmem:v63+s13+$0x0] =	vst.idx.msk $0xffff, v6  }
0x7a: {  	v37 =	vsub.f32 v13, v22;
	v38 =	vld.idx.msk [tilespmem:v3+s13+$0x0], $0xffff  }
0x7b: {  	v41 =	vmov v3;
	[tilespmem:$0x1FB70] =	vst v3;
	v39 =	vld.idx.msk [tilespmem:v3+s14+$0x0], $0xffff;
	v3 =	vor.u32 $0x1F, v8  }
0x7c: {  	[tilespmem:v27+s13+$0x0] =	vst.idx.msk $0xffff, v37  }
0x7d: {  	v42 =	vsub.f32 v16, v30;
	v43 =	vld.idx.msk [tilespmem:v2+s13+$0x0], $0xffff  }
0x7e: {  	v45 =	vmov v2;
	[tilespmem:$0x1FB80] =	vst v2;
	v44 =	vld.idx.msk [tilespmem:v2+s14+$0x0], $0xffff;
	v2 =	vor.u32 $0x20, v8  }
0x7f: {  	[tilespmem:v31+s13+$0x0] =	vst.idx.msk $0xffff, v42  }
0x80: {  	[tilespmem:$0x1F6E0] =	vst v47;
	v46 =	vsub.f32 v11, v32;
	v47 =	vld.idx.msk [tilespmem:v3+s13+$0x0], $0xffff  }
0x81: {  	v49 =	vmov v3;
	[tilespmem:$0x1FB90] =	vst v3;
	v48 =	vld.idx.msk [tilespmem:v3+s14+$0x0], $0xffff;
	v3 =	vor.u32 $0x21, v8  }
0x82: {  	[tilespmem:v34+s13+$0x0] =	vst.idx.msk $0xffff, v46  }
0x83: {  	[tilespmem:$0x1FAF0] =	vst v52;
	v50 =	vsub.f32 v14, v35;
	v51 =	vld.idx.msk [tilespmem:v2+s13+$0x0], $0xffff  }
0x84: {  	v53 =	vmov v2;
	[tilespmem:$0x1FBA0] =	vst v2;
	v52 =	vld.idx.msk [tilespmem:v2+s14+$0x0], $0xffff;
	v2 =	vor.u32 $0x22, v8  }
0x85: {  	[tilespmem:v36+s13+$0x0] =	vst.idx.msk $0xffff, v50  }
0x86: {  	v54 =	vsub.f32 v38, v39;
	v55 =	vld.idx.msk [tilespmem:v3+s13+$0x0], $0xffff  }
0x87: {  	v57 =	vmov v3;
	[tilespmem:$0x1FBB0] =	vst v3;
	v56 =	vld.idx.msk [tilespmem:v3+s14+$0x0], $0xffff;
	v3 =	vor.u32 $0x23, v8  }
0x88: {  	[tilespmem:v41+s13+$0x0] =	vst.idx.msk $0xffff, v54  }
0x89: {  	[tilespmem:$0x1F730] =	vst v58;
	v58 =	vsub.f32 v43, v44;
	v59 =	vld.idx.msk [tilespmem:v2+s13+$0x0], $0xffff  }
0x8a: {  	v61 =	vmov v2;
	[tilespmem:$0x1FBC0] =	vst v2;
	v60 =	vld.idx.msk [tilespmem:v2+s14+$0x0], $0xffff;
	v2 =	vor.u32 $0x24, v8  }
0x8b: {  	[tilespmem:v45+s13+$0x0] =	vst.idx.msk $0xffff, v58  }
0x8c: {  	[tilespmem:$0x1FA10] =	vst v17;
	v63 =	vsub.f32 v47, v48;
	v22 =	vld.idx.msk [tilespmem:v3+s13+$0x0], $0xffff  }
0x8d: {  	v30 =	vmov v3;
	[tilespmem:$0x1FBD0] =	vst v3;
	v27 =	vld.idx.msk [tilespmem:v3+s14+$0x0], $0xffff;
	v3 =	vor.u32 $0x25, v8  }
0x8e: {  	[tilespmem:v49+s13+$0x0] =	vst.idx.msk $0xffff, v63  }
0x8f: {  	[tilespmem:$0x1F790] =	vst v37;
	v31 =	vsub.f32 v51, v52;
	v32 =	vld.idx.msk [tilespmem:v2+s13+$0x0], $0xffff  }
0x90: {  	v35 =	vmov v2;
	[tilespmem:$0x1FBE0] =	vst v2;
	v34 =	vld.idx.msk [tilespmem:v2+s14+$0x0], $0xffff;
	v2 =	vor.u32 $0x26, v8  }
0x91: {  	[tilespmem:v53+s13+$0x0] =	vst.idx.msk $0xffff, v31  }
0x92: {  	[tilespmem:$0x1F7A0] =	vst v42;
	v36 =	vsub.f32 v55, v56;
	v37 =	vld.idx.msk [tilespmem:v3+s13+$0x0], $0xffff  }
0x93: {  	v39 =	vmov v3;
	[tilespmem:$0x1FBF0] =	vst v3;
	v38 =	vld.idx.msk [tilespmem:v3+s14+$0x0], $0xffff;
	v3 =	vor.u32 $0x27, v8  }
0x94: {  	[tilespmem:v57+s13+$0x0] =	vst.idx.msk $0xffff, v36  }
0x95: {  	[tilespmem:$0x1F7B0] =	vst v46;
	v17 =	vsub.f32 v59, v60;
	v41 =	vld.idx.msk [tilespmem:v2+s13+$0x0], $0xffff  }
0x96: {  	v43 =	vmov v2;
	[tilespmem:$0x1FC00] =	vst v2;
	v42 =	vld.idx.msk [tilespmem:v2+s14+$0x0], $0xffff;
	v2 =	vor.u32 $0x28, v8  }
0x97: {  	[tilespmem:v61+s13+$0x0] =	vst.idx.msk $0xffff, v17  }
0x98: {  	[tilespmem:$0x1F7C0] =	vst v50;
	v44 =	vsub.f32 v22, v27;
	v45 =	vld.idx.msk [tilespmem:v3+s13+$0x0], $0xffff  }
0x99: {  	v47 =	vmov v3;
	[tilespmem:$0x1FC10] =	vst v3;
	v46 =	vld.idx.msk [tilespmem:v3+s14+$0x0], $0xffff;
	v3 =	vor.u32 $0x29, v8  }
0x9a: {  	[tilespmem:v30+s13+$0x0] =	vst.idx.msk $0xffff, v44  }
0x9b: {  	[tilespmem:$0x1F7D0] =	vst v54;
	v48 =	vsub.f32 v32, v34;
	v49 =	vld.idx.msk [tilespmem:v2+s13+$0x0], $0xffff  }
0x9c: {  	v51 =	vmov v2;
	[tilespmem:$0x1FC20] =	vst v2;
	v50 =	vld.idx.msk [tilespmem:v2+s14+$0x0], $0xffff;
	v2 =	vor.u32 $0x2A, v8  }
0x9d: {  	[tilespmem:v35+s13+$0x0] =	vst.idx.msk $0xffff, v48  }
0x9e: {  	[tilespmem:$0x1F7E0] =	vst v58;
	v52 =	vsub.f32 v37, v38;
	v53 =	vld.idx.msk [tilespmem:v3+s13+$0x0], $0xffff  }
0x9f: {  	v55 =	vmov v3;
	[tilespmem:$0x1FC30] =	vst v3;
	v54 =	vld.idx.msk [tilespmem:v3+s14+$0x0], $0xffff;
	v3 =	vor.u32 $0x2B, v8  }
0xa0: {  	[tilespmem:v39+s13+$0x0] =	vst.idx.msk $0xffff, v52  }
0xa1: {  	[tilespmem:$0x1F7F0] =	vst v63;
	v56 =	vsub.f32 v41, v42;
	v57 =	vld.idx.msk [tilespmem:v2+s13+$0x0], $0xffff  }
0xa2: {  	v59 =	vmov v2;
	[tilespmem:$0x1FC40] =	vst v2;
	v58 =	vld.idx.msk [tilespmem:v2+s14+$0x0], $0xffff;
	v2 =	vor.u32 $0x2C, v8  }
0xa3: {  	[tilespmem:v43+s13+$0x0] =	vst.idx.msk $0xffff, v56  }
0xa4: {  	[tilespmem:$0x1F800] =	vst v31;
	v63 =	vsub.f32 v45, v46;
	v22 =	vld.idx.msk [tilespmem:v3+s13+$0x0], $0xffff  }
0xa5: {  	v30 =	vmov v3;
	[tilespmem:$0x1FC50] =	vst v3;
	v27 =	vld.idx.msk [tilespmem:v3+s14+$0x0], $0xffff;
	v3 =	vor.u32 $0x2D, v8  }
0xa6: {  	[tilespmem:v47+s13+$0x0] =	vst.idx.msk $0xffff, v63  }
0xa7: {  	[tilespmem:$0x1F860] =	vst v63;
	v63 =	vsub.f32 v49, v50;
	v31 =	vld.idx.msk [tilespmem:v2+s13+$0x0], $0xffff  }
0xa8: {  	v34 =	vmov v2;
	[tilespmem:$0x1FC60] =	vst v2;
	v32 =	vld.idx.msk [tilespmem:v2+s14+$0x0], $0xffff;
	v2 =	vor.u32 $0x2E, v8  }
0xa9: {  	[tilespmem:v51+s13+$0x0] =	vst.idx.msk $0xffff, v63  }
0xaa: {  	[tilespmem:$0x1F810] =	vst v36;
	v35 =	vsub.f32 v53, v54;
	v36 =	vld.idx.msk [tilespmem:v3+s13+$0x0], $0xffff  }
0xab: {  	v38 =	vmov v3;
	[tilespmem:$0x1FC70] =	vst v3;
	v37 =	vld.idx.msk [tilespmem:v3+s14+$0x0], $0xffff;
	v3 =	vor.u32 $0x2F, v8  }
0xac: {  	[tilespmem:v55+s13+$0x0] =	vst.idx.msk $0xffff, v35  }
0xad: {  	v39 =	vsub.f32 v57, v58;
	v41 =	vld.idx.msk [tilespmem:v2+s13+$0x0], $0xffff  }
0xae: {  	v43 =	vmov v2;
	[tilespmem:$0x1FC80] =	vst v2;
	v42 =	vld.idx.msk [tilespmem:v2+s14+$0x0], $0xffff;
	v2 =	vor.u32 $0x30, v8  }
0xaf: {  	[tilespmem:v59+s13+$0x0] =	vst.idx.msk $0xffff, v39  }
0xb0: {  	[tilespmem:$0x1F820] =	vst v44;
	v61 =	vsub.f32 v22, v27;
	v44 =	vld.idx.msk [tilespmem:v3+s13+$0x0], $0xffff  }
0xb1: {  	v46 =	vmov v3;
	[tilespmem:$0x1FC90] =	vst v3;
	v45 =	vld.idx.msk [tilespmem:v3+s14+$0x0], $0xffff;
	v3 =	vor.u32 $0x31, v8  }
0xb2: {  	[tilespmem:v30+s13+$0x0] =	vst.idx.msk $0xffff, v61  }
0xb3: {  	[tilespmem:$0x1F830] =	vst v48;
	v47 =	vsub.f32 v31, v32;
	v48 =	vld.idx.msk [tilespmem:v2+s13+$0x0], $0xffff  }
0xb4: {  	v50 =	vmov v2;
	[tilespmem:$0x1FCA0] =	vst v2;
	v49 =	vld.idx.msk [tilespmem:v2+s14+$0x0], $0xffff;
	v2 =	vor.u32 $0x32, v8  }
0xb5: {  	[tilespmem:v34+s13+$0x0] =	vst.idx.msk $0xffff, v47  }
0xb6: {  	[tilespmem:$0x1F840] =	vst v52;
	v51 =	vsub.f32 v36, v37;
	v52 =	vld.idx.msk [tilespmem:v3+s13+$0x0], $0xffff  }
0xb7: {  	v54 =	vmov v3;
	[tilespmem:$0x1FCB0] =	vst v3;
	v53 =	vld.idx.msk [tilespmem:v3+s14+$0x0], $0xffff;
	v3 =	vor.u32 $0x33, v8  }
0xb8: {  	[tilespmem:v38+s13+$0x0] =	vst.idx.msk $0xffff, v51  }
0xb9: {  	[tilespmem:$0x1F850] =	vst v56;
	v59 =	vsub.f32 v41, v42;
	v55 =	vld.idx.msk [tilespmem:v2+s13+$0x0], $0xffff  }
0xba: {  	v57 =	vmov v2;
	[tilespmem:$0x1FCC0] =	vst v2;
	v56 =	vld.idx.msk [tilespmem:v2+s14+$0x0], $0xffff;
	v2 =	vor.u32 $0x34, v8  }
0xbb: {  	[tilespmem:v43+s13+$0x0] =	vst.idx.msk $0xffff, v59  }
0xbc: {  	v58 =	vsub.f32 v44, v45;
	v60 =	vld.idx.msk [tilespmem:v3+s13+$0x0], $0xffff  }
0xbd: {  	v27 =	vmov v3;
	[tilespmem:$0x1FCD0] =	vst v3;
	v22 =	vld.idx.msk [tilespmem:v3+s14+$0x0], $0xffff;
	v3 =	vor.u32 $0x35, v8  }
0xbe: {  	[tilespmem:v46+s13+$0x0] =	vst.idx.msk $0xffff, v58  }
0xbf: {  	[tilespmem:$0x1F880] =	vst v39;
	v36 =	vsub.f32 v48, v49;
	v37 =	vld.idx.msk [tilespmem:v2+s13+$0x0], $0xffff  }
0xc0: {  	v39 =	vmov v2;
	[tilespmem:$0x1FCE0] =	vst v2;
	v38 =	vld.idx.msk [tilespmem:v2+s14+$0x0], $0xffff;
	v2 =	vor.u32 $0x36, v8  }
0xc1: {  	[tilespmem:v50+s13+$0x0] =	vst.idx.msk $0xffff, v36  }
0xc2: {  	v41 =	vsub.f32 v52, v53;
	v42 =	vld.idx.msk [tilespmem:v3+s13+$0x0], $0xffff  }
0xc3: {  	v44 =	vmov v3;
	[tilespmem:$0x1FCF0] =	vst v3;
	v43 =	vld.idx.msk [tilespmem:v3+s14+$0x0], $0xffff;
	v3 =	vor.u32 $0x37, v8  }
0xc4: {  	[tilespmem:v54+s13+$0x0] =	vst.idx.msk $0xffff, v41  }
0xc5: {  	[tilespmem:$0x1F890] =	vst v47;
	v32 =	vsub.f32 v55, v56;
	v45 =	vld.idx.msk [tilespmem:v2+s13+$0x0], $0xffff  }
0xc6: {  	v47 =	vmov v2;
	[tilespmem:$0x1FD00] =	vst v2;
	v46 =	vld.idx.msk [tilespmem:v2+s14+$0x0], $0xffff;
	v2 =	vor.u32 $0x38, v8  }
0xc7: {  	[tilespmem:v57+s13+$0x0] =	vst.idx.msk $0xffff, v32  }
0xc8: {  	[tilespmem:$0x1F8A0] =	vst v51;
	v48 =	vsub.f32 v60, v22;
	v49 =	vld.idx.msk [tilespmem:v3+s13+$0x0], $0xffff  }
0xc9: {  	v51 =	vmov v3;
	[tilespmem:$0x1FD10] =	vst v3;
	v50 =	vld.idx.msk [tilespmem:v3+s14+$0x0], $0xffff;
	v3 =	vor.u32 $0x39, v8  }
0xca: {  	[tilespmem:v27+s13+$0x0] =	vst.idx.msk $0xffff, v48  }
0xcb: {  	v54 =	vsub.f32 v37, v38;
	v53 =	vld.idx.msk [tilespmem:v2+s13+$0x0], $0xffff  }
0xcc: {  	v60 =	vmov v2;
	[tilespmem:$0x1FD20] =	vst v2;
	v55 =	vld.idx.msk [tilespmem:v2+s14+$0x0], $0xffff;
	v2 =	vor.u32 $0x3A, v8  }
0xcd: {  	[tilespmem:v39+s13+$0x0] =	vst.idx.msk $0xffff, v54  }
0xce: {  	[tilespmem:$0x1F870] =	vst v35;
	v57 =	vsub.f32 v42, v43;
	v22 =	vld.idx.msk [tilespmem:v3+s13+$0x0], $0xffff  }
0xcf: {  	v30 =	vmov v3;
	[tilespmem:$0x1FD30] =	vst v3;
	v27 =	vld.idx.msk [tilespmem:v3+s14+$0x0], $0xffff;
	v3 =	vor.u32 $0x3B, v8  }
0xd0: {  	[tilespmem:v44+s13+$0x0] =	vst.idx.msk $0xffff, v57  }
0xd1: {  	[tilespmem:$0x1F8C0] =	vst v36;
	v31 =	vsub.f32 v45, v46;
	v34 =	vld.idx.msk [tilespmem:v2+s13+$0x0], $0xffff  }
0xd2: {  	v36 =	vmov v2;
	[tilespmem:$0x1FD40] =	vst v2;
	v35 =	vld.idx.msk [tilespmem:v2+s14+$0x0], $0xffff;
	v2 =	vor.u32 $0x3C, v8  }
0xd3: {  	[tilespmem:v47+s13+$0x0] =	vst.idx.msk $0xffff, v31  }
0xd4: {  	[tilespmem:$0x1F8D0] =	vst v41;
	v37 =	vsub.f32 v49, v50;
	v38 =	vld.idx.msk [tilespmem:v3+s13+$0x0], $0xffff  }
0xd5: {  	v41 =	vmov v3;
	[tilespmem:$0x1FD50] =	vst v3;
	v39 =	vld.idx.msk [tilespmem:v3+s14+$0x0], $0xffff;
	v3 =	vor.u32 $0x3D, v8  }
0xd6: {  	[tilespmem:v51+s13+$0x0] =	vst.idx.msk $0xffff, v37  }
0xd7: {  	v53 =	vsub.f32 v53, v55;
	v42 =	vld.idx.msk [tilespmem:v2+s13+$0x0], $0xffff  }
0xd8: {  	v44 =	vmov v2;
	[tilespmem:$0x1FD60] =	vst v2;
	v43 =	vld.idx.msk [tilespmem:v2+s14+$0x0], $0xffff;
	v2 =	vor.u32 $0x3E, v8  }
0xd9: {  	[tilespmem:v60+s13+$0x0] =	vst.idx.msk $0xffff, v53  }
0xda: {  	[tilespmem:$0x1F8B0] =	vst v58;
	v45 =	vsub.f32 v22, v27;
	v46 =	vld.idx.msk [tilespmem:v3+s13+$0x0], $0xffff  }
0xdb: {  	v52 =	vmov v3;
	[tilespmem:$0x1FD70] =	vst v3;
	v47 =	vld.idx.msk [tilespmem:v3+s14+$0x0], $0xffff;
	v3 =	vor.u32 $0x3F, v8  }
0xdc: {  	[tilespmem:v30+s13+$0x0] =	vst.idx.msk $0xffff, v45  }
0xdd: {  	[tilespmem:$0x1F8E0] =	vst v48;
	v48 =	vsub.f32 v34, v35;
	v55 =	vld.idx.msk [tilespmem:v2+s13+$0x0], $0xffff  }
0xde: {  	v58 =	vmov v2;
	[tilespmem:$0x1FD80] =	vst v2;
	v56 =	vld.idx.msk [tilespmem:v2+s14+$0x0], $0xffff;
	v2 =	vor.u32 $0x40, v8  }
0xdf: {  	[tilespmem:v36+s13+$0x0] =	vst.idx.msk $0xffff, v48  }
0xe0: {  	v50 =	vsub.f32 v38, v39;
	v60 =	vld.idx.msk [tilespmem:v3+s13+$0x0], $0xffff  }
0xe1: {  	v27 =	vmov v3;
	[tilespmem:$0x1FD90] =	vst v3;
	v22 =	vld.idx.msk [tilespmem:v3+s14+$0x0], $0xffff;
	v3 =	vor.u32 $0x41, v8  }
0xe2: {  	[tilespmem:v41+s13+$0x0] =	vst.idx.msk $0xffff, v50  }
0xe3: {  	[tilespmem:$0x1F8F0] =	vst v31;
	v30 =	vsub.f32 v42, v43;
	v31 =	vld.idx.msk [tilespmem:v2+s13+$0x0], $0xffff  }
0xe4: {  	v35 =	vmov v2;
	[tilespmem:$0x1FDA0] =	vst v2;
	v34 =	vld.idx.msk [tilespmem:v2+s14+$0x0], $0xffff;
	v2 =	vor.u32 $0x42, v8  }
0xe5: {  	[tilespmem:v44+s13+$0x0] =	vst.idx.msk $0xffff, v30  }
0xe6: {  	[tilespmem:$0x1F900] =	vst v37;
	v36 =	vsub.f32 v46, v47;
	v37 =	vld.idx.msk [tilespmem:v3+s13+$0x0], $0xffff  }
0xe7: {  	v39 =	vmov v3;
	[tilespmem:$0x1FDB0] =	vst v3;
	v38 =	vld.idx.msk [tilespmem:v3+s14+$0x0], $0xffff;
	v3 =	vor.u32 $0x43, v8  }
0xe8: {  	[tilespmem:v52+s13+$0x0] =	vst.idx.msk $0xffff, v36  }
0xe9: {  	v46 =	vsub.f32 v55, v56;
	v49 =	vld.idx.msk [tilespmem:v2+s13+$0x0], $0xffff  }
0xea: {  	v52 =	vmov v2;
	[tilespmem:$0x1FDC0] =	vst v2;
	v51 =	vld.idx.msk [tilespmem:v2+s14+$0x0], $0xffff;
	v2 =	vor.u32 $0x44, v8  }
0xeb: {  	[tilespmem:v58+s13+$0x0] =	vst.idx.msk $0xffff, v46  }
0xec: {  	v55 =	vsub.f32 v60, v22;
	v56 =	vld.idx.msk [tilespmem:v3+s13+$0x0], $0xffff  }
0xed: {  	v60 =	vmov v3;
	[tilespmem:$0x1FDD0] =	vst v3;
	v58 =	vld.idx.msk [tilespmem:v3+s14+$0x0], $0xffff;
	v3 =	vor.u32 $0x45, v8  }
0xee: {  	[tilespmem:v27+s13+$0x0] =	vst.idx.msk $0xffff, v55  }
0xef: {  	[tilespmem:$0x1F920] =	vst v30;
	v44 =	vsub.f32 v31, v34;
	v22 =	vld.idx.msk [tilespmem:v2+s13+$0x0], $0xffff  }
0xf0: {  	v30 =	vmov v2;
	[tilespmem:$0x1FDE0] =	vst v2;
	v27 =	vld.idx.msk [tilespmem:v2+s14+$0x0], $0xffff;
	v2 =	vor.u32 $0x46, v8  }
0xf1: {  	[tilespmem:v35+s13+$0x0] =	vst.idx.msk $0xffff, v44  }
0xf2: {  	v42 =	vsub.f32 v37, v38;
	v31 =	vld.idx.msk [tilespmem:v3+s13+$0x0], $0xffff  }
0xf3: {  	[tilespmem:$0x1FDF0] =	vst v3;
	v35 =	vmov v3;
	v34 =	vld.idx.msk [tilespmem:v3+s14+$0x0], $0xffff;
	v3 =	vor.u32 $0x47, v8  }
0xf4: {  	[tilespmem:v39+s13+$0x0] =	vst.idx.msk $0xffff, v42  }
0xf5: {  	[tilespmem:$0x1F910] =	vst v45;
	v41 =	vsub.f32 v49, v51;
	v43 =	vld.idx.msk [tilespmem:v2+s13+$0x0], $0xffff  }
0xf6: {  	v47 =	vmov v2;
	[tilespmem:$0x1FE00] =	vst v2;
	v45 =	vld.idx.msk [tilespmem:v2+s14+$0x0], $0xffff;
	v2 =	vor.u32 $0x48, v8  }
0xf7: {  	[tilespmem:v52+s13+$0x0] =	vst.idx.msk $0xffff, v41  }
0xf8: {  	[tilespmem:$0x1F940] =	vst v55;
	v49 =	vsub.f32 v56, v58;
	v51 =	vld.idx.msk [tilespmem:v3+s13+$0x0], $0xffff  }
0xf9: {  	v55 =	vmov v3;
	[tilespmem:$0x1FE10] =	vst v3;
	v52 =	vld.idx.msk [tilespmem:v3+s14+$0x0], $0xffff;
	v3 =	vor.u32 $0x49, v8  }
0xfa: {  	[tilespmem:v60+s13+$0x0] =	vst.idx.msk $0xffff, v49  }
0xfb: {  	v39 =	vsub.f32 v22, v27;
	v56 =	vld.idx.msk [tilespmem:v2+s13+$0x0], $0xffff  }
0xfc: {  	v60 =	vmov v2;
	[tilespmem:$0x1FE20] =	vst v2;
	v58 =	vld.idx.msk [tilespmem:v2+s14+$0x0], $0xffff;
	v2 =	vor.u32 $0x4A, v8  }
0xfd: {  	[tilespmem:v30+s13+$0x0] =	vst.idx.msk $0xffff, v39  }
0xfe: {  	[tilespmem:$0x1F930] =	vst v36;
	v22 =	vsub.f32 v31, v34;
	v27 =	vld.idx.msk [tilespmem:v3+s13+$0x0], $0xffff  }
0xff: {  	v31 =	vmov v3;
	[tilespmem:$0x1FE30] =	vst v3;
	v30 =	vld.idx.msk [tilespmem:v3+s14+$0x0], $0xffff;
	v3 =	vor.u32 $0x4B, v8  }
0x100: {  	[tilespmem:v35+s13+$0x0] =	vst.idx.msk $0xffff, v22  }
0x101: {  	[tilespmem:$0x1F950] =	vst v41;
	v36 =	vsub.f32 v43, v45;
	v41 =	vld.idx.msk [tilespmem:v2+s13+$0x0], $0xffff  }
0x102: {  	v45 =	vmov v2;
	[tilespmem:$0x1FE40] =	vst v2;
	v43 =	vld.idx.msk [tilespmem:v2+s14+$0x0], $0xffff;
	v2 =	vor.u32 $0x4C, v8  }
0x103: {  	[tilespmem:v47+s13+$0x0] =	vst.idx.msk $0xffff, v36  }
0x104: {  	[tilespmem:$0x1F960] =	vst v49;
	v35 =	vsub.f32 v51, v52;
	v47 =	vld.idx.msk [tilespmem:v3+s13+$0x0], $0xffff  }
0x105: {  	v51 =	vmov v3;
	[tilespmem:$0x1FE50] =	vst v3;
	v49 =	vld.idx.msk [tilespmem:v3+s14+$0x0], $0xffff;
	v3 =	vor.u32 $0x4D, v8  }
0x106: {  	[tilespmem:v55+s13+$0x0] =	vst.idx.msk $0xffff, v35  }
0x107: {  	v15 =	vsub.f32 v56, v58;
	v52 =	vld.idx.msk [tilespmem:v2+s13+$0x0], $0xffff  }
0x108: {  	v55 =	vmov v2;
	[tilespmem:$0x1FE60] =	vst v2;
	v18 =	vld.idx.msk [tilespmem:v2+s14+$0x0], $0xffff;
	v2 =	vor.u32 $0x4E, v8  }
0x109: {  	[tilespmem:v60+s13+$0x0] =	vst.idx.msk $0xffff, v15  }
0x10a: {  	[tilespmem:$0x1F970] =	vst v22;
	v56 =	vsub.f32 v27, v30;
	v58 =	vld.idx.msk [tilespmem:v3+s13+$0x0], $0xffff  }
0x10b: {  	v27 =	vmov v3;
	[tilespmem:$0x1FE70] =	vst v3;
	v22 =	vld.idx.msk [tilespmem:v3+s14+$0x0], $0xffff;
	v3 =	vor.u32 $0x4F, v8  }
0x10c: {  	[tilespmem:v31+s13+$0x0] =	vst.idx.msk $0xffff, v56  }
0x10d: {  	v31 =	vsub.f32 v41, v43;
	v34 =	vld.idx.msk [tilespmem:v2+s13+$0x0], $0xffff  }
0x10e: {  	v4 =	vmov v2;
	[tilespmem:$0x1FE80] =	vst v2;
	v41 =	vld.idx.msk [tilespmem:v2+s14+$0x0], $0xffff;
	v2 =	vor.u32 $0x50, v8  }
0x10f: {  	[tilespmem:v45+s13+$0x0] =	vst.idx.msk $0xffff, v31  }
0x110: {  	v60 =	vsub.f32 v47, v49;
	v43 =	vld.idx.msk [tilespmem:v3+s13+$0x0], $0xffff  }
0x111: {  	v37 =	vmov v3;
	[tilespmem:$0x1FE90] =	vst v3;
	v49 =	vld.idx.msk [tilespmem:v3+s14+$0x0], $0xffff;
	v3 =	vor.u32 $0x51, v8  }
0x112: {  	[tilespmem:v51+s13+$0x0] =	vst.idx.msk $0xffff, v60  }
0x113: {  	[tilespmem:$0x1F750] =	vst v20;
	v30 =	vsub.f32 v52, v18;
	v38 =	vld.idx.msk [tilespmem:v2+s13+$0x0], $0xffff  }
0x114: {  	v47 =	vmov v2;
	[tilespmem:$0x1FEA0] =	vst v2;
	v45 =	vld.idx.msk [tilespmem:v2+s14+$0x0], $0xffff;
	v2 =	vor.u32 $0x52, v8  }
0x115: {  	[tilespmem:v55+s13+$0x0] =	vst.idx.msk $0xffff, v30  }
0x116: {  	[tilespmem:$0x1F990] =	vst v56;
	v56 =	vsub.f32 v58, v22;
	v58 =	vld.idx.msk [tilespmem:v3+s13+$0x0], $0xffff  }
0x117: {  	v7 =	vmov v3;
	[tilespmem:$0x1FEB0] =	vst v3;
	v20 =	vld.idx.msk [tilespmem:v3+s14+$0x0], $0xffff;
	v3 =	vor.u32 $0x53, v8  }
0x118: {  	[tilespmem:v27+s13+$0x0] =	vst.idx.msk $0xffff, v56  }
0x119: {  	v52 =	vsub.f32 v34, v41;
	v27 =	vld.idx.msk [tilespmem:v2+s13+$0x0], $0xffff  }
0x11a: {  	v41 =	vmov v2;
	[tilespmem:$0x1FEC0] =	vst v2;
	v34 =	vld.idx.msk [tilespmem:v2+s14+$0x0], $0xffff;
	v2 =	vor.u32 $0x54, v8  }
0x11b: {  	[tilespmem:v4+s13+$0x0] =	vst.idx.msk $0xffff, v52  }
0x11c: {  	[tilespmem:$0x1F9A0] =	vst v31;
	v31 =	vsub.f32 v43, v49;
	v43 =	vld.idx.msk [tilespmem:v3+s13+$0x0], $0xffff  }
0x11d: {  	[tilespmem:$0x1FED0] =	vst v3;
	v4 =	vmov v3;
	v22 =	vld.idx.msk [tilespmem:v3+s14+$0x0], $0xffff;
	v3 =	vor.u32 $0x55, v8  }
0x11e: {  	[tilespmem:v37+s13+$0x0] =	vst.idx.msk $0xffff, v31  }
0x11f: {  	v49 =	vsub.f32 v38, v45;
	v14 =	vld.idx.msk [tilespmem:v2+s13+$0x0], $0xffff  }
0x120: {  	v37 =	vmov v2;
	[tilespmem:$0x1FEE0] =	vst v2;
	v55 =	vld.idx.msk [tilespmem:v2+s14+$0x0], $0xffff;
	v2 =	vor.u32 $0x56, v8  }
0x121: {  	v24 =	vmul.f32 v24, v24;
	[tilespmem:v47+s13+$0x0] =	vst.idx.msk $0xffff, v49  }
0x122: {  	v1 =	vmul.f32 v1, v1;
	[tilespmem:$0x1F780] =	vst v6;
	v45 =	vsub.f32 v58, v20;
	v38 =	vld.idx.msk [tilespmem:v3+s13+$0x0], $0xffff  }
0x123: {  	v6 =	vmov v3;
	[tilespmem:$0x1FEF0] =	vst v3;
	v58 =	vld.idx.msk [tilespmem:v3+s14+$0x0], $0xffff;
	v3 =	vor.u32 $0x57, v8  }
0x124: {  	v1 =	vadd.f32 v1, v24;
	v24 =	vmul.f32 v29, v29;
	v29 =	vld [tilespmem:$0x1F6C0];
	[tilespmem:v7+s13+$0x0] =	vst.idx.msk $0xffff, v45  }
0x125: {  	v12 =	vor.u32 $0x58, v8;
	v27 =	vsub.f32 v27, v34;
	v9 =	vld.idx.msk [tilespmem:v2+s13+$0x0], $0xffff  }
0x126: {  	v34 =	vld.idx.msk [tilespmem:v2+s14+$0x0], $0xffff  }
0x127: {  	v1 =	vadd.f32 v24, v1;
	v24 =	vld [tilespmem:$0x1F6F0];
	v43 =	vsub.f32 v43, v22;
	[tilespmem:v41+s13+$0x0] =	vst.idx.msk $0xffff, v27  }
0x128: {  	[tilespmem:$0x1F980] =	vst v15;
	v15 =	vor.u32 $0x59, v8;
	v47 =	vld.idx.msk [tilespmem:v3+s13+$0x0], $0xffff  }
0x129: {  	v41 =	vsub.f32 v14, v55;
	v51 =	vld.idx.msk [tilespmem:v3+s14+$0x0], $0xffff;
	[tilespmem:v4+s13+$0x0] =	vst.idx.msk $0xffff, v43  }
0x12a: {  	[tilespmem:$0x1FAA0] =	vst v19;
	v19 =	vor.u32 $0x5A, v8;
	v55 =	vmul.f32 v25, v25;
	v25 =	vmul.f32 v21, v21;
	v14 =	vld.idx.msk [tilespmem:v12+s13+$0x0], $0xffff  }
0x12b: {  	v18 =	vld.idx.msk [tilespmem:v12+s14+$0x0], $0xffff;
	[tilespmem:v37+s13+$0x0] =	vst.idx.msk $0xffff, v41;
	v37 =	vsub.f32 v9, v34;
	v34 =	vmul.f32 v26, v26  }
0x12c: {  	v22 =	vld [tilespmem:$0x1F6E0]  }
0x12d: {  	v38 =	vsub.f32 v38, v58;
	v10 =	vld.idx.msk [tilespmem:v15+s13+$0x0], $0xffff;
	v26 =	vmul.f32 v40, v40;
	v9 =	vadd.f32 v34, v25  }
0x12e: {  	v0 =	vmul.f32 v0, v0;
	v7 =	vmov v2;
	v58 =	vld.idx.msk [tilespmem:v15+s14+$0x0], $0xffff  }
0x12f: {  	v5 =	vor.u32 $0x5B, v8;
	v13 =	vmul.f32 v23, v23;
	[tilespmem:v6+s13+$0x0] =	vst.idx.msk $0xffff, v38;
	v9 =	vadd.f32 v26, v9;
	v26 =	vld [tilespmem:$0x1F700]  }
0x130: {  	[tilespmem:$0x1FF00] =	vst v2;
	v2 =	vadd.f32 v0, v55;
	v0 =	vmul.f32 v28, v28;
	v55 =	vld.idx.msk [tilespmem:v19+s13+$0x0], $0xffff  }
0x131: {  	v11 =	vmov v3;
	[tilespmem:$0x1FF10] =	vst v3;
	v3 =	vld.idx.msk [tilespmem:v19+s14+$0x0], $0xffff;
	v40 =	vmul.f32 v29, v29  }
0x132: {  	v28 =	vmul.f32 v62, v62;
	v62 =	vld [tilespmem:$0x1F6D0];
	v0 =	vadd.f32 v0, v13  }
0x133: {  	v6 =	vor.u32 $0x5C, v8;
	[tilespmem:v7+s13+$0x0] =	vst.idx.msk $0xffff, v37;
	v1 =	vadd.f32 v40, v1;
	v40 =	vld [tilespmem:$0x1F710]  }
0x134: {  	v0 =	vadd.f32 v28, v0;
	v34 =	vsub.f32 v47, v51;
	v51 =	vld.idx.msk [tilespmem:v5+s13+$0x0], $0xffff;
	v28 =	vmul.f32 v26, v26  }
0x135: {  	v21 =	vor.u32 $0x5D, v8;
	v4 =	vld.idx.msk [tilespmem:v5+s14+$0x0], $0xffff  }
0x136: {  	v25 =	vmul.f32 v33, v33;
	v1 =	vadd.f32 v28, v1;
	v28 =	vsub.f32 v55, v3;
	v3 =	vld [tilespmem:$0x1F720]  }
0x137: {  	v33 =	vsub.f32 v14, v18;
	v29 =	vsub.f32 v10, v58;
	v10 =	vld [tilespmem:$0x1F730];
	[tilespmem:v11+s13+$0x0] =	vst.idx.msk $0xffff, v34  }
0x138: {  	[tilespmem:$0x1FF20] =	vst v12;
	v23 =	vmul.f32 v22, v22;
	v13 =	vld.idx.msk [tilespmem:v6+s13+$0x0], $0xffff  }
0x139: {  	v2 =	vadd.f32 v25, v2;
	v25 =	vmul.f32 v24, v24;
	v47 =	vld.idx.msk [tilespmem:v6+s14+$0x0], $0xffff;
	[tilespmem:v12+s13+$0x0] =	vst.idx.msk $0xffff, v33  }
0x13a: {  	[tilespmem:$0x1FF60] =	vst v6;
	v18 =	vmov v6;
	v11 =	vmul.f32 v62, v62;
	v6 =	vor.u32 $0x5E, v8;
	v12 =	vld.idx.msk [tilespmem:v21+s13+$0x0], $0xffff  }
0x13b: {  	[tilespmem:$0x1FF50] =	vst v5;
	v9 =	vadd.f32 v23, v9;
	v0 =	vadd.f32 v25, v0;
	v25 =	vld [tilespmem:$0x1F750];
	v3 =	vmul.f32 v3, v3  }
0x13c: {  	[tilespmem:$0x1FF40] =	vst v19;
	v2 =	vadd.f32 v11, v2;
	v11 =	vld.idx.msk [tilespmem:v21+s14+$0x0], $0xffff;
	v62 =	vmov v6  }
0x13d: {  	[tilespmem:$0x1FF30] =	vst v15;
	v7 =	vor.u32 $0x5F, v8;
	v58 =	vmul.f32 v40, v40;
	v3 =	vadd.f32 v3, v9;
	v9 =	vld [tilespmem:$0x1F770]  }
0x13e: {  	v20 =	vmov v5;
	[tilespmem:$0x1FF70] =	vst v21;
	v23 =	vld [tilespmem:$0x1F740];
	v26 =	vmov v7  }
0x13f: {  	[tilespmem:v15+s13+$0x0] =	vst.idx.msk $0xffff, v29;
	v14 =	vmul.f32 v10, v10;
	v2 =	vadd.f32 v58, v2;
	v58 =	vld [tilespmem:$0x1F760]  }
0x140: {  	[tilespmem:$0x1FF80] =	vst v62;
	v51 =	vsub.f32 v51, v4;
	v15 =	vld.idx.msk [tilespmem:v6+s13+$0x0], $0xffff;
	v4 =	vmul.f32 v25, v25  }
0x141: {  	v0 =	vadd.f32 v14, v0;
	v6 =	vld.idx.msk [tilespmem:v62+s14+$0x0], $0xffff;
	[tilespmem:v19+s13+$0x0] =	vst.idx.msk $0xffff, v28  }
0x142: {  	[tilespmem:$0x1FF90] =	vst v26;
	v2 =	vadd.f32 v4, v2;
	v14 =	vld.idx.msk [tilespmem:v7+s13+$0x0], $0xffff;
	v4 =	vmul.f32 v9, v9  }
0x143: {  	v7 =	vld.idx.msk [tilespmem:v26+s14+$0x0], $0xffff;
	[tilespmem:v20+s13+$0x0] =	vst.idx.msk $0xffff, v51  }
0x144: {  	v5 =	vadd.f32 v4, v0;
	v0 =	vld [tilespmem:$0x1F790];
	_ =	sdelay $0x4  }
0x145: {  	v25 =	vmul.f32 v0, v0;
	v0 =	vld [tilespmem:$0x1F7A0];
	_ =	sdelay $0x4  }
0x146: {  	v55 =	vmul.f32 v0, v0;
	v0 =	vld [tilespmem:$0x1F7B0];
	_ =	sdelay $0x2  }
0x147: {  	v24 =	vmul.f32 v23, v23;
	v23 =	vld [tilespmem:$0x1F780];
	_ =	sdelay $0x1  }
0x148: {  	v22 =	vmov v62;
	v62 =	vmul.f32 v58, v58;
	v58 =	vmul.f32 v0, v0;
	v0 =	vld [tilespmem:$0x1F7C0];
	_ =	sdelay $0x2  }
0x149: {  	v1 =	vadd.f32 v24, v1;
	v24 =	vmul.f32 v23, v23;
	_ =	sdelay $0x1  }
0x14a: {  	v1 =	vadd.f32 v24, v1;
	v0 =	vmul.f32 v0, v0;
	_ =	sdelay $0x1  }
0x14b: {  	v16 =	vor.u32 $0x60, v8;
	v0 =	vadd.f32 v0, v1;
	v1 =	vld [tilespmem:$0x1F7E0];
	_ =	sdelay $0x2  }
0x14c: {  	v3 =	vadd.f32 v62, v3  }
0x14d: {  	v40 =	vmov v26;
	v19 =	vor.u32 $0x61, v8  }
0x14e: {  	v26 =	vsub.f32 v13, v47;
	v13 =	vld.idx.msk [tilespmem:v16+s13+$0x0], $0xffff;
	v3 =	vadd.f32 v55, v3;
	v1 =	vmul.f32 v1, v1  }
0x14f: {  	v9 =	vld.idx.msk [tilespmem:v16+s14+$0x0], $0xffff  }
0x150: {  	v20 =	vmov v16;
	[tilespmem:$0x1FFA0] =	vst v16;
	v16 =	vor.u32 $0x62, v8;
	v1 =	vadd.f32 v1, v3;
	v3 =	vld [tilespmem:$0x1F800];
	_ =	sdelay $0x1  }
0x151: {  	v62 =	vor.u32 $0x63, v8;
	[tilespmem:v18+s13+$0x0] =	vst.idx.msk $0xffff, v26;
	v2 =	vadd.f32 v25, v2;
	v25 =	vsub.f32 v12, v11  }
0x152: {  	v10 =	vld.idx.msk [tilespmem:v19+s14+$0x0], $0xffff;
	v55 =	vmov v62  }
0x153: {  	v24 =	vsub.f32 v15, v6;
	v11 =	vld.idx.msk [tilespmem:v19+s13+$0x0], $0xffff;
	[tilespmem:v21+s13+$0x0] =	vst.idx.msk $0xffff, v25  }
0x154: {  	v15 =	vld.idx.msk [tilespmem:v16+s13+$0x0], $0xffff;
	v3 =	vmul.f32 v3, v3  }
0x155: {  	v6 =	vld.idx.msk [tilespmem:v16+s14+$0x0], $0xffff;
	[tilespmem:v22+s13+$0x0] =	vst.idx.msk $0xffff, v24  }
0x156: {  	v23 =	vsub.f32 v14, v7;
	v12 =	vld.idx.msk [tilespmem:v62+s13+$0x0], $0xffff;
	v0 =	vadd.f32 v3, v0;
	v3 =	vmul.f32 v17, v17  }
0x157: {  	v14 =	vld.idx.msk [tilespmem:v55+s14+$0x0], $0xffff  }
0x158: {  	[tilespmem:v40+s13+$0x0] =	vst.idx.msk $0xffff, v23;
	v40 =	vadd.f32 v3, v1;
	v1 =	vld [tilespmem:$0x1F830]  }
0x159: {  	v18 =	vld [tilespmem:$0x1F7D0];
	_ =	sdelay $0x1  }
0x15a: {  	v22 =	vld [tilespmem:$0x1F810]  }
0x15b: {  	v62 =	vld [tilespmem:$0x1F820]  }
0x15c: {  	v3 =	vmul.f32 v1, v1;
	v1 =	vld [tilespmem:$0x1F840]  }
0x15d: {  	v4 =	vadd.f32 v58, v5;
	v5 =	vmul.f32 v18, v18;
	_ =	sdelay $0x1  }
0x15e: {  	v21 =	vld [tilespmem:$0x1F7F0];
	v47 =	vmul.f32 v22, v22;
	v2 =	vadd.f32 v5, v2;
	_ =	sdelay $0x1  }
0x15f: {  	v18 =	vmul.f32 v62, v62;
	v2 =	vadd.f32 v47, v2;
	v62 =	vmul.f32 v1, v1;
	_ =	sdelay $0x1  }
0x160: {  	v58 =	vor.u32 $0x64, v8;
	v7 =	vadd.f32 v62, v2;
	v2 =	vld [tilespmem:$0x1F860]  }
0x161: {  	v5 =	vmul.f32 v21, v21;
	v1 =	vadd.f32 v3, v0;
	v0 =	vld [tilespmem:$0x1F850];
	_ =	sdelay $0x1  }
0x162: {  	v4 =	vadd.f32 v5, v4  }
0x163: {  	[tilespmem:$0x1FFD0] =	vst v55;
	v22 =	vsub.f32 v13, v9  }
0x164: {  	v13 =	vld.idx.msk [tilespmem:v58+s13+$0x0], $0xffff;
	v4 =	vadd.f32 v18, v4;
	v17 =	vmovc v55;
	v55 =	vor.u32 $0x65, v8;
	v2 =	vmul.f32 v2, v2  }
0x165: {  	v3 =	vld [tilespmem:$0x1F880];
	v0 =	vmul.f32 v0, v0  }
0x166: {  	v4 =	vadd.f32 v2, v4;
	v2 =	vld [tilespmem:$0x1F870]  }
0x167: {  	v0 =	vadd.f32 v0, v40;
	v40 =	vld [tilespmem:$0x1F890]  }
0x168: {  	v21 =	vsub.f32 v11, v10;
	v9 =	vld.idx.msk [tilespmem:v58+s14+$0x0], $0xffff;
	[tilespmem:v20+s13+$0x0] =	vst.idx.msk $0xffff, v22  }
0x169: {  	[tilespmem:$0x1FFB0] =	vst v19;
	v10 =	vld.idx.msk [tilespmem:v55+s13+$0x0], $0xffff  }
0x16a: {  	v11 =	vld.idx.msk [tilespmem:v55+s14+$0x0], $0xffff;
	[tilespmem:v19+s13+$0x0] =	vst.idx.msk $0xffff, v21;
	v19 =	vmul.f32 v3, v3  }
0x16b: {  	v2 =	vmul.f32 v2, v2  }
0x16c: {  	v0 =	vadd.f32 v19, v0;
	v62 =	vmul.f32 v40, v40;
	v40 =	vmul.f32 v59, v59  }
0x16d: {  	v47 =	vor.u32 $0x66, v8;
	v7 =	vadd.f32 v2, v7;
	v2 =	vmul.f32 v61, v61  }
0x16e: {  	v20 =	vsub.f32 v15, v6;
	v6 =	vadd.f32 v40, v0;
	v0 =	vld [tilespmem:$0x1F8C0]  }
0x16f: {  	v4 =	vadd.f32 v2, v4;
	v2 =	vld [tilespmem:$0x1F8A0];
	_ =	sdelay $0x1  }
0x170: {  	v18 =	vmul.f32 v63, v63;
	v63 =	vor.u32 $0x67, v8  }
0x171: {  	v15 =	vld.idx.msk [tilespmem:v47+s13+$0x0], $0xffff  }
0x172: {  	[tilespmem:$0x1FFC0] =	vst v16;
	v1 =	vadd.f32 v18, v1;
	v3 =	vld.idx.msk [tilespmem:v47+s14+$0x0], $0xffff  }
0x173: {  	[tilespmem:v16+s13+$0x0] =	vst.idx.msk $0xffff, v20;
	v16 =	vmul.f32 v0, v0;
	v0 =	vld [tilespmem:$0x1F8D0];
	v18 =	vmul.f32 v2, v2  }
0x174: {  	v1 =	vadd.f32 v62, v1;
	v62 =	vld [tilespmem:$0x1F8B0];
	v61 =	vor.u32 $0x68, v8  }
0x175: {  	v5 =	vld.idx.msk [tilespmem:v63+s13+$0x0], $0xffff;
	v19 =	vsub.f32 v12, v14;
	v7 =	vadd.f32 v18, v7  }
0x176: {  	v18 =	vsub.f32 v13, v9;
	v9 =	vadd.f32 v16, v1;
	v1 =	vld [tilespmem:$0x1F8F0]  }
0x177: {  	v59 =	vor.u32 $0x69, v8;
	v2 =	vld.idx.msk [tilespmem:v63+s14+$0x0], $0xffff  }
0x178: {  	v32 =	vmul.f32 v32, v32;
	[tilespmem:v17+s13+$0x0] =	vst.idx.msk $0xffff, v19;
	v17 =	vmul.f32 v0, v0;
	v0 =	vld [tilespmem:$0x1F8E0]  }
0x179: {  	v12 =	vmul.f32 v62, v62;
	v62 =	vld.idx.msk [tilespmem:v61+s14+$0x0], $0xffff  }
0x17a: {  	v6 =	vadd.f32 v32, v6;
	v32 =	vmul.f32 v57, v57;
	v13 =	vld.idx.msk [tilespmem:v61+s13+$0x0], $0xffff  }
0x17b: {  	v57 =	vsub.f32 v15, v3;
	[tilespmem:v58+s13+$0x0] =	vst.idx.msk $0xffff, v18;
	v3 =	vmul.f32 v1, v1;
	v1 =	vld [tilespmem:$0x1F900]  }
0x17c: {  	v4 =	vadd.f32 v12, v4;
	v12 =	vld.idx.msk [tilespmem:v59+s13+$0x0], $0xffff  }
0x17d: {  	v7 =	vadd.f32 v17, v7;
	v17 =	vsub.f32 v10, v11;
	v10 =	vmul.f32 v0, v0;
	v0 =	vld.idx.msk [tilespmem:v59+s14+$0x0], $0xffff  }
0x17e: {  	v40 =	vor.u32 $0x6A, v8  }
0x17f: {  	v16 =	vmul.f32 v54, v54  }
0x180: {  	v14 =	vmul.f32 v1, v1;
	v1 =	vld [tilespmem:$0x1F910]  }
0x181: {  	v9 =	vadd.f32 v16, v9;
	v16 =	vmul.f32 v53, v53;
	v53 =	vsub.f32 v5, v2  }
0x182: {  	v5 =	vmul.f32 v46, v46;
	[tilespmem:v55+s13+$0x0] =	vst.idx.msk $0xffff, v17;
	v46 =	vsub.f32 v12, v0;
	v0 =	vld [tilespmem:$0x1F940]  }
0x183: {  	v54 =	vor.u32 $0x6B, v8;
	v15 =	vld.idx.msk [tilespmem:v40+s13+$0x0], $0xffff;
	v4 =	vadd.f32 v10, v4  }
0x184: {  	v11 =	vld.idx.msk [tilespmem:v40+s14+$0x0], $0xffff;
	v3 =	vadd.f32 v3, v6;
	v6 =	vadd.f32 v16, v9  }
0x185: {  	v16 =	vmul.f32 v50, v50;
	v4 =	vadd.f32 v14, v4;
	v2 =	vmul.f32 v1, v1;
	v1 =	vld [tilespmem:$0x1F920];
	_ =	sdelay $0x1  }
0x186: {  	[tilespmem:v47+s13+$0x0] =	vst.idx.msk $0xffff, v57;
	v4 =	vadd.f32 v16, v4;
	v0 =	vmul.f32 v0, v0  }
0x187: {  	v10 =	vld.idx.msk [tilespmem:v54+s14+$0x0], $0xffff;
	v9 =	vmul.f32 v48, v48  }
0x188: {  	v0 =	vadd.f32 v0, v4;
	v4 =	vmul.f32 v42, v42;
	v42 =	vsub.f32 v15, v11;
	v11 =	vld [tilespmem:$0x1F950]  }
0x189: {  	v3 =	vadd.f32 v9, v3;
	v9 =	vmul.f32 v1, v1;
	v1 =	vld [tilespmem:$0x1F930]  }
0x18a: {  	v7 =	vadd.f32 v32, v7;
	v14 =	vld.idx.msk [tilespmem:v54+s13+$0x0], $0xffff  }
0x18b: {  	v32 =	vor.u32 $0x6C, v8;
	v6 =	vadd.f32 v9, v6;
	v9 =	vmul.f32 v44, v44;
	_ =	sdelay $0x1  }
0x18c: {  	v3 =	vadd.f32 v5, v3;
	v15 =	vld [tilespmem:$0x1F960];
	v6 =	vadd.f32 v9, v6;
	v9 =	vmul.f32 v11, v11  }
0x18d: {  	[tilespmem:v63+s13+$0x0] =	vst.idx.msk $0xffff, v53;
	v2 =	vadd.f32 v2, v7;
	v16 =	vmul.f32 v1, v1  }
0x18e: {  	v3 =	vadd.f32 v9, v3;
	v9 =	vmul.f32 v39, v39;
	v39 =	vsub.f32 v14, v10;
	v10 =	vld [tilespmem:$0x1F970]  }
0x18f: {  	v50 =	vsub.f32 v13, v62;
	v13 =	vld.idx.msk [tilespmem:v32+s13+$0x0], $0xffff;
	v2 =	vadd.f32 v16, v2  }
0x190: {  	v1 =	vld.idx.msk [tilespmem:v32+s14+$0x0], $0xffff  }
0x191: {  	v2 =	vadd.f32 v4, v2;
	v4 =	vmul.f32 v15, v15  }
0x192: {  	v48 =	vor.u32 $0x6D, v8  }
0x193: {  	v0 =	vadd.f32 v4, v0;
	v4 =	vmul.f32 v10, v10  }
0x194: {  	v62 =	vor.u32 $0x6E, v8  }
0x195: {  	v2 =	vadd.f32 v4, v2;
	v4 =	vmul.f32 v35, v35;
	v35 =	vsub.f32 v13, v1;
	v1 =	vld [tilespmem:$0x1F980]  }
0x196: {  	[tilespmem:v61+s13+$0x0] =	vst.idx.msk $0xffff, v50;
	v13 =	vld [tilespmem:$0x1F990]  }
0x197: {  	v44 =	vor.u32 $0x6F, v8;
	v12 =	vld.idx.msk [tilespmem:v48+s14+$0x0], $0xffff  }
0x198: {  	v16 =	vld.idx.msk [tilespmem:v48+s13+$0x0], $0xffff;
	[tilespmem:v59+s13+$0x0] =	vst.idx.msk $0xffff, v46  }
0x199: {  	v56 =	vmul.f32 v56, v56;
	v49 =	vmul.f32 v49, v49;
	v11 =	vld.idx.msk [tilespmem:v62+s13+$0x0], $0xffff  }
0x19a: {  	v5 =	vld.idx.msk [tilespmem:v62+s14+$0x0], $0xffff;
	[tilespmem:v40+s13+$0x0] =	vst.idx.msk $0xffff, v42;
	v6 =	vadd.f32 v9, v6;
	v15 =	vor.u32 $0x70, v8  }
0x19b: {  	v0 =	vadd.f32 v4, v0;
	v1 =	vmul.f32 v1, v1;
	v4 =	vmul.f32 v13, v13  }
0x19c: {  	v18 =	vmul.f32 v18, v18;
	v9 =	vmul.f32 v36, v36;
	v36 =	vor.u32 $0x71, v8;
	v14 =	vld.idx.msk [tilespmem:v44+s13+$0x0], $0xffff  }
0x19d: {  	v1 =	vadd.f32 v1, v6;
	v6 =	vld [tilespmem:$0x1F9A0];
	v2 =	vadd.f32 v4, v2;
	v4 =	vmul.f32 v60, v60  }
0x19e: {  	v57 =	vmul.f32 v57, v57;
	v7 =	vld.idx.msk [tilespmem:v44+s14+$0x0], $0xffff;
	[tilespmem:v54+s13+$0x0] =	vst.idx.msk $0xffff, v39;
	v3 =	vadd.f32 v9, v3  }
0x19f: {  	v9 =	vld.idx.msk [tilespmem:v15+s13+$0x0], $0xffff;
	v0 =	vadd.f32 v4, v0;
	v2 =	vadd.f32 v56, v2;
	v56 =	vmul.f32 v31, v31  }
0x1a0: {  	v46 =	vmul.f32 v46, v46;
	v10 =	vor.u32 $0x72, v8;
	v13 =	vld.idx.msk [tilespmem:v15+s14+$0x0], $0xffff;
	[tilespmem:v32+s13+$0x0] =	vst.idx.msk $0xffff, v35  }
0x1a1: {  	v16 =	vsub.f32 v16, v12;
	v12 =	vld.idx.msk [tilespmem:v36+s13+$0x0], $0xffff;
	v0 =	vadd.f32 v56, v0;
	v56 =	vmul.f32 v45, v45  }
0x1a2: {  	v11 =	vsub.f32 v11, v5;
	v5 =	vmul.f32 v52, v52;
	v60 =	vld.idx.msk [tilespmem:v36+s14+$0x0], $0xffff;
	v6 =	vmul.f32 v6, v6  }
0x1a3: {  	v14 =	vsub.f32 v14, v7;
	v2 =	vadd.f32 v56, v2;
	v56 =	vmul.f32 v43, v43  }
0x1a4: {  	v3 =	vadd.f32 v6, v3;
	v6 =	vmul.f32 v30, v30;
	v30 =	vor.u32 $0x73, v8  }
0x1a5: {  	[tilespmem:v48+s13+$0x0] =	vst.idx.msk $0xffff, v16;
	v16 =	vmul.f32 v16, v16;
	v31 =	vor.u32 $0x74, v8;
	v4 =	vor.u32 $0x7C, v8  }
0x1a6: {  	v43 =	vsub.f32 v9, v13;
	v0 =	vadd.f32 v56, v0;
	v56 =	vmul.f32 v37, v37  }
0x1a7: {  	v52 =	vld.idx.msk [tilespmem:v10+s14+$0x0], $0xffff;
	v37 =	vsub.f32 v12, v60;
	v60 =	vmul.f32 v34, v34;
	v1 =	vadd.f32 v6, v1  }
0x1a8: {  	v9 =	vmul.f32 v41, v41;
	v6 =	vld.idx.msk [tilespmem:v10+s13+$0x0], $0xffff;
	v3 =	vadd.f32 v5, v3;
	[tilespmem:v62+s13+$0x0] =	vst.idx.msk $0xffff, v11  }
0x1a9: {  	v0 =	vadd.f32 v60, v0;
	v60 =	vmul.f32 v51, v51;
	v1 =	vadd.f32 v49, v1;
	v7 =	vld.idx.msk [tilespmem:v30+s13+$0x0], $0xffff  }
0x1aa: {  	v13 =	vor.u32 $0x76, v8;
	v49 =	vmul.f32 v27, v27;
	v27 =	vor.u32 $0x75, v8;
	v45 =	vld.idx.msk [tilespmem:v30+s14+$0x0], $0xffff;
	[tilespmem:v44+s13+$0x0] =	vst.idx.msk $0xffff, v14  }
0x1ab: {  	v12 =	vmul.f32 v33, v33;
	v0 =	vadd.f32 v60, v0;
	v60 =	vmul.f32 v23, v23;
	v41 =	vld.idx.msk [tilespmem:v31+s13+$0x0], $0xffff  }
0x1ac: {  	v51 =	vmul.f32 v26, v26;
	v3 =	vadd.f32 v49, v3;
	v49 =	vmul.f32 v38, v38;
	v38 =	vld.idx.msk [tilespmem:v31+s14+$0x0], $0xffff  }
0x1ad: {  	v1 =	vadd.f32 v9, v1;
	[tilespmem:v15+s13+$0x0] =	vst.idx.msk $0xffff, v43;
	v9 =	vor.u32 $0x77, v8;
	v0 =	vadd.f32 v60, v0  }
0x1ae: {  	v2 =	vadd.f32 v49, v2;
	v3 =	vadd.f32 v56, v3;
	v49 =	vmul.f32 v29, v29  }
0x1af: {  	v1 =	vadd.f32 v12, v1;
	v29 =	vsub.f32 v6, v52;
	v56 =	vmul.f32 v28, v28;
	v34 =	vld.idx.msk [tilespmem:v27+s13+$0x0], $0xffff  }
0x1b0: {  	v5 =	vor.u32 $0x7B, v8;
	v12 =	vor.u32 $0x78, v8;
	v52 =	vmul.f32 v25, v25;
	v33 =	vld.idx.msk [tilespmem:v27+s14+$0x0], $0xffff;
	[tilespmem:v36+s13+$0x0] =	vst.idx.msk $0xffff, v37  }
0x1b1: {  	v6 =	vor.u32 $0x7A, v8;
	v28 =	vld.idx.msk [tilespmem:v13+s13+$0x0], $0xffff;
	v2 =	vadd.f32 v49, v2;
	v3 =	vadd.f32 v56, v3  }
0x1b2: {  	v49 =	vld.idx.msk [tilespmem:v13+s14+$0x0], $0xffff;
	v26 =	vsub.f32 v7, v45;
	v1 =	vadd.f32 v51, v1;
	v56 =	vmul.f32 v24, v24  }
0x1b3: {  	[tilespmem:v10+s13+$0x0] =	vst.idx.msk $0xffff, v29;
	v7 =	vor.u32 $0x79, v8;
	v45 =	vmul.f32 v20, v20;
	v51 =	vmul.f32 v19, v19  }
0x1b4: {  	v25 =	vld.idx.msk [tilespmem:v9+s13+$0x0], $0xffff;
	v23 =	vsub.f32 v41, v38;
	v38 =	vmul.f32 v22, v22;
	v41 =	vmul.f32 v21, v21  }
0x1b5: {  	v24 =	vld.idx.msk [tilespmem:v9+s14+$0x0], $0xffff;
	v2 =	vadd.f32 v52, v2;
	[tilespmem:v30+s13+$0x0] =	vst.idx.msk $0xffff, v26;
	v3 =	vadd.f32 v56, v3  }
0x1b6: {  	v0 =	vadd.f32 v51, v0;
	v56 =	vmul.f32 v17, v17;
	v22 =	vld.idx.msk [tilespmem:v12+s13+$0x0], $0xffff;
	v1 =	vadd.f32 v38, v1  }
0x1b7: {  	v21 =	vld.idx.msk [tilespmem:v12+s14+$0x0], $0xffff;
	[tilespmem:v31+s13+$0x0] =	vst.idx.msk $0xffff, v23;
	v2 =	vadd.f32 v41, v2;
	v20 =	vsub.f32 v34, v33  }
0x1b8: {  	v3 =	vadd.f32 v45, v3;
	v41 =	vmul.f32 v53, v53;
	v19 =	vld.idx.msk [tilespmem:v7+s13+$0x0], $0xffff;
	v1 =	vadd.f32 v18, v1  }
0x1b9: {  	v52 =	vld.idx.msk [tilespmem:v7+s14+$0x0], $0xffff;
	v17 =	vsub.f32 v28, v49;
	v49 =	vmul.f32 v42, v42;
	[tilespmem:v27+s13+$0x0] =	vst.idx.msk $0xffff, v20  }
0x1ba: {  	v2 =	vadd.f32 v56, v2;
	v18 =	vadd.f32 v57, v3;
	v3 =	vmul.f32 v50, v50  }
0x1bb: {  	v0 =	vadd.f32 v41, v0;
	v24 =	vsub.f32 v25, v24;
	v50 =	vmul.f32 v35, v35;
	v60 =	vld.idx.msk [tilespmem:v6+s13+$0x0], $0xffff  }
0x1bc: {  	v45 =	vld.idx.msk [tilespmem:v6+s14+$0x0], $0xffff;
	[tilespmem:v13+s13+$0x0] =	vst.idx.msk $0xffff, v17;
	v25 =	vadd.f32 v46, v2;
	v2 =	vmul.f32 v39, v39  }
0x1bd: {  	v34 =	vld.idx.msk [tilespmem:v5+s13+$0x0], $0xffff;
	v1 =	vadd.f32 v3, v1;
	v3 =	vor.u32 $0x7D, v8;
	v18 =	vadd.f32 v49, v18  }
0x1be: {  	v42 =	vld.idx.msk [tilespmem:v5+s14+$0x0], $0xffff;
	[tilespmem:v9+s13+$0x0] =	vst.idx.msk $0xffff, v24;
	v21 =	vsub.f32 v22, v21;
	v0 =	vadd.f32 v2, v0  }
0x1bf: {  	v35 =	vld.idx.msk [tilespmem:v4+s13+$0x0], $0xffff;
	v2 =	vor.u32 $0x7E, v8;
	v22 =	vadd.f32 v50, v1;
	v1 =	vmul.f32 v11, v11  }
0x1c0: {  	v14 =	vmul.f32 v14, v14;
	v37 =	vmul.f32 v37, v37;
	v39 =	vld.idx.msk [tilespmem:v4+s14+$0x0], $0xffff  }
0x1c1: {  	[tilespmem:v12+s13+$0x0] =	vst.idx.msk $0xffff, v21;
	v52 =	vsub.f32 v19, v52;
	v18 =	vadd.f32 v1, v18;
	v1 =	vor.u32 $0x7F, v8  }
0x1c2: {  	v26 =	vmul.f32 v26, v26;
	v38 =	vmul.f32 v29, v29;
	v53 =	vld.idx.msk [tilespmem:v3+s13+$0x0], $0xffff  }
0x1c3: {  	v57 =	vmul.f32 v43, v43;
	v60 =	vsub.f32 v60, v45;
	v56 =	vld.idx.msk [tilespmem:v3+s14+$0x0], $0xffff;
	[tilespmem:v7+s13+$0x0] =	vst.idx.msk $0xffff, v52  }
0x1c4: {  	v23 =	vmul.f32 v23, v23;
	v20 =	vmul.f32 v20, v20;
	v51 =	vadd.f32 v16, v25;
	v41 =	vld.idx.msk [tilespmem:v2+s13+$0x0], $0xffff  }
0x1c5: {  	v0 =	vadd.f32 v14, v0;
	v22 =	vadd.f32 v57, v22;
	v43 =	vld.idx.msk [tilespmem:v2+s14+$0x0], $0xffff;
	[tilespmem:v6+s13+$0x0] =	vst.idx.msk $0xffff, v60  }
0x1c6: {  	v17 =	vmul.f32 v17, v17;
	v11 =	vadd.f32 v37, v51;
	v51 =	vsub.f32 v34, v42;
	v45 =	vld.idx.msk [tilespmem:v1+s13+$0x0], $0xffff  }
0x1c7: {  	v46 =	vmul.f32 v24, v24;
	v18 =	vadd.f32 v38, v18;
	v0 =	vadd.f32 v26, v0;
	v49 =	vld.idx.msk [tilespmem:v1+s14+$0x0], $0xffff  }
0x1c8: {  	v21 =	vmul.f32 v21, v21;
	v22 =	vadd.f32 v23, v22;
	v11 =	vadd.f32 v20, v11  }
0x1c9: {  	v16 =	vmul.f32 v52, v52;
	v52 =	vsub.f32 v35, v39;
	v17 =	vadd.f32 v17, v18  }
0x1ca: {  	v0 =	vadd.f32 v46, v0;
	v50 =	vadd.f32 v21, v22  }
0x1cb: {  	v14 =	vmul.f32 v60, v60;
	v11 =	vadd.f32 v16, v11;
	v19 =	vsub.f32 v53, v56  }
0x1cc: {  	v57 =	vmul.f32 v51, v51;
	v53 =	vsub.f32 v41, v43;
	v56 =	vsub.f32 v45, v49  }
0x1cd: {  	v60 =	vmul.f32 v52, v52;
	v14 =	vadd.f32 v14, v17;
	v28 =	vmul.f32 v19, v19  }
0x1ce: {  	v0 =	vadd.f32 v57, v0;
	v29 =	vmul.f32 v53, v53;
	v33 =	vmul.f32 v56, v56  }
0x1cf: {  	v17 =	vadd.f32 v60, v50;
	v11 =	vadd.f32 v28, v11  }
0x1d0: {  	v14 =	vadd.f32 v29, v14;
	v0 =	vadd.f32 v33, v0;
	_ =	sdelay $0x1  }
0x1d1: {  	v11 =	vadd.f32 v11, v17;
	v0 =	vadd.f32 v0, v14;
	_ =	sdelay $0x1  }
0x1d2: {  	v0 =	vadd.f32 v0, v11;
	_ =	sdelay $0x1  }
0x1d3: {  	v11 =	vshrl.u32 v0, $0x1;
	v34 =	vmul.f32 $5.000000000e-01, v0  }
0x1d4: {  	v11 =	vsub.s32 $0x5F3759DF, v11  }
0x1d5: {  	v35 =	vmul.f32 v11, v34;
	_ =	sdelay $0x1  }
0x1d6: {  	v17 =	vmul.f32 v11, v35;
	_ =	sdelay $0x1  }
0x1d7: {  	v17 =	vsub.f32 $1.500000000e+00, v17;
	_ =	sdelay $0x1  }
0x1d8: {  	v11 =	vmul.f32 v11, v17;
	_ =	sdelay $0x1  }
0x1d9: {  	v17 =	vmul.f32 v11, v34;
	_ =	sdelay $0x1  }
0x1da: {  	v17 =	vmul.f32 v17, v11;
	_ =	sdelay $0x1  }
0x1db: {  	v17 =	vsub.f32 $1.500000000e+00, v17;
	_ =	sdelay $0x1  }
0x1dc: {  	v11 =	vmul.f32 v17, v11;
	_ =	sdelay $0x1  }
0x1dd: {  	v14 =	vmul.f32 v11, v34;
	_ =	sdelay $0x1  }
0x1de: {  	v14 =	vmul.f32 v14, v11;
	_ =	sdelay $0x1  }
0x1df: {  	v14 =	vsub.f32 $1.500000000e+00, v14;
	_ =	sdelay $0x1  }
0x1e0: {  	v11 =	vmul.f32 v14, v11;
	_ =	sdelay $0x1  }
0x1e1: {  	v11 =	vmul.f32 v11, v0  }
0x1e2: {  	v37 =	vld [tilespmem:$0x1FFE0];
	vm0 =	vgt.f32 v0, $0.0e+00  }
0x1e3: {  	v0 =	vnsel vm0, $0x0, v11  }
0x1e4: {  	v25 =	vld [tilespmem:$0x1FA20];
	v11 =	vadd.f32 $1.000000000e+00, v0  }
0x1e5: {  	v38 =	vld [tilespmem:$0x1F9B0];
	[tilespmem:v5+s13+$0x0] =	vst.idx.msk $0xffff, v51  }
0x1e6: {  	v42 =	vld [tilespmem:$0x1F9D0];
	[tilespmem:v4+s13+$0x0] =	vst.idx.msk $0xffff, v52;
	(erf) = vrcp.f32 v11  }
0x1e7: {  	[tilespmem:v3+s13+$0x0] =	vst.idx.msk $0xffff, v19;
	v41 =	vld [tilespmem:$0x1F9C0]  }
0x1e8: {  	v50 =	vld [tilespmem:$0x1F9F0];
	[tilespmem:v2+s13+$0x0] =	vst.idx.msk $0xffff, v53  }
0x1e9: {  	s24 =	sshra.s32 s23, $0x2;
	v52 =	vld [tilespmem:$0x1FA00];
	[tilespmem:v1+s13+$0x0] =	vst.idx.msk $0xffff, v56  }
0x1ea: {  	v45 =	vld [tilespmem:$0x1F9E0];
	[tilespmem:v37+s24+$0x0 ss:$0x1] =	vst.idx.msk $0xffff, v0  }
0x1eb: {  	v11 =	vld.idx.msk [tilespmem:v8+s13+$0x0], $0xffff  }
0x1ec: {  	v57 =	vld [tilespmem:$0x1FA10]  }
0x1ed: {  	v39 =	vld.idx.msk [tilespmem:v38+s13+$0x0], $0xffff  }
0x1ee: {  	v29 =	vld [tilespmem:$0x1FA30]  }
0x1ef: {  	v16 =	vld.idx.msk [tilespmem:v41+s13+$0x0], $0xffff;
	v0 =	vpop (erf)  }
0x1f0: {  	v35 =	vld [tilespmem:$0x1FA40];
	v11 =	vmul.f32 v0, v11  }
0x1f1: {  	v43 =	vld.idx.msk [tilespmem:v42+s13+$0x0], $0xffff  }
0x1f2: {  	v46 =	vld.idx.msk [tilespmem:v45+s13+$0x0], $0xffff;
	v49 =	vmul.f32 v0, v39;
	[tilespmem:v8+s13+$0x0] =	vst.idx.msk $0xffff, v11  }
0x1f3: {  	v11 =	vld.idx.msk [tilespmem:v50+s13+$0x0], $0xffff  }
0x1f4: {  	v51 =	vmul.f32 v0, v16;
	v39 =	vld [tilespmem:$0x1FA50];
	[tilespmem:v38+s13+$0x0] =	vst.idx.msk $0xffff, v49  }
0x1f5: {  	v53 =	vld.idx.msk [tilespmem:v52+s13+$0x0], $0xffff  }
0x1f6: {  	v56 =	vmul.f32 v0, v43;
	v43 =	vld [tilespmem:$0x1FA60];
	[tilespmem:v41+s13+$0x0] =	vst.idx.msk $0xffff, v51  }
0x1f7: {  	v24 =	vmul.f32 v0, v46;
	v60 =	vld.idx.msk [tilespmem:v57+s13+$0x0], $0xffff  }
0x1f8: {  	v49 =	vld [tilespmem:$0x1FA70];
	[tilespmem:v42+s13+$0x0] =	vst.idx.msk $0xffff, v56;
	v28 =	vmul.f32 v0, v11  }
0x1f9: {  	v26 =	vld.idx.msk [tilespmem:v25+s13+$0x0], $0xffff;
	[tilespmem:v45+s13+$0x0] =	vst.idx.msk $0xffff, v24  }
0x1fa: {  	v33 =	vld.idx.msk [tilespmem:v29+s13+$0x0], $0xffff;
	v34 =	vmul.f32 v0, v53;
	[tilespmem:v50+s13+$0x0] =	vst.idx.msk $0xffff, v28  }
0x1fb: {  	v37 =	vld.idx.msk [tilespmem:v35+s13+$0x0], $0xffff  }
0x1fc: {  	v38 =	vmul.f32 v0, v60;
	[tilespmem:v52+s13+$0x0] =	vst.idx.msk $0xffff, v34;
	v52 =	vld [tilespmem:$0x1FA80]  }
0x1fd: {  	v41 =	vld.idx.msk [tilespmem:v39+s13+$0x0], $0xffff  }
0x1fe: {  	v42 =	vmul.f32 v0, v26;
	[tilespmem:v57+s13+$0x0] =	vst.idx.msk $0xffff, v38;
	v57 =	vld [tilespmem:$0x1FA90]  }
0x1ff: {  	v45 =	vld.idx.msk [tilespmem:v43+s13+$0x0], $0xffff  }
0x200: {  	[tilespmem:v25+s13+$0x0] =	vst.idx.msk $0xffff, v42;
	v25 =	vld [tilespmem:$0x1FAA0]  }
0x201: {  	v46 =	vmul.f32 v0, v33  }
0x202: {  	v50 =	vld.idx.msk [tilespmem:v49+s13+$0x0], $0xffff  }
0x203: {  	[tilespmem:v29+s13+$0x0] =	vst.idx.msk $0xffff, v46;
	v29 =	vld [tilespmem:$0x1FAB0];
	v51 =	vmul.f32 v0, v37  }
0x204: {  	v53 =	vld.idx.msk [tilespmem:v52+s13+$0x0], $0xffff  }
0x205: {  	v56 =	vmul.f32 v0, v41;
	[tilespmem:v35+s13+$0x0] =	vst.idx.msk $0xffff, v51;
	v35 =	vld [tilespmem:$0x1FAC0]  }
0x206: {  	v60 =	vld.idx.msk [tilespmem:v57+s13+$0x0], $0xffff  }
0x207: {  	v24 =	vmul.f32 v45, v0;
	[tilespmem:v39+s13+$0x0] =	vst.idx.msk $0xffff, v56;
	v39 =	vld [tilespmem:$0x1FAD0]  }
0x208: {  	v26 =	vld.idx.msk [tilespmem:v25+s13+$0x0], $0xffff  }
0x209: {  	[tilespmem:v43+s13+$0x0] =	vst.idx.msk $0xffff, v24;
	v43 =	vld [tilespmem:$0x1FAE0]  }
0x20a: {  	v28 =	vmul.f32 v50, v0  }
0x20b: {  	v33 =	vld.idx.msk [tilespmem:v29+s13+$0x0], $0xffff  }
0x20c: {  	[tilespmem:v49+s13+$0x0] =	vst.idx.msk $0xffff, v28;
	v49 =	vld [tilespmem:$0x1FAF0];
	v34 =	vmul.f32 v53, v0  }
0x20d: {  	v37 =	vld.idx.msk [tilespmem:v35+s13+$0x0], $0xffff  }
0x20e: {  	v38 =	vmul.f32 v60, v0;
	[tilespmem:v52+s13+$0x0] =	vst.idx.msk $0xffff, v34;
	v52 =	vld [tilespmem:$0x1FB00]  }
0x20f: {  	v41 =	vld.idx.msk [tilespmem:v39+s13+$0x0], $0xffff  }
0x210: {  	v42 =	vmul.f32 v26, v0;
	[tilespmem:v57+s13+$0x0] =	vst.idx.msk $0xffff, v38;
	v57 =	vld [tilespmem:$0x1FB10]  }
0x211: {  	v45 =	vld.idx.msk [tilespmem:v43+s13+$0x0], $0xffff  }
0x212: {  	[tilespmem:v25+s13+$0x0] =	vst.idx.msk $0xffff, v42;
	v25 =	vld [tilespmem:$0x1FB20]  }
0x213: {  	v46 =	vmul.f32 v33, v0  }
0x214: {  	v50 =	vld.idx.msk [tilespmem:v49+s13+$0x0], $0xffff  }
0x215: {  	[tilespmem:v29+s13+$0x0] =	vst.idx.msk $0xffff, v46;
	v29 =	vld [tilespmem:$0x1FB30];
	v51 =	vmul.f32 v37, v0  }
0x216: {  	v53 =	vld.idx.msk [tilespmem:v52+s13+$0x0], $0xffff  }
0x217: {  	v56 =	vmul.f32 v41, v0;
	[tilespmem:v35+s13+$0x0] =	vst.idx.msk $0xffff, v51;
	v35 =	vld [tilespmem:$0x1FB40]  }
0x218: {  	v60 =	vld.idx.msk [tilespmem:v57+s13+$0x0], $0xffff  }
0x219: {  	v24 =	vmul.f32 v45, v0;
	[tilespmem:v39+s13+$0x0] =	vst.idx.msk $0xffff, v56;
	v39 =	vld [tilespmem:$0x1FB50]  }
0x21a: {  	v26 =	vld.idx.msk [tilespmem:v25+s13+$0x0], $0xffff  }
0x21b: {  	[tilespmem:v43+s13+$0x0] =	vst.idx.msk $0xffff, v24;
	v43 =	vld [tilespmem:$0x1FB60]  }
0x21c: {  	v28 =	vmul.f32 v50, v0  }
0x21d: {  	v33 =	vld.idx.msk [tilespmem:v29+s13+$0x0], $0xffff  }
0x21e: {  	[tilespmem:v49+s13+$0x0] =	vst.idx.msk $0xffff, v28;
	v49 =	vld [tilespmem:$0x1FB70];
	v34 =	vmul.f32 v53, v0  }
0x21f: {  	v37 =	vld.idx.msk [tilespmem:v35+s13+$0x0], $0xffff  }
0x220: {  	v38 =	vmul.f32 v60, v0;
	[tilespmem:v52+s13+$0x0] =	vst.idx.msk $0xffff, v34;
	v52 =	vld [tilespmem:$0x1FB80]  }
0x221: {  	v41 =	vld.idx.msk [tilespmem:v39+s13+$0x0], $0xffff  }
0x222: {  	v42 =	vmul.f32 v26, v0;
	[tilespmem:v57+s13+$0x0] =	vst.idx.msk $0xffff, v38;
	v57 =	vld [tilespmem:$0x1FB90]  }
0x223: {  	v45 =	vld.idx.msk [tilespmem:v43+s13+$0x0], $0xffff  }
0x224: {  	[tilespmem:v25+s13+$0x0] =	vst.idx.msk $0xffff, v42;
	v25 =	vld [tilespmem:$0x1FBA0]  }
0x225: {  	v46 =	vmul.f32 v33, v0  }
0x226: {  	v50 =	vld.idx.msk [tilespmem:v49+s13+$0x0], $0xffff  }
0x227: {  	[tilespmem:v29+s13+$0x0] =	vst.idx.msk $0xffff, v46;
	v29 =	vld [tilespmem:$0x1FBB0];
	v51 =	vmul.f32 v37, v0  }
0x228: {  	v53 =	vld.idx.msk [tilespmem:v52+s13+$0x0], $0xffff  }
0x229: {  	v56 =	vmul.f32 v41, v0;
	[tilespmem:v35+s13+$0x0] =	vst.idx.msk $0xffff, v51;
	v35 =	vld [tilespmem:$0x1FBC0]  }
0x22a: {  	v60 =	vld.idx.msk [tilespmem:v57+s13+$0x0], $0xffff  }
0x22b: {  	v24 =	vmul.f32 v45, v0;
	[tilespmem:v39+s13+$0x0] =	vst.idx.msk $0xffff, v56;
	v39 =	vld [tilespmem:$0x1FBD0]  }
0x22c: {  	v26 =	vld.idx.msk [tilespmem:v25+s13+$0x0], $0xffff  }
0x22d: {  	[tilespmem:v43+s13+$0x0] =	vst.idx.msk $0xffff, v24;
	v43 =	vld [tilespmem:$0x1FBE0]  }
0x22e: {  	v28 =	vmul.f32 v50, v0  }
0x22f: {  	v33 =	vld.idx.msk [tilespmem:v29+s13+$0x0], $0xffff  }
0x230: {  	[tilespmem:v49+s13+$0x0] =	vst.idx.msk $0xffff, v28;
	v49 =	vld [tilespmem:$0x1FBF0];
	v34 =	vmul.f32 v53, v0  }
0x231: {  	v37 =	vld.idx.msk [tilespmem:v35+s13+$0x0], $0xffff  }
0x232: {  	v38 =	vmul.f32 v60, v0;
	[tilespmem:v52+s13+$0x0] =	vst.idx.msk $0xffff, v34;
	v52 =	vld [tilespmem:$0x1FC00]  }
0x233: {  	v41 =	vld.idx.msk [tilespmem:v39+s13+$0x0], $0xffff  }
0x234: {  	v42 =	vmul.f32 v26, v0;
	[tilespmem:v57+s13+$0x0] =	vst.idx.msk $0xffff, v38;
	v57 =	vld [tilespmem:$0x1FC10]  }
0x235: {  	v45 =	vld.idx.msk [tilespmem:v43+s13+$0x0], $0xffff  }
0x236: {  	[tilespmem:v25+s13+$0x0] =	vst.idx.msk $0xffff, v42;
	v25 =	vld [tilespmem:$0x1FC20]  }
0x237: {  	v46 =	vmul.f32 v33, v0  }
0x238: {  	v50 =	vld.idx.msk [tilespmem:v49+s13+$0x0], $0xffff  }
0x239: {  	[tilespmem:v29+s13+$0x0] =	vst.idx.msk $0xffff, v46;
	v29 =	vld [tilespmem:$0x1FC30];
	v51 =	vmul.f32 v37, v0  }
0x23a: {  	v53 =	vld.idx.msk [tilespmem:v52+s13+$0x0], $0xffff  }
0x23b: {  	v56 =	vmul.f32 v41, v0;
	[tilespmem:v35+s13+$0x0] =	vst.idx.msk $0xffff, v51;
	v35 =	vld [tilespmem:$0x1FC40]  }
0x23c: {  	v60 =	vld.idx.msk [tilespmem:v57+s13+$0x0], $0xffff  }
0x23d: {  	v24 =	vmul.f32 v45, v0;
	[tilespmem:v39+s13+$0x0] =	vst.idx.msk $0xffff, v56;
	v39 =	vld [tilespmem:$0x1FC50]  }
0x23e: {  	v26 =	vld.idx.msk [tilespmem:v25+s13+$0x0], $0xffff  }
0x23f: {  	[tilespmem:v43+s13+$0x0] =	vst.idx.msk $0xffff, v24;
	v43 =	vld [tilespmem:$0x1FC60]  }
0x240: {  	v28 =	vmul.f32 v50, v0  }
0x241: {  	v33 =	vld.idx.msk [tilespmem:v29+s13+$0x0], $0xffff  }
0x242: {  	[tilespmem:v49+s13+$0x0] =	vst.idx.msk $0xffff, v28;
	v49 =	vld [tilespmem:$0x1FC70];
	v34 =	vmul.f32 v53, v0  }
0x243: {  	v37 =	vld.idx.msk [tilespmem:v35+s13+$0x0], $0xffff  }
0x244: {  	v38 =	vmul.f32 v60, v0;
	[tilespmem:v52+s13+$0x0] =	vst.idx.msk $0xffff, v34;
	v52 =	vld [tilespmem:$0x1FC80]  }
0x245: {  	v41 =	vld.idx.msk [tilespmem:v39+s13+$0x0], $0xffff  }
0x246: {  	v42 =	vmul.f32 v26, v0;
	[tilespmem:v57+s13+$0x0] =	vst.idx.msk $0xffff, v38;
	v57 =	vld [tilespmem:$0x1FC90]  }
0x247: {  	v45 =	vld.idx.msk [tilespmem:v43+s13+$0x0], $0xffff  }
0x248: {  	[tilespmem:v25+s13+$0x0] =	vst.idx.msk $0xffff, v42;
	v25 =	vld [tilespmem:$0x1FCA0]  }
0x249: {  	v46 =	vmul.f32 v33, v0  }
0x24a: {  	v50 =	vld.idx.msk [tilespmem:v49+s13+$0x0], $0xffff  }
0x24b: {  	[tilespmem:v29+s13+$0x0] =	vst.idx.msk $0xffff, v46;
	v29 =	vld [tilespmem:$0x1FCB0];
	v51 =	vmul.f32 v37, v0  }
0x24c: {  	v53 =	vld.idx.msk [tilespmem:v52+s13+$0x0], $0xffff  }
0x24d: {  	v56 =	vmul.f32 v41, v0;
	[tilespmem:v35+s13+$0x0] =	vst.idx.msk $0xffff, v51;
	v35 =	vld [tilespmem:$0x1FCC0]  }
0x24e: {  	v60 =	vld.idx.msk [tilespmem:v57+s13+$0x0], $0xffff  }
0x24f: {  	v24 =	vmul.f32 v45, v0;
	[tilespmem:v39+s13+$0x0] =	vst.idx.msk $0xffff, v56;
	v39 =	vld [tilespmem:$0x1FCD0]  }
0x250: {  	v26 =	vld.idx.msk [tilespmem:v25+s13+$0x0], $0xffff  }
0x251: {  	[tilespmem:v43+s13+$0x0] =	vst.idx.msk $0xffff, v24;
	v43 =	vld [tilespmem:$0x1FCE0]  }
0x252: {  	v28 =	vmul.f32 v50, v0  }
0x253: {  	v33 =	vld.idx.msk [tilespmem:v29+s13+$0x0], $0xffff  }
0x254: {  	[tilespmem:v49+s13+$0x0] =	vst.idx.msk $0xffff, v28;
	v49 =	vld [tilespmem:$0x1FCF0];
	v34 =	vmul.f32 v53, v0  }
0x255: {  	v37 =	vld.idx.msk [tilespmem:v35+s13+$0x0], $0xffff  }
0x256: {  	v38 =	vmul.f32 v60, v0;
	[tilespmem:v52+s13+$0x0] =	vst.idx.msk $0xffff, v34;
	v52 =	vld [tilespmem:$0x1FD00]  }
0x257: {  	v41 =	vld.idx.msk [tilespmem:v39+s13+$0x0], $0xffff  }
0x258: {  	v42 =	vmul.f32 v26, v0;
	[tilespmem:v57+s13+$0x0] =	vst.idx.msk $0xffff, v38;
	v57 =	vld [tilespmem:$0x1FD10]  }
0x259: {  	v45 =	vld.idx.msk [tilespmem:v43+s13+$0x0], $0xffff  }
0x25a: {  	[tilespmem:v25+s13+$0x0] =	vst.idx.msk $0xffff, v42;
	v25 =	vld [tilespmem:$0x1FD20]  }
0x25b: {  	v46 =	vmul.f32 v33, v0  }
0x25c: {  	v50 =	vld.idx.msk [tilespmem:v49+s13+$0x0], $0xffff  }
0x25d: {  	[tilespmem:v29+s13+$0x0] =	vst.idx.msk $0xffff, v46;
	v29 =	vld [tilespmem:$0x1FD30];
	v51 =	vmul.f32 v37, v0  }
0x25e: {  	v53 =	vld.idx.msk [tilespmem:v52+s13+$0x0], $0xffff  }
0x25f: {  	v56 =	vmul.f32 v41, v0;
	[tilespmem:v35+s13+$0x0] =	vst.idx.msk $0xffff, v51;
	v35 =	vld [tilespmem:$0x1FD40]  }
0x260: {  	v60 =	vld.idx.msk [tilespmem:v57+s13+$0x0], $0xffff  }
0x261: {  	v24 =	vmul.f32 v45, v0;
	[tilespmem:v39+s13+$0x0] =	vst.idx.msk $0xffff, v56;
	v39 =	vld [tilespmem:$0x1FD50]  }
0x262: {  	v26 =	vld.idx.msk [tilespmem:v25+s13+$0x0], $0xffff  }
0x263: {  	[tilespmem:v43+s13+$0x0] =	vst.idx.msk $0xffff, v24;
	v43 =	vld [tilespmem:$0x1FD60]  }
0x264: {  	v28 =	vmul.f32 v50, v0  }
0x265: {  	v33 =	vld.idx.msk [tilespmem:v29+s13+$0x0], $0xffff  }
0x266: {  	[tilespmem:v49+s13+$0x0] =	vst.idx.msk $0xffff, v28;
	v49 =	vld [tilespmem:$0x1FD70];
	v34 =	vmul.f32 v53, v0  }
0x267: {  	v37 =	vld.idx.msk [tilespmem:v35+s13+$0x0], $0xffff  }
0x268: {  	v38 =	vmul.f32 v60, v0;
	[tilespmem:v52+s13+$0x0] =	vst.idx.msk $0xffff, v34;
	v52 =	vld [tilespmem:$0x1FD80]  }
0x269: {  	v41 =	vld.idx.msk [tilespmem:v39+s13+$0x0], $0xffff  }
0x26a: {  	v42 =	vmul.f32 v26, v0;
	[tilespmem:v57+s13+$0x0] =	vst.idx.msk $0xffff, v38;
	v57 =	vld [tilespmem:$0x1FD90]  }
0x26b: {  	v45 =	vld.idx.msk [tilespmem:v43+s13+$0x0], $0xffff  }
0x26c: {  	[tilespmem:v25+s13+$0x0] =	vst.idx.msk $0xffff, v42;
	v25 =	vld [tilespmem:$0x1FDA0]  }
0x26d: {  	v46 =	vmul.f32 v33, v0  }
0x26e: {  	v50 =	vld.idx.msk [tilespmem:v49+s13+$0x0], $0xffff  }
0x26f: {  	[tilespmem:v29+s13+$0x0] =	vst.idx.msk $0xffff, v46;
	v29 =	vld [tilespmem:$0x1FDB0];
	v51 =	vmul.f32 v37, v0  }
0x270: {  	v53 =	vld.idx.msk [tilespmem:v52+s13+$0x0], $0xffff  }
0x271: {  	v56 =	vmul.f32 v41, v0;
	[tilespmem:v35+s13+$0x0] =	vst.idx.msk $0xffff, v51;
	v35 =	vld [tilespmem:$0x1FDC0]  }
0x272: {  	v60 =	vld.idx.msk [tilespmem:v57+s13+$0x0], $0xffff  }
0x273: {  	v24 =	vmul.f32 v45, v0;
	[tilespmem:v39+s13+$0x0] =	vst.idx.msk $0xffff, v56;
	v39 =	vld [tilespmem:$0x1FDD0]  }
0x274: {  	v26 =	vld.idx.msk [tilespmem:v25+s13+$0x0], $0xffff  }
0x275: {  	[tilespmem:v43+s13+$0x0] =	vst.idx.msk $0xffff, v24;
	v43 =	vld [tilespmem:$0x1FDE0]  }
0x276: {  	v28 =	vmul.f32 v50, v0  }
0x277: {  	v33 =	vld.idx.msk [tilespmem:v29+s13+$0x0], $0xffff  }
0x278: {  	[tilespmem:v49+s13+$0x0] =	vst.idx.msk $0xffff, v28;
	v49 =	vld [tilespmem:$0x1FDF0];
	v34 =	vmul.f32 v53, v0  }
0x279: {  	v37 =	vld.idx.msk [tilespmem:v35+s13+$0x0], $0xffff  }
0x27a: {  	v38 =	vmul.f32 v60, v0;
	[tilespmem:v52+s13+$0x0] =	vst.idx.msk $0xffff, v34;
	v52 =	vld [tilespmem:$0x1FE00]  }
0x27b: {  	v41 =	vld.idx.msk [tilespmem:v39+s13+$0x0], $0xffff  }
0x27c: {  	v42 =	vmul.f32 v26, v0;
	[tilespmem:v57+s13+$0x0] =	vst.idx.msk $0xffff, v38;
	v57 =	vld [tilespmem:$0x1FE10]  }
0x27d: {  	v45 =	vld.idx.msk [tilespmem:v43+s13+$0x0], $0xffff  }
0x27e: {  	[tilespmem:v25+s13+$0x0] =	vst.idx.msk $0xffff, v42;
	v25 =	vld [tilespmem:$0x1FE20]  }
0x27f: {  	v46 =	vmul.f32 v33, v0  }
0x280: {  	v50 =	vld.idx.msk [tilespmem:v49+s13+$0x0], $0xffff  }
0x281: {  	[tilespmem:v29+s13+$0x0] =	vst.idx.msk $0xffff, v46;
	v29 =	vld [tilespmem:$0x1FE30];
	v51 =	vmul.f32 v37, v0  }
0x282: {  	v53 =	vld.idx.msk [tilespmem:v52+s13+$0x0], $0xffff  }
0x283: {  	v56 =	vmul.f32 v41, v0;
	[tilespmem:v35+s13+$0x0] =	vst.idx.msk $0xffff, v51;
	v35 =	vld [tilespmem:$0x1FE40]  }
0x284: {  	v60 =	vld.idx.msk [tilespmem:v57+s13+$0x0], $0xffff  }
0x285: {  	v24 =	vmul.f32 v45, v0;
	[tilespmem:v39+s13+$0x0] =	vst.idx.msk $0xffff, v56;
	v39 =	vld [tilespmem:$0x1FE50]  }
0x286: {  	v26 =	vld.idx.msk [tilespmem:v25+s13+$0x0], $0xffff  }
0x287: {  	[tilespmem:v43+s13+$0x0] =	vst.idx.msk $0xffff, v24;
	v43 =	vld [tilespmem:$0x1FE60]  }
0x288: {  	v28 =	vmul.f32 v50, v0  }
0x289: {  	v33 =	vld.idx.msk [tilespmem:v29+s13+$0x0], $0xffff  }
0x28a: {  	[tilespmem:v49+s13+$0x0] =	vst.idx.msk $0xffff, v28;
	v49 =	vld [tilespmem:$0x1FE70];
	v34 =	vmul.f32 v53, v0  }
0x28b: {  	v37 =	vld.idx.msk [tilespmem:v35+s13+$0x0], $0xffff  }
0x28c: {  	v38 =	vmul.f32 v60, v0;
	[tilespmem:v52+s13+$0x0] =	vst.idx.msk $0xffff, v34;
	v52 =	vld [tilespmem:$0x1FE80]  }
0x28d: {  	v41 =	vld.idx.msk [tilespmem:v39+s13+$0x0], $0xffff  }
0x28e: {  	v42 =	vmul.f32 v26, v0;
	[tilespmem:v57+s13+$0x0] =	vst.idx.msk $0xffff, v38;
	v57 =	vld [tilespmem:$0x1FE90]  }
0x28f: {  	v45 =	vld.idx.msk [tilespmem:v43+s13+$0x0], $0xffff  }
0x290: {  	[tilespmem:v25+s13+$0x0] =	vst.idx.msk $0xffff, v42;
	v25 =	vld [tilespmem:$0x1FEA0]  }
0x291: {  	v46 =	vmul.f32 v33, v0  }
0x292: {  	v50 =	vld.idx.msk [tilespmem:v49+s13+$0x0], $0xffff  }
0x293: {  	[tilespmem:v29+s13+$0x0] =	vst.idx.msk $0xffff, v46;
	v29 =	vld [tilespmem:$0x1FEB0];
	v51 =	vmul.f32 v37, v0  }
0x294: {  	v53 =	vld.idx.msk [tilespmem:v52+s13+$0x0], $0xffff  }
0x295: {  	v56 =	vmul.f32 v41, v0;
	[tilespmem:v35+s13+$0x0] =	vst.idx.msk $0xffff, v51;
	v35 =	vld [tilespmem:$0x1FEC0]  }
0x296: {  	v60 =	vld.idx.msk [tilespmem:v57+s13+$0x0], $0xffff  }
0x297: {  	v24 =	vmul.f32 v45, v0;
	[tilespmem:v39+s13+$0x0] =	vst.idx.msk $0xffff, v56;
	v39 =	vld [tilespmem:$0x1FED0]  }
0x298: {  	v26 =	vld.idx.msk [tilespmem:v25+s13+$0x0], $0xffff  }
0x299: {  	[tilespmem:v43+s13+$0x0] =	vst.idx.msk $0xffff, v24;
	v43 =	vld [tilespmem:$0x1FEE0]  }
0x29a: {  	v28 =	vmul.f32 v50, v0;
	v24 =	vld [tilespmem:$0x1FF20]  }
0x29b: {  	v33 =	vld.idx.msk [tilespmem:v29+s13+$0x0], $0xffff  }
0x29c: {  	[tilespmem:v49+s13+$0x0] =	vst.idx.msk $0xffff, v28;
	v49 =	vld [tilespmem:$0x1FEF0];
	v34 =	vmul.f32 v53, v0  }
0x29d: {  	v37 =	vld.idx.msk [tilespmem:v35+s13+$0x0], $0xffff  }
0x29e: {  	v38 =	vmul.f32 v60, v0;
	[tilespmem:v52+s13+$0x0] =	vst.idx.msk $0xffff, v34;
	v52 =	vld [tilespmem:$0x1FF00]  }
0x29f: {  	v41 =	vld.idx.msk [tilespmem:v39+s13+$0x0], $0xffff  }
0x2a0: {  	[tilespmem:v57+s13+$0x0] =	vst.idx.msk $0xffff, v38;
	v57 =	vld [tilespmem:$0x1FF10]  }
0x2a1: {  	v28 =	vld [tilespmem:$0x1FF30]  }
0x2a2: {  	v34 =	vld [tilespmem:$0x1FF40]  }
0x2a3: {  	v42 =	vmul.f32 v26, v0;
	v38 =	vld [tilespmem:$0x1FF50]  }
0x2a4: {  	v46 =	vmul.f32 v33, v0;
	v45 =	vld.idx.msk [tilespmem:v43+s13+$0x0], $0xffff  }
0x2a5: {  	[tilespmem:v25+s13+$0x0] =	vst.idx.msk $0xffff, v42;
	v42 =	vld [tilespmem:$0x1FF60];
	v51 =	vmul.f32 v37, v0  }
0x2a6: {  	v50 =	vld.idx.msk [tilespmem:v49+s13+$0x0], $0xffff;
	[tilespmem:v29+s13+$0x0] =	vst.idx.msk $0xffff, v46  }
0x2a7: {  	v56 =	vmul.f32 v41, v0;
	v53 =	vld.idx.msk [tilespmem:v52+s13+$0x0], $0xffff;
	[tilespmem:v35+s13+$0x0] =	vst.idx.msk $0xffff, v51  }
0x2a8: {  	v60 =	vld.idx.msk [tilespmem:v57+s13+$0x0], $0xffff  }
0x2a9: {  	v46 =	vld [tilespmem:$0x1FF70];
	v23 =	vmul.f32 v45, v0;
	[tilespmem:v39+s13+$0x0] =	vst.idx.msk $0xffff, v56  }
0x2aa: {  	v25 =	vld.idx.msk [tilespmem:v24+s13+$0x0], $0xffff  }
0x2ab: {  	v26 =	vmul.f32 v50, v0;
	v51 =	vld [tilespmem:$0x1FF80];
	[tilespmem:v43+s13+$0x0] =	vst.idx.msk $0xffff, v23  }
0x2ac: {  	v29 =	vld.idx.msk [tilespmem:v28+s13+$0x0], $0xffff;
	v33 =	vmul.f32 v53, v0  }
0x2ad: {  	v56 =	vld [tilespmem:$0x1FF90];
	[tilespmem:v49+s13+$0x0] =	vst.idx.msk $0xffff, v26;
	v37 =	vmul.f32 v60, v0  }
0x2ae: {  	v35 =	vld.idx.msk [tilespmem:v34+s13+$0x0], $0xffff;
	[tilespmem:v52+s13+$0x0] =	vst.idx.msk $0xffff, v33  }
0x2af: {  	v41 =	vmul.f32 v25, v0;
	v39 =	vld.idx.msk [tilespmem:v38+s13+$0x0], $0xffff;
	[tilespmem:v57+s13+$0x0] =	vst.idx.msk $0xffff, v37  }
0x2b0: {  	v43 =	vld.idx.msk [tilespmem:v42+s13+$0x0], $0xffff  }
0x2b1: {  	v45 =	vmul.f32 v29, v0;
	[tilespmem:v24+s13+$0x0] =	vst.idx.msk $0xffff, v41;
	v24 =	vld [tilespmem:$0x1FFA0]  }
0x2b2: {  	v49 =	vld.idx.msk [tilespmem:v46+s13+$0x0], $0xffff  }
0x2b3: {  	[tilespmem:v28+s13+$0x0] =	vst.idx.msk $0xffff, v45;
	v28 =	vld [tilespmem:$0x1FFB0]  }
0x2b4: {  	v50 =	vmul.f32 v35, v0  }
0x2b5: {  	v52 =	vld.idx.msk [tilespmem:v51+s13+$0x0], $0xffff  }
0x2b6: {  	[tilespmem:v34+s13+$0x0] =	vst.idx.msk $0xffff, v50;
	v34 =	vld [tilespmem:$0x1FFC0];
	v53 =	vmul.f32 v39, v0  }
0x2b7: {  	v57 =	vld.idx.msk [tilespmem:v56+s13+$0x0], $0xffff  }
0x2b8: {  	v60 =	vmul.f32 v43, v0;
	[tilespmem:v38+s13+$0x0] =	vst.idx.msk $0xffff, v53;
	v38 =	vld [tilespmem:$0x1FFD0];
	_ =	sdelay $0x1  }
0x2b9: {  	v25 =	vld.idx.msk [tilespmem:v24+s13+$0x0], $0xffff;
	[tilespmem:v42+s13+$0x0] =	vst.idx.msk $0xffff, v60  }
0x2ba: {  	v29 =	vld.idx.msk [tilespmem:v28+s13+$0x0], $0xffff  }
0x2bb: {  	v26 =	vmul.f32 v49, v0  }
0x2bc: {  	v33 =	vmul.f32 v52, v0  }
0x2bd: {  	v37 =	vmul.f32 v57, v0;
	[tilespmem:v46+s13+$0x0] =	vst.idx.msk $0xffff, v26  }
0x2be: {  	v35 =	vld.idx.msk [tilespmem:v34+s13+$0x0], $0xffff;
	[tilespmem:v51+s13+$0x0] =	vst.idx.msk $0xffff, v33;
	v41 =	vmul.f32 v25, v0  }
0x2bf: {  	v39 =	vld.idx.msk [tilespmem:v38+s13+$0x0], $0xffff;
	[tilespmem:v56+s13+$0x0] =	vst.idx.msk $0xffff, v37;
	v43 =	vmul.f32 v29, v0  }
0x2c0: {  	v42 =	vld.idx.msk [tilespmem:v58+s13+$0x0], $0xffff;
	[tilespmem:v24+s13+$0x0] =	vst.idx.msk $0xffff, v41  }
0x2c1: {  	v45 =	vld.idx.msk [tilespmem:v55+s13+$0x0], $0xffff;
	[tilespmem:v28+s13+$0x0] =	vst.idx.msk $0xffff, v43  }
0x2c2: {  	v49 =	vld.idx.msk [tilespmem:v47+s13+$0x0], $0xffff  }
0x2c3: {  	v46 =	vmul.f32 v35, v0  }
0x2c4: {  	v50 =	vmul.f32 v39, v0  }
0x2c5: {  	[tilespmem:v34+s13+$0x0] =	vst.idx.msk $0xffff, v46;
	v52 =	vmul.f32 v42, v0  }
0x2c6: {  	v51 =	vld.idx.msk [tilespmem:v63+s13+$0x0], $0xffff;
	[tilespmem:v38+s13+$0x0] =	vst.idx.msk $0xffff, v50;
	v56 =	vmul.f32 v45, v0  }
0x2c7: {  	v53 =	vld.idx.msk [tilespmem:v61+s13+$0x0], $0xffff;
	[tilespmem:v58+s13+$0x0] =	vst.idx.msk $0xffff, v52;
	v58 =	vmul.f32 v49, v0  }
0x2c8: {  	v57 =	vld.idx.msk [tilespmem:v59+s13+$0x0], $0xffff;
	[tilespmem:v55+s13+$0x0] =	vst.idx.msk $0xffff, v56  }
0x2c9: {  	v60 =	vld.idx.msk [tilespmem:v40+s13+$0x0], $0xffff;
	[tilespmem:v47+s13+$0x0] =	vst.idx.msk $0xffff, v58  }
0x2ca: {  	v21 =	vld.idx.msk [tilespmem:v54+s13+$0x0], $0xffff  }
0x2cb: {  	v20 =	vmul.f32 v51, v0  }
0x2cc: {  	v22 =	vmul.f32 v53, v0  }
0x2cd: {  	[tilespmem:v63+s13+$0x0] =	vst.idx.msk $0xffff, v20;
	v24 =	vmul.f32 v57, v0  }
0x2ce: {  	v23 =	vld.idx.msk [tilespmem:v32+s13+$0x0], $0xffff;
	[tilespmem:v61+s13+$0x0] =	vst.idx.msk $0xffff, v22;
	v26 =	vmul.f32 v60, v0  }
0x2cf: {  	v25 =	vld.idx.msk [tilespmem:v48+s13+$0x0], $0xffff;
	[tilespmem:v59+s13+$0x0] =	vst.idx.msk $0xffff, v24;
	v29 =	vmul.f32 v21, v0  }
0x2d0: {  	v28 =	vld.idx.msk [tilespmem:v62+s13+$0x0], $0xffff;
	[tilespmem:v40+s13+$0x0] =	vst.idx.msk $0xffff, v26  }
0x2d1: {  	v33 =	vld.idx.msk [tilespmem:v44+s13+$0x0], $0xffff;
	[tilespmem:v54+s13+$0x0] =	vst.idx.msk $0xffff, v29  }
0x2d2: {  	v35 =	vld.idx.msk [tilespmem:v15+s13+$0x0], $0xffff  }
0x2d3: {  	v34 =	vmul.f32 v23, v0  }
0x2d4: {  	v37 =	vmul.f32 v25, v0  }
0x2d5: {  	[tilespmem:v32+s13+$0x0] =	vst.idx.msk $0xffff, v34;
	v39 =	vmul.f32 v28, v0  }
0x2d6: {  	v38 =	vld.idx.msk [tilespmem:v36+s13+$0x0], $0xffff;
	[tilespmem:v48+s13+$0x0] =	vst.idx.msk $0xffff, v37;
	v41 =	vmul.f32 v33, v0  }
0x2d7: {  	v40 =	vld.idx.msk [tilespmem:v10+s13+$0x0], $0xffff;
	[tilespmem:v62+s13+$0x0] =	vst.idx.msk $0xffff, v39;
	v43 =	vmul.f32 v35, v0  }
0x2d8: {  	v42 =	vld.idx.msk [tilespmem:v30+s13+$0x0], $0xffff;
	[tilespmem:v44+s13+$0x0] =	vst.idx.msk $0xffff, v41  }
0x2d9: {  	v44 =	vld.idx.msk [tilespmem:v31+s13+$0x0], $0xffff;
	[tilespmem:v15+s13+$0x0] =	vst.idx.msk $0xffff, v43  }
0x2da: {  	v46 =	vld.idx.msk [tilespmem:v27+s13+$0x0], $0xffff  }
0x2db: {  	v45 =	vmul.f32 v38, v0  }
0x2dc: {  	v47 =	vmul.f32 v40, v0  }
0x2dd: {  	[tilespmem:v36+s13+$0x0] =	vst.idx.msk $0xffff, v45;
	v49 =	vmul.f32 v42, v0  }
0x2de: {  	v48 =	vld.idx.msk [tilespmem:v13+s13+$0x0], $0xffff;
	[tilespmem:v10+s13+$0x0] =	vst.idx.msk $0xffff, v47;
	v50 =	vmul.f32 v44, v0  }
0x2df: {  	v10 =	vld.idx.msk [tilespmem:v9+s13+$0x0], $0xffff;
	[tilespmem:v30+s13+$0x0] =	vst.idx.msk $0xffff, v49;
	v51 =	vmul.f32 v46, v0  }
0x2e0: {  	v15 =	vld.idx.msk [tilespmem:v12+s13+$0x0], $0xffff;
	[tilespmem:v31+s13+$0x0] =	vst.idx.msk $0xffff, v50  }
0x2e1: {  	v52 =	vld.idx.msk [tilespmem:v7+s13+$0x0], $0xffff;
	[tilespmem:v27+s13+$0x0] =	vst.idx.msk $0xffff, v51  }
0x2e2: {  	v54 =	vld.idx.msk [tilespmem:v6+s13+$0x0], $0xffff  }
0x2e3: {  	v53 =	vmul.f32 v48, v0  }
0x2e4: {  	v55 =	vmul.f32 v10, v0  }
0x2e5: {  	[tilespmem:v13+s13+$0x0] =	vst.idx.msk $0xffff, v53;
	v57 =	vmul.f32 v15, v0  }
0x2e6: {  	v56 =	vld.idx.msk [tilespmem:v5+s13+$0x0], $0xffff;
	[tilespmem:v9+s13+$0x0] =	vst.idx.msk $0xffff, v55;
	v58 =	vmul.f32 v52, v0  }
0x2e7: {  	v9 =	vld.idx.msk [tilespmem:v4+s13+$0x0], $0xffff;
	[tilespmem:v12+s13+$0x0] =	vst.idx.msk $0xffff, v57;
	v60 =	vmul.f32 v54, v0  }
0x2e8: {  	v59 =	vld.idx.msk [tilespmem:v3+s13+$0x0], $0xffff;
	[tilespmem:v7+s13+$0x0] =	vst.idx.msk $0xffff, v58  }
0x2e9: {  	v8 =	vld.idx.msk [tilespmem:v2+s13+$0x0], $0xffff;
	[tilespmem:v6+s13+$0x0] =	vst.idx.msk $0xffff, v60  }
0x2ea: {  	v6 =	vld.idx.msk [tilespmem:v1+s13+$0x0], $0xffff  }
0x2eb: {  	v61 =	vmul.f32 v56, v0  }
0x2ec: {  	p0 =	sne.s32 s23, $0x100;
	v9 =	vmul.f32 v9, v0  }
.Ltmp1:
0x2ed: {  	[tilespmem:v5+s13+$0x0] =	vst.idx.msk $0xffff, v61;
	v62 =	vmul.f32 v59, v0;
	(pc) =	sbr.rel @p0 .LBB2_5-.Ltmp1, $4  }
0x2ee: {  	[tilespmem:v4+s13+$0x0] =	vst.idx.msk $0xffff, v9;
	v63 =	vmul.f32 v8, v0  }
0x2ef: {  	[tilespmem:v3+s13+$0x0] =	vst.idx.msk $0xffff, v62;
	v0 =	vmul.f32 v6, v0  }
0x2f0: {  	[tilespmem:v2+s13+$0x0] =	vst.idx.msk $0xffff, v63  }
0x2f1: {  	s18 =	sadd.s32 $0x10, s18;
	s23 =	sadd.s32 $0x40, s23;
	[tilespmem:v1+s13+$0x0] =	vst.idx.msk $0xffff, v0;
	v1 =	vld [tilespmem:$0x1FFF0]  }
0x2f2: {  	s18 =	sshrl.u32 s21, $0x3;
	p0 =	slt.u32 s19, $0x7D  }
.Ltmp2:
0x2f3: {  	s31 =	sshll.u32 s21, $0x4;
	s18 =	sadd.s32 s3, s18;
	(pc) =	sbr.rel @p0 .LBB2_2-.Ltmp2, $4  }
0x2f4: {  	[hbm4b:s18+s6] =	stream.linear.scatter [tilespmem:s22], [sflag:$0x2], $0x50, $0x38;
	[tilespmem:$0xF000] =	vst v63  }
0x2f5: {  	s18 =	sadd.s32 s4, s31  }
0x2f6: {  	[hbm4b:s18+s6] =	stream.linear.scatter [tilespmem:s20], [sflag:$0x2], $0x2800, $0x38;
	[tilespmem:$0xF000] =	vst v63  }
0x2f7: {  	s20 =	smov.u32 s19  }
0x2f8: {  	s17 =	sadd.s32 $0x1, s17  }
0x2f9: {  	_ =	swait.ge [sflag:s16], $0x50;
	p0 =	sne.s32 s17, s9  }
.Ltmp3:
0x2fa: {  	[sflag:s16] =	ssyncset.done $0x0;
	(pc) =	sbr.rel @p0 .LBB2_1-.Ltmp3, $4  }
0x2fb: {  	[sflag:s16] =	ssyncadd.s32 $0xFFFFFFB0  }
0x2fc: {  	_ =	swait.ge [sflag:s16], $0x2800  }
0x2fd: {  	[sflag:s16] =	ssyncset.done $0x0  }
0x2fe: {  	[sflag:s16] =	ssyncadd.s32 $0xFFFFD800  }
0x2ff: {  	_ =	sfence.sel $0x180000  }
0x300: {  	[bflag:$0x0] =	sbarrier.arrive $0xFFFF  }
0x301: {  	p0 =	sne.s32 s0, $0x0;
	_ =	strace $0x90000047  }
0x302: {  	s0 =	sadd.s32 @!p0 $0x100000, s2;
	[bflag:$0x2] =	sbarrier.arrive $0xFFFF  }
0x303: {  	[sflag:s0] =	ssyncadd.tile.s32 @!p0 $0x1;
	_ =	shalt  }
.Lfunc_end2:
_tile_overlayer_lowered:
.L_overlay_start_2:
0x304: {  	(tag) =	ssettag $0x2  }
0x305: {  	s0 =	rddreg [dreg:$0x0];
	s2 =	stileid.u32  }
0x306: {  	s1 =	rddreg [dreg:$0x1];
	p0 =	sne.s32 s2, $0x0  }
0x307: {  	s3 =	rddreg [dreg:$0x2];
	[bflag:$0x3] =	sbarrier.arrive $0xFFFF;
	s2 =	simm.s32 @!p0 $0x1C03  }
0x308: {  	[timem:s3], [sflag:s2] =	dma.local @!p0 [hbm:s0], s1  }
0x309: {  	s0 =	simm.s32 @!p0 $0x3  }
0x30a: {  	_ =	swait.ge @!p0 [sflag:s0], s1  }
0x30b: {  	s1 =	ssub.s32 @!p0 $0x0, s1;
	[sflag:s0] =	ssyncset.done @!p0 $0x0  }
0x30c: {  	[sflag:s0] =	ssyncadd.s32 @!p0 s1  }
0x30d: {  	[bflag:$0x3] =	sbarrier.arrive $0xFFFF  }
0x30e: {  	_ =	shalt  }

</sc_bundles>
